<compile_context>
chip_gen: v7x
topology: tpu7x:2x2x1
jax: 0.10.2.dev20260603
libtpu: 0.0.44.dev20260713+nightly
codegen_flags: <defaults>
</compile_context>

<pallas_src>
import functools

import jax
import jax.numpy as jnp
from jax import lax
from jax.experimental import pallas as pl
from jax.experimental.pallas import tpu as pltpu
from jax.experimental.pallas import tpu_sc as plsc

N = 10000
E = 320000
C = 128

NC = 2
NS = 16
NW = NC * NS
CHUNK = 128
GK = 10
K = GK * 8
E_PAD = NW * K * CHUNK
N_ACC = 10112
ROWS_PER_TILE = N_ACC // NS
DEG_W = 16

_MESH = plsc.VectorSubcoreMesh(
    core_axis_name="c", subcore_axis_name="s", num_cores=NC, num_subcores=NS
)



EP = K * CHUNK
HR = 128
N_DEG = HR * CHUNK



@functools.partial(
    pl.kernel,
    out_type=jax.ShapeDtypeStruct((NC, N_DEG, CHUNK), jnp.float32),
    mesh=_MESH,
    scratch_types=[
        pltpu.VMEM((EP,), jnp.int32),
        pltpu.VMEM((HR, CHUNK), jnp.float32),
        pltpu.VMEM((1, CHUNK), jnp.int32),
        pltpu.VMEM((8, CHUNK), jnp.float32),
        pltpu.VMEM((512, CHUNK), jnp.float32),
        pltpu.VMEM_SHARED((HR, CHUNK), jnp.float32),
    ],
    compiler_params=pltpu.CompilerParams(needs_layout_passes=False),
)
def _deg_kernel(dst_hbm, zeros_hbm, out_hbm, dst_v, hist, ident, conv, outb, acc):
    cid = lax.axis_index("c")
    sid = lax.axis_index("s")
    wid = sid * NC + cid
    pltpu.sync_copy(dst_hbm.at[wid], dst_v)
    pltpu.sync_copy(zeros_hbm, hist)
    r8 = pl.multiple_of(sid * 8, 8)
    pltpu.sync_copy(zeros_hbm.at[pl.ds(r8, 8)], acc.at[pl.ds(r8, 8)])
    lanes = lax.iota(jnp.int32, 16)
    for c in range(8):
        ident[0, pl.ds(c * 16, 16)] = lanes + c * 16

    ones = jnp.full((16,), 1.0, jnp.float32)

    def body(i, carry):
        base = i * CHUNK
        for u in range(CHUNK // 16):
            idx = dst_v[pl.ds(base + u * 16, 16)]
            plsc.addupdate_scatter(hist, [idx >> 7, idx & 127], ones)
        return carry

    lax.fori_loop(0, K, body, 0)
    plsc.subcore_barrier()
    pltpu.sync_copy(hist, acc.at[ident.at[0]], add=True)
    plsc.subcore_barrier()
    pltpu.sync_copy(acc.at[pl.ds(r8, 8)], conv)
    zeros16i = jnp.zeros((16,), jnp.int32)
    for p in range(2):
        for j in range(32):
            g = p * 32 + j
            vals = conv[g // 8, pl.ds((g % 8) * 16, 16)]
            plsc.store_scatter(outb, [lanes + j * 16, zeros16i], vals)
        pltpu.sync_copy(
            outb, out_hbm.at[cid, pl.ds(sid * 1024 + p * 512, 512)]
        )


@functools.partial(
    pl.kernel,
    out_type=jax.ShapeDtypeStruct((NC, N_ACC, C), jnp.float32),
    mesh=_MESH,
    scratch_types=[
        pltpu.VMEM((3, 8, CHUNK), jnp.int32),
        pltpu.VMEM((3, 8, CHUNK), jnp.int32),
        pltpu.VMEM((2, CHUNK, C), jnp.float32),
        pltpu.VMEM_SHARED((N_ACC, C), jnp.float32),
        pltpu.SemaphoreType.DMA,
        pltpu.SemaphoreType.DMA,
        pltpu.SemaphoreType.DMA,
    ],
)
def _agg_kernel(y_hbm, src_hbm, dst_hbm, zeros_hbm, out_hbm,
                sgrp, dgrp, rows, acc, gsem, ssem, isem):
    cid = lax.axis_index("c")
    sid = lax.axis_index("s")
    wid = sid * NC + cid
    r0 = pl.multiple_of(sid * ROWS_PER_TILE, 8)
    pltpu.sync_copy(
        zeros_hbm.at[pl.ds(r0, ROWS_PER_TILE)], acc.at[pl.ds(r0, ROWS_PER_TILE)]
    )
    pltpu.sync_copy(src_hbm.at[wid, pl.ds(0, 8)], sgrp.at[0])
    pltpu.sync_copy(dst_hbm.at[wid, pl.ds(0, 8)], dgrp.at[0])
    pltpu.async_copy(src_hbm.at[wid, pl.ds(8, 8)], sgrp.at[1], isem)
    pltpu.async_copy(dst_hbm.at[wid, pl.ds(8, 8)], dgrp.at[1], isem)
    plsc.subcore_barrier()
    pltpu.async_copy(y_hbm.at[sgrp.at[0, 0]], rows.at[0], gsem)

    def body(j, carry):
        cur = j % 2
        g = j // 8
        r = j % 8
        slot = g % 3
        pltpu.make_async_copy(
            y_hbm.at[sgrp.at[slot, r]], rows.at[cur], gsem
        ).wait()
        @pl.when(j >= 1)
        def _():
            pltpu.make_async_copy(
                rows.at[1 - cur], acc.at[dgrp.at[slot, r]], ssem
            ).wait()

        pltpu.async_copy(rows.at[cur], acc.at[dgrp.at[slot, r]], ssem, add=True)
        @pl.when(jnp.logical_and(r == 7, g + 2 < GK))
        def _():
            s2 = (g + 2) % 3
            o2 = pl.multiple_of((g + 2) * 8, 8)
            pltpu.async_copy(src_hbm.at[wid, pl.ds(o2, 8)], sgrp.at[s2], isem)
            pltpu.async_copy(dst_hbm.at[wid, pl.ds(o2, 8)], dgrp.at[s2], isem)

        @pl.when(j + 1 < K)
        def _():
            g1 = (j + 1) // 8
            r1 = (j + 1) % 8
            s1 = g1 % 3
            @pl.when(r1 == 0)
            def _():
                o1 = pl.multiple_of(g1 * 8, 8)
                pltpu.make_async_copy(
                    src_hbm.at[wid, pl.ds(o1, 8)], sgrp.at[s1], isem
                ).wait()
                pltpu.make_async_copy(
                    dst_hbm.at[wid, pl.ds(o1, 8)], dgrp.at[s1], isem
                ).wait()

            pltpu.async_copy(y_hbm.at[sgrp.at[s1, r1]], rows.at[1 - cur], gsem)

        return carry

    lax.fori_loop(0, K, body, 0)
    pltpu.make_async_copy(rows.at[0], acc.at[dgrp.at[0, 0]], ssem).wait()
    plsc.subcore_barrier()
    pltpu.sync_copy(
        acc.at[pl.ds(r0, ROWS_PER_TILE)], out_hbm.at[cid, pl.ds(r0, ROWS_PER_TILE)]
    )



_BLK = 1000


def _dinv_of(degp_blk):
    deg = degp_blk[0, :, 0] + degp_blk[1, :, 0] + 1.0
    return lax.rsqrt(deg)


def _y1_body(x_ref, w_ref, degp_ref, y_ref):
    dinv = _dinv_of(degp_ref[...])
    y_ref[...] = jnp.dot(
        x_ref[...], w_ref[...], preferred_element_type=jnp.float32
    ) * dinv[:, None]


def _mid_body(aggp_ref, y_ref, degp_ref, b_ref, w_ref, y2_ref):
    dinv = _dinv_of(degp_ref[...])
    s = aggp_ref[0] + aggp_ref[1] + y_ref[...]
    h = jnp.maximum(dinv[:, None] * s + b_ref[...], 0.0)
    y2_ref[...] = jnp.dot(
        h, w_ref[...], preferred_element_type=jnp.float32
    ) * dinv[:, None]


def _fin_body(aggp_ref, y_ref, degp_ref, b_ref, w_ref, fcb_ref, out_ref):
    dinv = _dinv_of(degp_ref[...])
    s = aggp_ref[0] + aggp_ref[1] + y_ref[...]
    h = dinv[:, None] * s + b_ref[...]
    out_ref[...] = jnp.dot(
        h, w_ref[...], preferred_element_type=jnp.float32
    ) + fcb_ref[...]


def _row_spec(w):
    return pl.BlockSpec((_BLK, w), lambda i: (i, 0))


_DEG_SPEC = pl.BlockSpec((NC, _BLK, DEG_W), lambda i: (0, i, 0))
_AGG_SPEC = pl.BlockSpec((NC, _BLK, C), lambda i: (0, i, 0))
_W_SPEC = pl.BlockSpec((C, C), lambda i: (0, 0))
_B_SPEC = pl.BlockSpec((1, C), lambda i: (0, 0))


def _tc_y1(x, w1, degp):
    return pl.pallas_call(
        _y1_body,
        grid=(N // _BLK,),
        in_specs=[_row_spec(C), _W_SPEC, _DEG_SPEC],
        out_specs=_row_spec(C),
        out_shape=jax.ShapeDtypeStruct((N, C), jnp.float32),
    )(x, w1, degp)


def _tc_mid(aggp, y1, degp, b1, w2):
    return pl.pallas_call(
        _mid_body,
        grid=(N // _BLK,),
        in_specs=[_AGG_SPEC, _row_spec(C), _DEG_SPEC, _B_SPEC, _W_SPEC],
        out_specs=_row_spec(C),
        out_shape=jax.ShapeDtypeStruct((N, C), jnp.float32),
    )(aggp, y1, degp, b1, w2)


def _tc_fin(aggp, y2, degp, b2, fcw, fcb):
    return pl.pallas_call(
        _fin_body,
        grid=(N // _BLK,),
        in_specs=[_AGG_SPEC, _row_spec(C), _DEG_SPEC, _B_SPEC, _W_SPEC, _B_SPEC],
        out_specs=_row_spec(C),
        out_shape=jax.ShapeDtypeStruct((N, C), jnp.float32),
    )(aggp, y2, degp, b2, fcw, fcb)



@jax.jit
def _run(x, edge_index, W1, b1, W2, b2, fcW, fcb):
    src = edge_index[0].astype(jnp.int32)
    dst = edge_index[1].astype(jnp.int32)
    pad = E_PAD - E
    pad_ids = jnp.arange(pad, dtype=jnp.int32)
    src_t = jnp.concatenate([src, pad_ids % 128]).reshape(NW, K, CHUNK)
    dst_t = jnp.concatenate([dst, N + pad_ids % (N_ACC - N)]).reshape(
        NW, K, CHUNK
    )
    dst_flat = dst_t.reshape(NW, EP)
    zerosHR = jnp.zeros((HR, CHUNK), jnp.float32)
    zerosC = jnp.zeros((N_ACC, C), jnp.float32)

    degp = _deg_kernel(dst_flat, zerosHR)[:, :N, :DEG_W]

    y1 = _tc_y1(x, W1, degp)
    agg1 = _agg_kernel(y1, src_t, dst_t, zerosC)[:, :N, :]

    y2 = _tc_mid(agg1, y1, degp, b1.reshape(1, C), W2)
    agg2 = _agg_kernel(y2, src_t, dst_t, zerosC)[:, :N, :]

    fcw_p = jnp.zeros((C, C), jnp.float32).at[:, : fcW.shape[1]].set(fcW)
    fcb_p = jnp.zeros((1, C), jnp.float32).at[0, : fcb.shape[0]].set(fcb)
    out = _tc_fin(agg2, y2, degp, b2.reshape(1, C), fcw_p, fcb_p)
    return out[:, : fcW.shape[1]]


def kernel(x, edge_index, W1, b1, W2, b2, fcW, fcb):
    return _run(x, edge_index, W1, b1, W2, b2, fcW, fcb)

# --- scband reference (transcript-rebuilt; emitter-appended) ---
"""Pipeline reference for scband-gcn-2688649527830 (READ-ONLY COPY).

The authoritative reference and input builder live on the scoring server;
editing this copy changes nothing except your own understanding.
"""

import jax, jax.numpy as jnp
import numpy as np

N_NODES = 10000
N_EDGES = 320000
IN_C = 128
HID_C = 128
OUT_C = 128
FC_OUT = 2


def setup_inputs(seed: int = 0) -> dict:
    key = jax.random.key(seed)
    k = jax.random.split(key, 8)
    x = jax.random.normal(k[0], (N_NODES, IN_C), dtype=jnp.float32)
    edge_index = jax.random.randint(k[1], (2, N_EDGES), 0, N_NODES, dtype=jnp.int64 if jax.config.read('jax_enable_x64') else jnp.int32)
    s1 = 1.0 / np.sqrt(IN_C)
    W1 = jax.random.uniform(k[2], (IN_C, HID_C), minval=-s1, maxval=s1, dtype=jnp.float32)
    b1 = jnp.zeros((HID_C,), dtype=jnp.float32)
    s2 = 1.0 / np.sqrt(HID_C)
    W2 = jax.random.uniform(k[3], (HID_C, OUT_C), minval=-s2, maxval=s2, dtype=jnp.float32)
    b2 = jnp.zeros((OUT_C,), dtype=jnp.float32)
    s3 = 1.0 / np.sqrt(OUT_C)
    fcW = jax.random.uniform(k[4], (OUT_C, FC_OUT), minval=-s3, maxval=s3, dtype=jnp.float32)
    fcb = jax.random.uniform(k[5], (FC_OUT,), minval=-s3, maxval=s3, dtype=jnp.float32)
    return {"x": x, "edge_index": edge_index, "W1": W1, "b1": b1, "W2": W2, "b2": b2, "fcW": fcW, "fcb": fcb}


def _gcn_conv(x, src, dst, W, b, num_nodes):
    # GCNConv with added self-loops and symmetric normalization (PyG defaults)
    loop = jnp.arange(num_nodes, dtype=src.dtype)
    src_l = jnp.concatenate([src, loop])
    dst_l = jnp.concatenate([dst, loop])
    xw = x @ W
    ones = jnp.ones(src_l.shape[0], dtype=x.dtype)
    deg = jnp.zeros((num_nodes,), dtype=x.dtype).at[dst_l].add(ones)
    deg_inv_sqrt = jnp.where(deg > 0, jax.lax.rsqrt(jnp.maximum(deg, 1e-12)), 0.0)
    norm = deg_inv_sqrt[src_l] * deg_inv_sqrt[dst_l]
    msgs = xw[src_l] * norm[:, None]
    out = jnp.zeros_like(xw).at[dst_l].add(msgs)
    return out + b


def reference(x, edge_index, W1, b1, W2, b2, fcW, fcb):
    src = edge_index[0]
    dst = edge_index[1]
    h = _gcn_conv(x, src, dst, W1, b1, N_NODES)
    h = jax.nn.relu(h)
    # dropout is identity in eval mode
    h = _gcn_conv(h, src, dst, W2, b2, N_NODES)
    out = h @ fcW + fcb
    return out

if __name__ == "__main__":
    import jax
    _d = setup_inputs()
    print(jax.jit(kernel)(*tuple(_d.values())))

</pallas_src>

<mosaic_0001>
#map = affine_map<(d0, d1) -> (0, 0)>
#map1 = affine_map<(d0, d1) -> (0, 0, 0)>
module attributes {stable_mosaic.version = 14 : i64} {
  func.func @_agg_kernel(%arg0: i32, %arg1: i32, %arg2: memref<10000x128xf32, #tpu.memory_space<hbm>>, %arg3: memref<32x80x128xi32, #tpu.memory_space<hbm>>, %arg4: memref<32x80x128xi32, #tpu.memory_space<hbm>>, %arg5: memref<10112x128xf32, #tpu.memory_space<hbm>>, %arg6: memref<2x10112x128xf32, #tpu.memory_space<hbm>>, %arg7: memref<3x8x128xi32, #tpu.memory_space<vmem>>, %arg8: memref<3x8x128xi32, #tpu.memory_space<vmem>>, %arg9: memref<2x128x128xf32, #tpu.memory_space<vmem>>, %arg10: memref<10112x128xf32, #tpu.memory_space<vmem_shared>>, %arg11: memref<!tpu.dma_semaphore, #tpu.memory_space<semaphore_mem>>, %arg12: memref<!tpu.dma_semaphore, #tpu.memory_space<semaphore_mem>>, %arg13: memref<!tpu.dma_semaphore, #tpu.memory_space<semaphore_mem>>) attributes {dimension_semantics = [#tpu.dimension_semantics<core_parallel>, #tpu.dimension_semantics<subcore_parallel>], iteration_bounds = array<i64: 2, 16>, scalar_prefetch = 0 : i64, scratch_operands = 7 : i64, tpu.core_type = #tpu.core_type<sc_vector_subcore>, window_params = [{transform_indices = #map}, {transform_indices = #map1}, {transform_indices = #map1}, {transform_indices = #map}, {transform_indices = #map1}]} {
    %mul3A = arith.constant 2 : i32
    %mul3A_0 = arith.muli %arg1, %mul3A : i32
    %add3A = arith.addi %mul3A_0, %arg0 : i32
    %mul3A_1 = arith.constant 632 : i32
    %mul3A_2 = arith.muli %arg1, %mul3A_1 : i32
    %multiple_of3A = tpu.assume_multiple %mul3A_2, 8 : i32
    "tpu.region"() ({
      %run_scoped3A_68 = tpu.sem_alloc : memref<!tpu.dma_semaphore, #tpu.memory_space<semaphore_mem>>
      %dma_start3A_69 = arith.constant 0 : i32
      %dma_start3A_70 = tpu.memref_slice %arg10[%multiple_of3A, %dma_start3A_69] : memref<10112x128xf32, #tpu.memory_space<vmem_shared>> -> memref<632x128xf32, #tpu.memory_space<vmem_shared>>
      %dma_start3A_71 = arith.constant 0 : i32
      %dma_start3A_72 = tpu.memref_slice %arg5[%multiple_of3A, %dma_start3A_71] : memref<10112x128xf32, #tpu.memory_space<hbm>> -> memref<632x128xf32, #tpu.memory_space<hbm>>
      tpu.enqueue_dma source(%dma_start3A_72 : memref<632x128xf32, #tpu.memory_space<hbm>>) target(%dma_start3A_70 : memref<632x128xf32, #tpu.memory_space<vmem_shared>>) target_semaphore(%run_scoped3A_68 : memref<!tpu.dma_semaphore, #tpu.memory_space<semaphore_mem>>)
      %dma_wait3A_73 = arith.constant 0 : i32
      %dma_wait3A_74 = tpu.memref_slice %arg10[%multiple_of3A, %dma_wait3A_73] : memref<10112x128xf32, #tpu.memory_space<vmem_shared>> -> memref<632x128xf32, #tpu.memory_space<vmem_shared>>
      %dma_wait3A_75 = arith.constant 0 : i32
      %dma_wait3A_76 = tpu.memref_slice %arg5[%multiple_of3A, %dma_wait3A_75] : memref<10112x128xf32, #tpu.memory_space<hbm>> -> memref<632x128xf32, #tpu.memory_space<hbm>>
      tpu.wait_dma2 semaphore(%run_scoped3A_68 : memref<!tpu.dma_semaphore, #tpu.memory_space<semaphore_mem>>) src(%dma_wait3A_76 : memref<632x128xf32, #tpu.memory_space<hbm>>) dst(%dma_wait3A_74 : memref<632x128xf32, #tpu.memory_space<vmem_shared>>)
      tpu.yield
    }) : () -> ()
    %run_scoped3A = arith.constant 0 : i32
    "tpu.region"() ({
      %run_scoped3A_68 = tpu.sem_alloc : memref<!tpu.dma_semaphore, #tpu.memory_space<semaphore_mem>>
      %dma_start3A_69 = arith.constant 0 : i32
      %dma_start3A_70 = arith.constant 0 : i32
      %dma_start3A_71 = tpu.memref_slice %arg7[%run_scoped3A, %dma_start3A_69, %dma_start3A_70] : memref<3x8x128xi32, #tpu.memory_space<vmem>> -> memref<1x8x128xi32, #tpu.memory_space<vmem>>
      %dma_start3A_72 = tpu.memref_squeeze %dma_start3A_71 : memref<1x8x128xi32, #tpu.memory_space<vmem>> -> memref<8x128xi32, #tpu.memory_space<vmem>>
      %dma_start3A_73 = arith.constant 0 : i32
      %dma_start3A_74 = arith.constant 0 : i32
      %dma_start3A_75 = tpu.memref_slice %arg3[%add3A, %dma_start3A_73, %dma_start3A_74] : memref<32x80x128xi32, #tpu.memory_space<hbm>> -> memref<1x8x128xi32, #tpu.memory_space<hbm>>
      %dma_start3A_76 = tpu.memref_squeeze %dma_start3A_75 : memref<1x8x128xi32, #tpu.memory_space<hbm>> -> memref<8x128xi32, #tpu.memory_space<hbm>>
      %dma_start3A_77 = arith.constant 0 : i32
      %dma_start3A_78 = arith.constant 0 : i32
      %dma_start3A_79 = tpu.memref_slice %arg7[%run_scoped3A, %dma_start3A_77, %dma_start3A_78] : memref<3x8x128xi32, #tpu.memory_space<vmem>> -> memref<1x8x128xi32, #tpu.memory_space<vmem>>
      %dma_start3A_80 = tpu.memref_squeeze %dma_start3A_79 : memref<1x8x128xi32, #tpu.memory_space<vmem>> -> memref<8x128xi32, #tpu.memory_space<vmem>>
      %dma_start3A_81 = arith.constant 0 : i32
      %dma_start3A_82 = arith.constant 0 : i32
      %dma_start3A_83 = tpu.memref_slice %arg3[%add3A, %dma_start3A_81, %dma_start3A_82] : memref<32x80x128xi32, #tpu.memory_space<hbm>> -> memref<1x8x128xi32, #tpu.memory_space<hbm>>
      %dma_start3A_84 = tpu.memref_squeeze %dma_start3A_83 : memref<1x8x128xi32, #tpu.memory_space<hbm>> -> memref<8x128xi32, #tpu.memory_space<hbm>>
      tpu.enqueue_dma source(%dma_start3A_84 : memref<8x128xi32, #tpu.memory_space<hbm>>) target(%dma_start3A_80 : memref<8x128xi32, #tpu.memory_space<vmem>>) target_semaphore(%run_scoped3A_68 : memref<!tpu.dma_semaphore, #tpu.memory_space<semaphore_mem>>)
      %dma_wait3A_85 = arith.constant 0 : i32
      %dma_wait3A_86 = arith.constant 0 : i32
      %dma_wait3A_87 = tpu.memref_slice %arg7[%run_scoped3A, %dma_wait3A_85, %dma_wait3A_86] : memref<3x8x128xi32, #tpu.memory_space<vmem>> -> memref<1x8x128xi32, #tpu.memory_space<vmem>>
      %dma_wait3A_88 = tpu.memref_squeeze %dma_wait3A_87 : memref<1x8x128xi32, #tpu.memory_space<vmem>> -> memref<8x128xi32, #tpu.memory_space<vmem>>
      %dma_wait3A_89 = arith.constant 0 : i32
      %dma_wait3A_90 = arith.constant 0 : i32
      %dma_wait3A_91 = tpu.memref_slice %arg3[%add3A, %dma_wait3A_89, %dma_wait3A_90] : memref<32x80x128xi32, #tpu.memory_space<hbm>> -> memref<1x8x128xi32, #tpu.memory_space<hbm>>
      %dma_wait3A_92 = tpu.memref_squeeze %dma_wait3A_91 : memref<1x8x128xi32, #tpu.memory_space<hbm>> -> memref<8x128xi32, #tpu.memory_space<hbm>>
      %dma_wait3A_93 = arith.constant 0 : i32
      %dma_wait3A_94 = arith.constant 0 : i32
      %dma_wait3A_95 = tpu.memref_slice %arg7[%run_scoped3A, %dma_wait3A_93, %dma_wait3A_94] : memref<3x8x128xi32, #tpu.memory_space<vmem>> -> memref<1x8x128xi32, #tpu.memory_space<vmem>>
      %dma_wait3A_96 = tpu.memref_squeeze %dma_wait3A_95 : memref<1x8x128xi32, #tpu.memory_space<vmem>> -> memref<8x128xi32, #tpu.memory_space<vmem>>
      %dma_wait3A_97 = arith.constant 0 : i32
      %dma_wait3A_98 = arith.constant 0 : i32
      %dma_wait3A_99 = tpu.memref_slice %arg3[%add3A, %dma_wait3A_97, %dma_wait3A_98] : memref<32x80x128xi32, #tpu.memory_space<hbm>> -> memref<1x8x128xi32, #tpu.memory_space<hbm>>
      %dma_wait3A_100 = tpu.memref_squeeze %dma_wait3A_99 : memref<1x8x128xi32, #tpu.memory_space<hbm>> -> memref<8x128xi32, #tpu.memory_space<hbm>>
      tpu.wait_dma2 semaphore(%run_scoped3A_68 : memref<!tpu.dma_semaphore, #tpu.memory_space<semaphore_mem>>) src(%dma_wait3A_100 : memref<8x128xi32, #tpu.memory_space<hbm>>) dst(%dma_wait3A_96 : memref<8x128xi32, #tpu.memory_space<vmem>>)
      tpu.yield
    }) : () -> ()
    %run_scoped3A_3 = arith.constant 0 : i32
    "tpu.region"() ({
      %run_scoped3A_68 = tpu.sem_alloc : memref<!tpu.dma_semaphore, #tpu.memory_space<semaphore_mem>>
      %dma_start3A_69 = arith.constant 0 : i32
      %dma_start3A_70 = arith.constant 0 : i32
      %dma_start3A_71 = tpu.memref_slice %arg8[%run_scoped3A_3, %dma_start3A_69, %dma_start3A_70] : memref<3x8x128xi32, #tpu.memory_space<vmem>> -> memref<1x8x128xi32, #tpu.memory_space<vmem>>
      %dma_start3A_72 = tpu.memref_squeeze %dma_start3A_71 : memref<1x8x128xi32, #tpu.memory_space<vmem>> -> memref<8x128xi32, #tpu.memory_space<vmem>>
      %dma_start3A_73 = arith.constant 0 : i32
      %dma_start3A_74 = arith.constant 0 : i32
      %dma_start3A_75 = tpu.memref_slice %arg4[%add3A, %dma_start3A_73, %dma_start3A_74] : memref<32x80x128xi32, #tpu.memory_space<hbm>> -> memref<1x8x128xi32, #tpu.memory_space<hbm>>
      %dma_start3A_76 = tpu.memref_squeeze %dma_start3A_75 : memref<1x8x128xi32, #tpu.memory_space<hbm>> -> memref<8x128xi32, #tpu.memory_space<hbm>>
      %dma_start3A_77 = arith.constant 0 : i32
      %dma_start3A_78 = arith.constant 0 : i32
      %dma_start3A_79 = tpu.memref_slice %arg8[%run_scoped3A_3, %dma_start3A_77, %dma_start3A_78] : memref<3x8x128xi32, #tpu.memory_space<vmem>> -> memref<1x8x128xi32, #tpu.memory_space<vmem>>
      %dma_start3A_80 = tpu.memref_squeeze %dma_start3A_79 : memref<1x8x128xi32, #tpu.memory_space<vmem>> -> memref<8x128xi32, #tpu.memory_space<vmem>>
      %dma_start3A_81 = arith.constant 0 : i32
      %dma_start3A_82 = arith.constant 0 : i32
      %dma_start3A_83 = tpu.memref_slice %arg4[%add3A, %dma_start3A_81, %dma_start3A_82] : memref<32x80x128xi32, #tpu.memory_space<hbm>> -> memref<1x8x128xi32, #tpu.memory_space<hbm>>
      %dma_start3A_84 = tpu.memref_squeeze %dma_start3A_83 : memref<1x8x128xi32, #tpu.memory_space<hbm>> -> memref<8x128xi32, #tpu.memory_space<hbm>>
      tpu.enqueue_dma source(%dma_start3A_84 : memref<8x128xi32, #tpu.memory_space<hbm>>) target(%dma_start3A_80 : memref<8x128xi32, #tpu.memory_space<vmem>>) target_semaphore(%run_scoped3A_68 : memref<!tpu.dma_semaphore, #tpu.memory_space<semaphore_mem>>)
      %dma_wait3A_85 = arith.constant 0 : i32
      %dma_wait3A_86 = arith.constant 0 : i32
      %dma_wait3A_87 = tpu.memref_slice %arg8[%run_scoped3A_3, %dma_wait3A_85, %dma_wait3A_86] : memref<3x8x128xi32, #tpu.memory_space<vmem>> -> memref<1x8x128xi32, #tpu.memory_space<vmem>>
      %dma_wait3A_88 = tpu.memref_squeeze %dma_wait3A_87 : memref<1x8x128xi32, #tpu.memory_space<vmem>> -> memref<8x128xi32, #tpu.memory_space<vmem>>
      %dma_wait3A_89 = arith.constant 0 : i32
      %dma_wait3A_90 = arith.constant 0 : i32
      %dma_wait3A_91 = tpu.memref_slice %arg4[%add3A, %dma_wait3A_89, %dma_wait3A_90] : memref<32x80x128xi32, #tpu.memory_space<hbm>> -> memref<1x8x128xi32, #tpu.memory_space<hbm>>
      %dma_wait3A_92 = tpu.memref_squeeze %dma_wait3A_91 : memref<1x8x128xi32, #tpu.memory_space<hbm>> -> memref<8x128xi32, #tpu.memory_space<hbm>>
      %dma_wait3A_93 = arith.constant 0 : i32
      %dma_wait3A_94 = arith.constant 0 : i32
      %dma_wait3A_95 = tpu.memref_slice %arg8[%run_scoped3A_3, %dma_wait3A_93, %dma_wait3A_94] : memref<3x8x128xi32, #tpu.memory_space<vmem>> -> memref<1x8x128xi32, #tpu.memory_space<vmem>>
      %dma_wait3A_96 = tpu.memref_squeeze %dma_wait3A_95 : memref<1x8x128xi32, #tpu.memory_space<vmem>> -> memref<8x128xi32, #tpu.memory_space<vmem>>
      %dma_wait3A_97 = arith.constant 0 : i32
      %dma_wait3A_98 = arith.constant 0 : i32
      %dma_wait3A_99 = tpu.memref_slice %arg4[%add3A, %dma_wait3A_97, %dma_wait3A_98] : memref<32x80x128xi32, #tpu.memory_space<hbm>> -> memref<1x8x128xi32, #tpu.memory_space<hbm>>
      %dma_wait3A_100 = tpu.memref_squeeze %dma_wait3A_99 : memref<1x8x128xi32, #tpu.memory_space<hbm>> -> memref<8x128xi32, #tpu.memory_space<hbm>>
      tpu.wait_dma2 semaphore(%run_scoped3A_68 : memref<!tpu.dma_semaphore, #tpu.memory_space<semaphore_mem>>) src(%dma_wait3A_100 : memref<8x128xi32, #tpu.memory_space<hbm>>) dst(%dma_wait3A_96 : memref<8x128xi32, #tpu.memory_space<vmem>>)
      tpu.yield
    }) : () -> ()
    %dma_start3A = arith.constant 1 : i32
    %dma_start3A_4 = arith.constant 0 : i32
    %dma_start3A_5 = arith.constant 0 : i32
    %dma_start3A_6 = tpu.memref_slice %arg7[%dma_start3A, %dma_start3A_4, %dma_start3A_5] : memref<3x8x128xi32, #tpu.memory_space<vmem>> -> memref<1x8x128xi32, #tpu.memory_space<vmem>>
    %dma_start3A_7 = tpu.memref_squeeze %dma_start3A_6 : memref<1x8x128xi32, #tpu.memory_space<vmem>> -> memref<8x128xi32, #tpu.memory_space<vmem>>
    %dma_start3A_8 = arith.constant 8 : i32
    %dma_start3A_9 = arith.constant 0 : i32
    %dma_start3A_10 = tpu.memref_slice %arg3[%add3A, %dma_start3A_8, %dma_start3A_9] : memref<32x80x128xi32, #tpu.memory_space<hbm>> -> memref<1x8x128xi32, #tpu.memory_space<hbm>>
    %dma_start3A_11 = tpu.memref_squeeze %dma_start3A_10 : memref<1x8x128xi32, #tpu.memory_space<hbm>> -> memref<8x128xi32, #tpu.memory_space<hbm>>
    %dma_start3A_12 = arith.constant 0 : i32
    %dma_start3A_13 = arith.constant 0 : i32
    %dma_start3A_14 = tpu.memref_slice %arg7[%dma_start3A, %dma_start3A_12, %dma_start3A_13] : memref<3x8x128xi32, #tpu.memory_space<vmem>> -> memref<1x8x128xi32, #tpu.memory_space<vmem>>
    %dma_start3A_15 = tpu.memref_squeeze %dma_start3A_14 : memref<1x8x128xi32, #tpu.memory_space<vmem>> -> memref<8x128xi32, #tpu.memory_space<vmem>>
    %dma_start3A_16 = arith.constant 8 : i32
    %dma_start3A_17 = arith.constant 0 : i32
    %dma_start3A_18 = tpu.memref_slice %arg3[%add3A, %dma_start3A_16, %dma_start3A_17] : memref<32x80x128xi32, #tpu.memory_space<hbm>> -> memref<1x8x128xi32, #tpu.memory_space<hbm>>
    %dma_start3A_19 = tpu.memref_squeeze %dma_start3A_18 : memref<1x8x128xi32, #tpu.memory_space<hbm>> -> memref<8x128xi32, #tpu.memory_space<hbm>>
    tpu.enqueue_dma source(%dma_start3A_19 : memref<8x128xi32, #tpu.memory_space<hbm>>) target(%dma_start3A_15 : memref<8x128xi32, #tpu.memory_space<vmem>>) target_semaphore(%arg13 : memref<!tpu.dma_semaphore, #tpu.memory_space<semaphore_mem>>)
    %dma_start3A_20 = arith.constant 1 : i32
    %dma_start3A_21 = arith.constant 0 : i32
    %dma_start3A_22 = arith.constant 0 : i32
    %dma_start3A_23 = tpu.memref_slice %arg8[%dma_start3A_20, %dma_start3A_21, %dma_start3A_22] : memref<3x8x128xi32, #tpu.memory_space<vmem>> -> memref<1x8x128xi32, #tpu.memory_space<vmem>>
    %dma_start3A_24 = tpu.memref_squeeze %dma_start3A_23 : memref<1x8x128xi32, #tpu.memory_space<vmem>> -> memref<8x128xi32, #tpu.memory_space<vmem>>
    %dma_start3A_25 = arith.constant 8 : i32
    %dma_start3A_26 = arith.constant 0 : i32
    %dma_start3A_27 = tpu.memref_slice %arg4[%add3A, %dma_start3A_25, %dma_start3A_26] : memref<32x80x128xi32, #tpu.memory_space<hbm>> -> memref<1x8x128xi32, #tpu.memory_space<hbm>>
    %dma_start3A_28 = tpu.memref_squeeze %dma_start3A_27 : memref<1x8x128xi32, #tpu.memory_space<hbm>> -> memref<8x128xi32, #tpu.memory_space<hbm>>
    %dma_start3A_29 = arith.constant 0 : i32
    %dma_start3A_30 = arith.constant 0 : i32
    %dma_start3A_31 = tpu.memref_slice %arg8[%dma_start3A_20, %dma_start3A_29, %dma_start3A_30] : memref<3x8x128xi32, #tpu.memory_space<vmem>> -> memref<1x8x128xi32, #tpu.memory_space<vmem>>
    %dma_start3A_32 = tpu.memref_squeeze %dma_start3A_31 : memref<1x8x128xi32, #tpu.memory_space<vmem>> -> memref<8x128xi32, #tpu.memory_space<vmem>>
    %dma_start3A_33 = arith.constant 8 : i32
    %dma_start3A_34 = arith.constant 0 : i32
    %dma_start3A_35 = tpu.memref_slice %arg4[%add3A, %dma_start3A_33, %dma_start3A_34] : memref<32x80x128xi32, #tpu.memory_space<hbm>> -> memref<1x8x128xi32, #tpu.memory_space<hbm>>
    %dma_start3A_36 = tpu.memref_squeeze %dma_start3A_35 : memref<1x8x128xi32, #tpu.memory_space<hbm>> -> memref<8x128xi32, #tpu.memory_space<hbm>>
    tpu.enqueue_dma source(%dma_start3A_36 : memref<8x128xi32, #tpu.memory_space<hbm>>) target(%dma_start3A_32 : memref<8x128xi32, #tpu.memory_space<vmem>>) target_semaphore(%arg13 : memref<!tpu.dma_semaphore, #tpu.memory_space<semaphore_mem>>)
    %barrier3A = arith.constant 0 : index
    tpu.barrier barrier_id(%barrier3A)
    %dma_start3A_37 = arith.constant 0 : i32
    %dma_start3A_38 = arith.constant 0 : i32
    %dma_start3A_39 = arith.constant 0 : i32
    %dma_start3A_40 = arith.constant 0 : i32
    %dma_start3A_41 = arith.constant 0 : i32
    %dma_start3A_42 = tpu.memref_slice %arg9[%dma_start3A_39, %dma_start3A_40, %dma_start3A_41] : memref<2x128x128xf32, #tpu.memory_space<vmem>> -> memref<1x128x128xf32, #tpu.memory_space<vmem>>
    %dma_start3A_43 = tpu.memref_squeeze %dma_start3A_42 : memref<1x128x128xf32, #tpu.memory_space<vmem>> -> memref<128x128xf32, #tpu.memory_space<vmem>>
    %dma_start3A_44 = arith.constant 0 : i32
    %dma_start3A_45 = tpu.memref_slice %arg7[%dma_start3A_37, %dma_start3A_38, %dma_start3A_44] : memref<3x8x128xi32, #tpu.memory_space<vmem>> -> memref<1x1x128xi32, #tpu.memory_space<vmem>>
    %dma_start3A_46 = tpu.memref_squeeze %dma_start3A_45 : memref<1x1x128xi32, #tpu.memory_space<vmem>> -> memref<128xi32, #tpu.memory_space<vmem>>
    %dma_start3A_47 = arith.constant 0 : i32
    %dma_start3A_48 = arith.constant 0 : i32
    %dma_start3A_49 = tpu.memref_slice %arg2[%dma_start3A_47, %dma_start3A_48] : memref<10000x128xf32, #tpu.memory_space<hbm>> -> memref<10000x128xf32, #tpu.memory_space<hbm>>
    tpu.enqueue_indirect_dma source(%dma_start3A_49 : memref<10000x128xf32, #tpu.memory_space<hbm>>) target(%dma_start3A_43 : memref<128x128xf32, #tpu.memory_space<vmem>>) offsets(%dma_start3A_46 : memref<128xi32, #tpu.memory_space<vmem>>) semaphore(%arg11 : memref<!tpu.dma_semaphore, #tpu.memory_space<semaphore_mem>>)
    %scan3A = arith.constant 0 : i32
    %scan3A_50 = arith.constant 0 : i32
    %scan3A_51 = arith.constant 80 : i32
    %scan3A_52 = arith.addi %scan3A_50, %scan3A_51 : i32
    %scan3A_53 = arith.constant 1 : i32
    scf.for %scan3A_68 = %scan3A_50 to %scan3A_52 step %scan3A_53  : i32 {
      %jit3A = arith.constant 2 : i32
      %eq3A = arith.constant 0 : i32
      %eq3A_69 = arith.cmpi eq, %jit3A, %eq3A : i32
      %jit3A_70 = arith.constant 1 : i32
      %select_n3A = arith.select %eq3A_69, %jit3A_70, %jit3A : i32
      %rem3A = arith.remsi %scan3A_68, %select_n3A : i32
      %ne3A = arith.constant 0 : i32
      %ne3A_71 = arith.cmpi ne, %rem3A, %ne3A : i32
      %lt3A = arith.constant 0 : i32
      %lt3A_72 = arith.cmpi slt, %rem3A, %lt3A : i32
      %lt3A_73 = arith.constant 0 : i32
      %lt3A_74 = arith.cmpi slt, %select_n3A, %lt3A_73 : i32
      %ne3A_75 = arith.xori %lt3A_72, %lt3A_74 : i1
      %and3A = arith.andi %ne3A_75, %ne3A_71 : i1
      %add3A_76 = arith.addi %rem3A, %select_n3A : i32
      %select_n3A_77 = arith.select %and3A, %add3A_76, %rem3A : i32
      %jit3A_78 = arith.constant 8 : i32
      %div3A = arith.divsi %scan3A_68, %jit3A_78 : i32
      %sign3A = arith.constant 0 : i32
      %sign3A_79 = arith.cmpi sgt, %scan3A_68, %sign3A : i32
      %sign3A_80 = arith.extui %sign3A_79 : i1 to i32
      %sign3A_81 = arith.constant 0 : i32
      %sign3A_82 = arith.cmpi slt, %scan3A_68, %sign3A_81 : i32
      %sign3A_83 = arith.extui %sign3A_82 : i1 to i32
      %sign3A_84 = arith.subi %sign3A_80, %sign3A_83 : i32
      %sign3A_85 = arith.constant 0 : i32
      %sign3A_86 = arith.cmpi sgt, %jit3A_78, %sign3A_85 : i32
      %sign3A_87 = arith.extui %sign3A_86 : i1 to i32
      %sign3A_88 = arith.constant 0 : i32
      %sign3A_89 = arith.cmpi slt, %jit3A_78, %sign3A_88 : i32
      %sign3A_90 = arith.extui %sign3A_89 : i1 to i32
      %sign3A_91 = arith.subi %sign3A_87, %sign3A_90 : i32
      %ne3A_92 = arith.cmpi ne, %sign3A_84, %sign3A_91 : i32
      %rem3A_93 = arith.remsi %scan3A_68, %jit3A_78 : i32
      %ne3A_94 = arith.constant 0 : i32
      %ne3A_95 = arith.cmpi ne, %rem3A_93, %ne3A_94 : i32
      %and3A_96 = arith.andi %ne3A_92, %ne3A_95 : i1
      %sub3A = arith.constant 1 : i32
      %sub3A_97 = arith.subi %div3A, %sub3A : i32
      %select_n3A_98 = arith.select %and3A_96, %sub3A_97, %div3A : i32
      %jit3A_99 = arith.constant 8 : i32
      %eq3A_100 = arith.constant 0 : i32
      %eq3A_101 = arith.cmpi eq, %jit3A_99, %eq3A_100 : i32
      %jit3A_102 = arith.constant 1 : i32
      %select_n3A_103 = arith.select %eq3A_101, %jit3A_102, %jit3A_99 : i32
      %rem3A_104 = arith.remsi %scan3A_68, %select_n3A_103 : i32
      %ne3A_105 = arith.constant 0 : i32
      %ne3A_106 = arith.cmpi ne, %rem3A_104, %ne3A_105 : i32
      %lt3A_107 = arith.constant 0 : i32
      %lt3A_108 = arith.cmpi slt, %rem3A_104, %lt3A_107 : i32
      %lt3A_109 = arith.constant 0 : i32
      %lt3A_110 = arith.cmpi slt, %select_n3A_103, %lt3A_109 : i32
      %ne3A_111 = arith.xori %lt3A_108, %lt3A_110 : i1
      %and3A_112 = arith.andi %ne3A_111, %ne3A_106 : i1
      %add3A_113 = arith.addi %rem3A_104, %select_n3A_103 : i32
      %select_n3A_114 = arith.select %and3A_112, %add3A_113, %rem3A_104 : i32
      %jit3A_115 = arith.constant 3 : i32
      %eq3A_116 = arith.constant 0 : i32
      %eq3A_117 = arith.cmpi eq, %jit3A_115, %eq3A_116 : i32
      %jit3A_118 = arith.constant 1 : i32
      %select_n3A_119 = arith.select %eq3A_117, %jit3A_118, %jit3A_115 : i32
      %rem3A_120 = arith.remsi %select_n3A_98, %select_n3A_119 : i32
      %ne3A_121 = arith.constant 0 : i32
      %ne3A_122 = arith.cmpi ne, %rem3A_120, %ne3A_121 : i32
      %lt3A_123 = arith.constant 0 : i32
      %lt3A_124 = arith.cmpi slt, %rem3A_120, %lt3A_123 : i32
      %lt3A_125 = arith.constant 0 : i32
      %lt3A_126 = arith.cmpi slt, %select_n3A_119, %lt3A_125 : i32
      %ne3A_127 = arith.xori %lt3A_124, %lt3A_126 : i1
      %and3A_128 = arith.andi %ne3A_127, %ne3A_122 : i1
      %add3A_129 = arith.addi %rem3A_120, %select_n3A_119 : i32
      %select_n3A_130 = arith.select %and3A_128, %add3A_129, %rem3A_120 : i32
      %dma_wait3A_131 = arith.constant 0 : i32
      %dma_wait3A_132 = arith.constant 0 : i32
      %dma_wait3A_133 = tpu.memref_slice %arg9[%select_n3A_77, %dma_wait3A_131, %dma_wait3A_132] : memref<2x128x128xf32, #tpu.memory_space<vmem>> -> memref<1x128x128xf32, #tpu.memory_space<vmem>>
      %dma_wait3A_134 = tpu.memref_squeeze %dma_wait3A_133 : memref<1x128x128xf32, #tpu.memory_space<vmem>> -> memref<128x128xf32, #tpu.memory_space<vmem>>
      %dma_wait3A_135 = arith.constant 0 : i32
      %dma_wait3A_136 = tpu.memref_slice %arg7[%select_n3A_130, %select_n3A_114, %dma_wait3A_135] : memref<3x8x128xi32, #tpu.memory_space<vmem>> -> memref<1x1x128xi32, #tpu.memory_space<vmem>>
      %dma_wait3A_137 = tpu.memref_squeeze %dma_wait3A_136 : memref<1x1x128xi32, #tpu.memory_space<vmem>> -> memref<128xi32, #tpu.memory_space<vmem>>
      %dma_wait3A_138 = arith.constant 0 : i32
      %dma_wait3A_139 = arith.constant 0 : i32
      %dma_wait3A_140 = tpu.memref_slice %arg2[%dma_wait3A_138, %dma_wait3A_139] : memref<10000x128xf32, #tpu.memory_space<hbm>> -> memref<10000x128xf32, #tpu.memory_space<hbm>>
      tpu.wait_indirect_dma semaphore(%arg11 : memref<!tpu.dma_semaphore, #tpu.memory_space<semaphore_mem>>) src(%dma_wait3A_140 : memref<10000x128xf32, #tpu.memory_space<hbm>>) dst(%dma_wait3A_134 : memref<128x128xf32, #tpu.memory_space<vmem>>)
      %ge3A = arith.constant 1 : i32
      %ge3A_141 = arith.cmpi sge, %scan3A_68, %ge3A : i32
      %convert_element_type3A = arith.extui %ge3A_141 : i1 to i32
      %cond3A = arith.constant 0 : i32
      %cond3A_142 = arith.cmpi ne, %convert_element_type3A, %cond3A : i32
      scf.if %cond3A_142 {
        %sub3A_170 = arith.constant 1 : i32
        %sub3A_171 = arith.subi %sub3A_170, %select_n3A_77 : i32
        %dma_wait3A_172 = arith.constant 0 : i32
        %dma_wait3A_173 = arith.constant 0 : i32
        %dma_wait3A_174 = tpu.memref_slice %arg9[%sub3A_171, %dma_wait3A_172, %dma_wait3A_173] : memref<2x128x128xf32, #tpu.memory_space<vmem>> -> memref<1x128x128xf32, #tpu.memory_space<vmem>>
        %dma_wait3A_175 = tpu.memref_squeeze %dma_wait3A_174 : memref<1x128x128xf32, #tpu.memory_space<vmem>> -> memref<128x128xf32, #tpu.memory_space<vmem>>
        %dma_wait3A_176 = arith.constant 0 : i32
        %dma_wait3A_177 = tpu.memref_slice %arg8[%select_n3A_130, %select_n3A_114, %dma_wait3A_176] : memref<3x8x128xi32, #tpu.memory_space<vmem>> -> memref<1x1x128xi32, #tpu.memory_space<vmem>>
        %dma_wait3A_178 = tpu.memref_squeeze %dma_wait3A_177 : memref<1x1x128xi32, #tpu.memory_space<vmem>> -> memref<128xi32, #tpu.memory_space<vmem>>
        %dma_wait3A_179 = arith.constant 0 : i32
        %dma_wait3A_180 = arith.constant 0 : i32
        %dma_wait3A_181 = tpu.memref_slice %arg10[%dma_wait3A_179, %dma_wait3A_180] : memref<10112x128xf32, #tpu.memory_space<vmem_shared>> -> memref<10112x128xf32, #tpu.memory_space<vmem_shared>>
        tpu.wait_indirect_dma semaphore(%arg12 : memref<!tpu.dma_semaphore, #tpu.memory_space<semaphore_mem>>) src(%dma_wait3A_175 : memref<128x128xf32, #tpu.memory_space<vmem>>) dst(%dma_wait3A_181 : memref<10112x128xf32, #tpu.memory_space<vmem_shared>>)
      } else {
      }
      %dma_start3A_143 = arith.constant 0 : i32
      %dma_start3A_144 = arith.constant 0 : i32
      %dma_start3A_145 = tpu.memref_slice %arg9[%select_n3A_77, %dma_start3A_143, %dma_start3A_144] : memref<2x128x128xf32, #tpu.memory_space<vmem>> -> memref<1x128x128xf32, #tpu.memory_space<vmem>>
      %dma_start3A_146 = tpu.memref_squeeze %dma_start3A_145 : memref<1x128x128xf32, #tpu.memory_space<vmem>> -> memref<128x128xf32, #tpu.memory_space<vmem>>
      %dma_start3A_147 = arith.constant 0 : i32
      %dma_start3A_148 = tpu.memref_slice %arg8[%select_n3A_130, %select_n3A_114, %dma_start3A_147] : memref<3x8x128xi32, #tpu.memory_space<vmem>> -> memref<1x1x128xi32, #tpu.memory_space<vmem>>
      %dma_start3A_149 = tpu.memref_squeeze %dma_start3A_148 : memref<1x1x128xi32, #tpu.memory_space<vmem>> -> memref<128xi32, #tpu.memory_space<vmem>>
      %dma_start3A_150 = arith.constant 0 : i32
      %dma_start3A_151 = arith.constant 0 : i32
      %dma_start3A_152 = tpu.memref_slice %arg10[%dma_start3A_150, %dma_start3A_151] : memref<10112x128xf32, #tpu.memory_space<vmem_shared>> -> memref<10112x128xf32, #tpu.memory_space<vmem_shared>>
      tpu.enqueue_indirect_dma source(%dma_start3A_146 : memref<128x128xf32, #tpu.memory_space<vmem>>) target(%dma_start3A_152 : memref<10112x128xf32, #tpu.memory_space<vmem_shared>>) offsets(%dma_start3A_149 : memref<128xi32, #tpu.memory_space<vmem>>) semaphore(%arg12 : memref<!tpu.dma_semaphore, #tpu.memory_space<semaphore_mem>>) {add = true}
      %eq3A_153 = arith.constant 7 : i32
      %eq3A_154 = arith.cmpi eq, %select_n3A_114, %eq3A_153 : i32
      %add3A_155 = arith.constant 2 : i32
      %add3A_156 = arith.addi %select_n3A_98, %add3A_155 : i32
      %lt3A_157 = arith.constant 10 : i32
      %lt3A_158 = arith.cmpi slt, %add3A_156, %lt3A_157 : i32
      %and3A_159 = arith.andi %eq3A_154, %lt3A_158 : i1
      %convert_element_type3A_160 = arith.extui %and3A_159 : i1 to i32
      %cond3A_161 = arith.constant 0 : i32
      %cond3A_162 = arith.cmpi ne, %convert_element_type3A_160, %cond3A_161 : i32
      scf.if %cond3A_162 {
        %add3A_170 = arith.constant 2 : i32
        %add3A_171 = arith.addi %select_n3A_98, %add3A_170 : i32
        %jit3A_172 = arith.constant 3 : i32
        %eq3A_173 = arith.constant 0 : i32
        %eq3A_174 = arith.cmpi eq, %jit3A_172, %eq3A_173 : i32
        %jit3A_175 = arith.constant 1 : i32
        %select_n3A_176 = arith.select %eq3A_174, %jit3A_175, %jit3A_172 : i32
        %rem3A_177 = arith.remsi %add3A_171, %select_n3A_176 : i32
        %ne3A_178 = arith.constant 0 : i32
        %ne3A_179 = arith.cmpi ne, %rem3A_177, %ne3A_178 : i32
        %lt3A_180 = arith.constant 0 : i32
        %lt3A_181 = arith.cmpi slt, %rem3A_177, %lt3A_180 : i32
        %lt3A_182 = arith.constant 0 : i32
        %lt3A_183 = arith.cmpi slt, %select_n3A_176, %lt3A_182 : i32
        %ne3A_184 = arith.xori %lt3A_181, %lt3A_183 : i1
        %and3A_185 = arith.andi %ne3A_184, %ne3A_179 : i1
        %add3A_186 = arith.addi %rem3A_177, %select_n3A_176 : i32
        %select_n3A_187 = arith.select %and3A_185, %add3A_186, %rem3A_177 : i32
        %add3A_188 = arith.constant 2 : i32
        %add3A_189 = arith.addi %select_n3A_98, %add3A_188 : i32
        %mul3A_190 = arith.constant 8 : i32
        %mul3A_191 = arith.muli %add3A_189, %mul3A_190 : i32
        %multiple_of3A_192 = tpu.assume_multiple %mul3A_191, 8 : i32
        %dma_start3A_193 = arith.constant 0 : i32
        %dma_start3A_194 = arith.constant 0 : i32
        %dma_start3A_195 = tpu.memref_slice %arg7[%select_n3A_187, %dma_start3A_193, %dma_start3A_194] : memref<3x8x128xi32, #tpu.memory_space<vmem>> -> memref<1x8x128xi32, #tpu.memory_space<vmem>>
        %dma_start3A_196 = tpu.memref_squeeze %dma_start3A_195 : memref<1x8x128xi32, #tpu.memory_space<vmem>> -> memref<8x128xi32, #tpu.memory_space<vmem>>
        %dma_start3A_197 = arith.constant 0 : i32
        %dma_start3A_198 = tpu.memref_slice %arg3[%add3A, %multiple_of3A_192, %dma_start3A_197] : memref<32x80x128xi32, #tpu.memory_space<hbm>> -> memref<1x8x128xi32, #tpu.memory_space<hbm>>
        %dma_start3A_199 = tpu.memref_squeeze %dma_start3A_198 : memref<1x8x128xi32, #tpu.memory_space<hbm>> -> memref<8x128xi32, #tpu.memory_space<hbm>>
        %dma_start3A_200 = arith.constant 0 : i32
        %dma_start3A_201 = arith.constant 0 : i32
        %dma_start3A_202 = tpu.memref_slice %arg7[%select_n3A_187, %dma_start3A_200, %dma_start3A_201] : memref<3x8x128xi32, #tpu.memory_space<vmem>> -> memref<1x8x128xi32, #tpu.memory_space<vmem>>
        %dma_start3A_203 = tpu.memref_squeeze %dma_start3A_202 : memref<1x8x128xi32, #tpu.memory_space<vmem>> -> memref<8x128xi32, #tpu.memory_space<vmem>>
        %dma_start3A_204 = arith.constant 0 : i32
        %dma_start3A_205 = tpu.memref_slice %arg3[%add3A, %multiple_of3A_192, %dma_start3A_204] : memref<32x80x128xi32, #tpu.memory_space<hbm>> -> memref<1x8x128xi32, #tpu.memory_space<hbm>>
        %dma_start3A_206 = tpu.memref_squeeze %dma_start3A_205 : memref<1x8x128xi32, #tpu.memory_space<hbm>> -> memref<8x128xi32, #tpu.memory_space<hbm>>
        tpu.enqueue_dma source(%dma_start3A_206 : memref<8x128xi32, #tpu.memory_space<hbm>>) target(%dma_start3A_203 : memref<8x128xi32, #tpu.memory_space<vmem>>) target_semaphore(%arg13 : memref<!tpu.dma_semaphore, #tpu.memory_space<semaphore_mem>>)
        %dma_start3A_207 = arith.constant 0 : i32
        %dma_start3A_208 = arith.constant 0 : i32
        %dma_start3A_209 = tpu.memref_slice %arg8[%select_n3A_187, %dma_start3A_207, %dma_start3A_208] : memref<3x8x128xi32, #tpu.memory_space<vmem>> -> memref<1x8x128xi32, #tpu.memory_space<vmem>>
        %dma_start3A_210 = tpu.memref_squeeze %dma_start3A_209 : memref<1x8x128xi32, #tpu.memory_space<vmem>> -> memref<8x128xi32, #tpu.memory_space<vmem>>
        %dma_start3A_211 = arith.constant 0 : i32
        %dma_start3A_212 = tpu.memref_slice %arg4[%add3A, %multiple_of3A_192, %dma_start3A_211] : memref<32x80x128xi32, #tpu.memory_space<hbm>> -> memref<1x8x128xi32, #tpu.memory_space<hbm>>
        %dma_start3A_213 = tpu.memref_squeeze %dma_start3A_212 : memref<1x8x128xi32, #tpu.memory_space<hbm>> -> memref<8x128xi32, #tpu.memory_space<hbm>>
        %dma_start3A_214 = arith.constant 0 : i32
        %dma_start3A_215 = arith.constant 0 : i32
        %dma_start3A_216 = tpu.memref_slice %arg8[%select_n3A_187, %dma_start3A_214, %dma_start3A_215] : memref<3x8x128xi32, #tpu.memory_space<vmem>> -> memref<1x8x128xi32, #tpu.memory_space<vmem>>
        %dma_start3A_217 = tpu.memref_squeeze %dma_start3A_216 : memref<1x8x128xi32, #tpu.memory_space<vmem>> -> memref<8x128xi32, #tpu.memory_space<vmem>>
        %dma_start3A_218 = arith.constant 0 : i32
        %dma_start3A_219 = tpu.memref_slice %arg4[%add3A, %multiple_of3A_192, %dma_start3A_218] : memref<32x80x128xi32, #tpu.memory_space<hbm>> -> memref<1x8x128xi32, #tpu.memory_space<hbm>>
        %dma_start3A_220 = tpu.memref_squeeze %dma_start3A_219 : memref<1x8x128xi32, #tpu.memory_space<hbm>> -> memref<8x128xi32, #tpu.memory_space<hbm>>
        tpu.enqueue_dma source(%dma_start3A_220 : memref<8x128xi32, #tpu.memory_space<hbm>>) target(%dma_start3A_217 : memref<8x128xi32, #tpu.memory_space<vmem>>) target_semaphore(%arg13 : memref<!tpu.dma_semaphore, #tpu.memory_space<semaphore_mem>>)
      } else {
      }
      %add3A_163 = arith.constant 1 : i32
      %add3A_164 = arith.addi %scan3A_68, %add3A_163 : i32
      %lt3A_165 = arith.constant 80 : i32
      %lt3A_166 = arith.cmpi slt, %add3A_164, %lt3A_165 : i32
      %convert_element_type3A_167 = arith.extui %lt3A_166 : i1 to i32
      %cond3A_168 = arith.constant 0 : i32
      %cond3A_169 = arith.cmpi ne, %convert_element_type3A_167, %cond3A_168 : i32
      scf.if %cond3A_169 {
        %add3A_170 = arith.constant 1 : i32
        %add3A_171 = arith.addi %scan3A_68, %add3A_170 : i32
        %jit3A_172 = arith.constant 8 : i32
        %div3A_173 = arith.divsi %add3A_171, %jit3A_172 : i32
        %sign3A_174 = arith.constant 0 : i32
        %sign3A_175 = arith.cmpi sgt, %add3A_171, %sign3A_174 : i32
        %sign3A_176 = arith.extui %sign3A_175 : i1 to i32
        %sign3A_177 = arith.constant 0 : i32
        %sign3A_178 = arith.cmpi slt, %add3A_171, %sign3A_177 : i32
        %sign3A_179 = arith.extui %sign3A_178 : i1 to i32
        %sign3A_180 = arith.subi %sign3A_176, %sign3A_179 : i32
        %sign3A_181 = arith.constant 0 : i32
        %sign3A_182 = arith.cmpi sgt, %jit3A_172, %sign3A_181 : i32
        %sign3A_183 = arith.extui %sign3A_182 : i1 to i32
        %sign3A_184 = arith.constant 0 : i32
        %sign3A_185 = arith.cmpi slt, %jit3A_172, %sign3A_184 : i32
        %sign3A_186 = arith.extui %sign3A_185 : i1 to i32
        %sign3A_187 = arith.subi %sign3A_183, %sign3A_186 : i32
        %ne3A_188 = arith.cmpi ne, %sign3A_180, %sign3A_187 : i32
        %rem3A_189 = arith.remsi %add3A_171, %jit3A_172 : i32
        %ne3A_190 = arith.constant 0 : i32
        %ne3A_191 = arith.cmpi ne, %rem3A_189, %ne3A_190 : i32
        %and3A_192 = arith.andi %ne3A_188, %ne3A_191 : i1
        %sub3A_193 = arith.constant 1 : i32
        %sub3A_194 = arith.subi %div3A_173, %sub3A_193 : i32
        %select_n3A_195 = arith.select %and3A_192, %sub3A_194, %div3A_173 : i32
        %add3A_196 = arith.constant 1 : i32
        %add3A_197 = arith.addi %scan3A_68, %add3A_196 : i32
        %jit3A_198 = arith.constant 8 : i32
        %eq3A_199 = arith.constant 0 : i32
        %eq3A_200 = arith.cmpi eq, %jit3A_198, %eq3A_199 : i32
        %jit3A_201 = arith.constant 1 : i32
        %select_n3A_202 = arith.select %eq3A_200, %jit3A_201, %jit3A_198 : i32
        %rem3A_203 = arith.remsi %add3A_197, %select_n3A_202 : i32
        %ne3A_204 = arith.constant 0 : i32
        %ne3A_205 = arith.cmpi ne, %rem3A_203, %ne3A_204 : i32
        %lt3A_206 = arith.constant 0 : i32
        %lt3A_207 = arith.cmpi slt, %rem3A_203, %lt3A_206 : i32
        %lt3A_208 = arith.constant 0 : i32
        %lt3A_209 = arith.cmpi slt, %select_n3A_202, %lt3A_208 : i32
        %ne3A_210 = arith.xori %lt3A_207, %lt3A_209 : i1
        %and3A_211 = arith.andi %ne3A_210, %ne3A_205 : i1
        %add3A_212 = arith.addi %rem3A_203, %select_n3A_202 : i32
        %select_n3A_213 = arith.select %and3A_211, %add3A_212, %rem3A_203 : i32
        %jit3A_214 = arith.constant 3 : i32
        %eq3A_215 = arith.constant 0 : i32
        %eq3A_216 = arith.cmpi eq, %jit3A_214, %eq3A_215 : i32
        %jit3A_217 = arith.constant 1 : i32
        %select_n3A_218 = arith.select %eq3A_216, %jit3A_217, %jit3A_214 : i32
        %rem3A_219 = arith.remsi %select_n3A_195, %select_n3A_218 : i32
        %ne3A_220 = arith.constant 0 : i32
        %ne3A_221 = arith.cmpi ne, %rem3A_219, %ne3A_220 : i32
        %lt3A_222 = arith.constant 0 : i32
        %lt3A_223 = arith.cmpi slt, %rem3A_219, %lt3A_222 : i32
        %lt3A_224 = arith.constant 0 : i32
        %lt3A_225 = arith.cmpi slt, %select_n3A_218, %lt3A_224 : i32
        %ne3A_226 = arith.xori %lt3A_223, %lt3A_225 : i1
        %and3A_227 = arith.andi %ne3A_226, %ne3A_221 : i1
        %add3A_228 = arith.addi %rem3A_219, %select_n3A_218 : i32
        %select_n3A_229 = arith.select %and3A_227, %add3A_228, %rem3A_219 : i32
        %eq3A_230 = arith.constant 0 : i32
        %eq3A_231 = arith.cmpi eq, %select_n3A_213, %eq3A_230 : i32
        %convert_element_type3A_232 = arith.extui %eq3A_231 : i1 to i32
        %cond3A_233 = arith.constant 0 : i32
        %cond3A_234 = arith.cmpi ne, %convert_element_type3A_232, %cond3A_233 : i32
        scf.if %cond3A_234 {
          %mul3A_247 = arith.constant 8 : i32
          %mul3A_248 = arith.muli %select_n3A_195, %mul3A_247 : i32
          %multiple_of3A_249 = tpu.assume_multiple %mul3A_248, 8 : i32
          %dma_wait3A_250 = arith.constant 0 : i32
          %dma_wait3A_251 = arith.constant 0 : i32
          %dma_wait3A_252 = tpu.memref_slice %arg7[%select_n3A_229, %dma_wait3A_250, %dma_wait3A_251] : memref<3x8x128xi32, #tpu.memory_space<vmem>> -> memref<1x8x128xi32, #tpu.memory_space<vmem>>
          %dma_wait3A_253 = tpu.memref_squeeze %dma_wait3A_252 : memref<1x8x128xi32, #tpu.memory_space<vmem>> -> memref<8x128xi32, #tpu.memory_space<vmem>>
          %dma_wait3A_254 = arith.constant 0 : i32
          %dma_wait3A_255 = tpu.memref_slice %arg3[%add3A, %multiple_of3A_249, %dma_wait3A_254] : memref<32x80x128xi32, #tpu.memory_space<hbm>> -> memref<1x8x128xi32, #tpu.memory_space<hbm>>
          %dma_wait3A_256 = tpu.memref_squeeze %dma_wait3A_255 : memref<1x8x128xi32, #tpu.memory_space<hbm>> -> memref<8x128xi32, #tpu.memory_space<hbm>>
          %dma_wait3A_257 = arith.constant 0 : i32
          %dma_wait3A_258 = arith.constant 0 : i32
          %dma_wait3A_259 = tpu.memref_slice %arg7[%select_n3A_229, %dma_wait3A_257, %dma_wait3A_258] : memref<3x8x128xi32, #tpu.memory_space<vmem>> -> memref<1x8x128xi32, #tpu.memory_space<vmem>>
          %dma_wait3A_260 = tpu.memref_squeeze %dma_wait3A_259 : memref<1x8x128xi32, #tpu.memory_space<vmem>> -> memref<8x128xi32, #tpu.memory_space<vmem>>
          %dma_wait3A_261 = arith.constant 0 : i32
          %dma_wait3A_262 = tpu.memref_slice %arg3[%add3A, %multiple_of3A_249, %dma_wait3A_261] : memref<32x80x128xi32, #tpu.memory_space<hbm>> -> memref<1x8x128xi32, #tpu.memory_space<hbm>>
          %dma_wait3A_263 = tpu.memref_squeeze %dma_wait3A_262 : memref<1x8x128xi32, #tpu.memory_space<hbm>> -> memref<8x128xi32, #tpu.memory_space<hbm>>
          tpu.wait_dma2 semaphore(%arg13 : memref<!tpu.dma_semaphore, #tpu.memory_space<semaphore_mem>>) src(%dma_wait3A_263 : memref<8x128xi32, #tpu.memory_space<hbm>>) dst(%dma_wait3A_260 : memref<8x128xi32, #tpu.memory_space<vmem>>)
          %dma_wait3A_264 = arith.constant 0 : i32
          %dma_wait3A_265 = arith.constant 0 : i32
          %dma_wait3A_266 = tpu.memref_slice %arg8[%select_n3A_229, %dma_wait3A_264, %dma_wait3A_265] : memref<3x8x128xi32, #tpu.memory_space<vmem>> -> memref<1x8x128xi32, #tpu.memory_space<vmem>>
          %dma_wait3A_267 = tpu.memref_squeeze %dma_wait3A_266 : memref<1x8x128xi32, #tpu.memory_space<vmem>> -> memref<8x128xi32, #tpu.memory_space<vmem>>
          %dma_wait3A_268 = arith.constant 0 : i32
          %dma_wait3A_269 = tpu.memref_slice %arg4[%add3A, %multiple_of3A_249, %dma_wait3A_268] : memref<32x80x128xi32, #tpu.memory_space<hbm>> -> memref<1x8x128xi32, #tpu.memory_space<hbm>>
          %dma_wait3A_270 = tpu.memref_squeeze %dma_wait3A_269 : memref<1x8x128xi32, #tpu.memory_space<hbm>> -> memref<8x128xi32, #tpu.memory_space<hbm>>
          %dma_wait3A_271 = arith.constant 0 : i32
          %dma_wait3A_272 = arith.constant 0 : i32
          %dma_wait3A_273 = tpu.memref_slice %arg8[%select_n3A_229, %dma_wait3A_271, %dma_wait3A_272] : memref<3x8x128xi32, #tpu.memory_space<vmem>> -> memref<1x8x128xi32, #tpu.memory_space<vmem>>
          %dma_wait3A_274 = tpu.memref_squeeze %dma_wait3A_273 : memref<1x8x128xi32, #tpu.memory_space<vmem>> -> memref<8x128xi32, #tpu.memory_space<vmem>>
          %dma_wait3A_275 = arith.constant 0 : i32
          %dma_wait3A_276 = tpu.memref_slice %arg4[%add3A, %multiple_of3A_249, %dma_wait3A_275] : memref<32x80x128xi32, #tpu.memory_space<hbm>> -> memref<1x8x128xi32, #tpu.memory_space<hbm>>
          %dma_wait3A_277 = tpu.memref_squeeze %dma_wait3A_276 : memref<1x8x128xi32, #tpu.memory_space<hbm>> -> memref<8x128xi32, #tpu.memory_space<hbm>>
          tpu.wait_dma2 semaphore(%arg13 : memref<!tpu.dma_semaphore, #tpu.memory_space<semaphore_mem>>) src(%dma_wait3A_277 : memref<8x128xi32, #tpu.memory_space<hbm>>) dst(%dma_wait3A_274 : memref<8x128xi32, #tpu.memory_space<vmem>>)
        } else {
        }
        %sub3A_235 = arith.constant 1 : i32
        %sub3A_236 = arith.subi %sub3A_235, %select_n3A_77 : i32
        %dma_start3A_237 = arith.constant 0 : i32
        %dma_start3A_238 = arith.constant 0 : i32
        %dma_start3A_239 = tpu.memref_slice %arg9[%sub3A_236, %dma_start3A_237, %dma_start3A_238] : memref<2x128x128xf32, #tpu.memory_space<vmem>> -> memref<1x128x128xf32, #tpu.memory_space<vmem>>
        %dma_start3A_240 = tpu.memref_squeeze %dma_start3A_239 : memref<1x128x128xf32, #tpu.memory_space<vmem>> -> memref<128x128xf32, #tpu.memory_space<vmem>>
        %dma_start3A_241 = arith.constant 0 : i32
        %dma_start3A_242 = tpu.memref_slice %arg7[%select_n3A_229, %select_n3A_213, %dma_start3A_241] : memref<3x8x128xi32, #tpu.memory_space<vmem>> -> memref<1x1x128xi32, #tpu.memory_space<vmem>>
        %dma_start3A_243 = tpu.memref_squeeze %dma_start3A_242 : memref<1x1x128xi32, #tpu.memory_space<vmem>> -> memref<128xi32, #tpu.memory_space<vmem>>
        %dma_start3A_244 = arith.constant 0 : i32
        %dma_start3A_245 = arith.constant 0 : i32
        %dma_start3A_246 = tpu.memref_slice %arg2[%dma_start3A_244, %dma_start3A_245] : memref<10000x128xf32, #tpu.memory_space<hbm>> -> memref<10000x128xf32, #tpu.memory_space<hbm>>
        tpu.enqueue_indirect_dma source(%dma_start3A_246 : memref<10000x128xf32, #tpu.memory_space<hbm>>) target(%dma_start3A_240 : memref<128x128xf32, #tpu.memory_space<vmem>>) offsets(%dma_start3A_243 : memref<128xi32, #tpu.memory_space<vmem>>) semaphore(%arg11 : memref<!tpu.dma_semaphore, #tpu.memory_space<semaphore_mem>>)
      } else {
      }
    }
    %scan3A_54 = arith.constant 80 : i32
    %dma_wait3A = arith.constant 0 : i32
    %dma_wait3A_55 = arith.constant 0 : i32
    %dma_wait3A_56 = arith.constant 0 : i32
    %dma_wait3A_57 = arith.constant 0 : i32
    %dma_wait3A_58 = arith.constant 0 : i32
    %dma_wait3A_59 = tpu.memref_slice %arg9[%dma_wait3A, %dma_wait3A_57, %dma_wait3A_58] : memref<2x128x128xf32, #tpu.memory_space<vmem>> -> memref<1x128x128xf32, #tpu.memory_space<vmem>>
    %dma_wait3A_60 = tpu.memref_squeeze %dma_wait3A_59 : memref<1x128x128xf32, #tpu.memory_space<vmem>> -> memref<128x128xf32, #tpu.memory_space<vmem>>
    %dma_wait3A_61 = arith.constant 0 : i32
    %dma_wait3A_62 = tpu.memref_slice %arg8[%dma_wait3A_55, %dma_wait3A_56, %dma_wait3A_61] : memref<3x8x128xi32, #tpu.memory_space<vmem>> -> memref<1x1x128xi32, #tpu.memory_space<vmem>>
    %dma_wait3A_63 = tpu.memref_squeeze %dma_wait3A_62 : memref<1x1x128xi32, #tpu.memory_space<vmem>> -> memref<128xi32, #tpu.memory_space<vmem>>
    %dma_wait3A_64 = arith.constant 0 : i32
    %dma_wait3A_65 = arith.constant 0 : i32
    %dma_wait3A_66 = tpu.memref_slice %arg10[%dma_wait3A_64, %dma_wait3A_65] : memref<10112x128xf32, #tpu.memory_space<vmem_shared>> -> memref<10112x128xf32, #tpu.memory_space<vmem_shared>>
    tpu.wait_indirect_dma semaphore(%arg12 : memref<!tpu.dma_semaphore, #tpu.memory_space<semaphore_mem>>) src(%dma_wait3A_60 : memref<128x128xf32, #tpu.memory_space<vmem>>) dst(%dma_wait3A_66 : memref<10112x128xf32, #tpu.memory_space<vmem_shared>>)
    %barrier3A_67 = arith.constant 0 : index
    tpu.barrier barrier_id(%barrier3A_67)
    "tpu.region"() ({
      %run_scoped3A_68 = tpu.sem_alloc : memref<!tpu.dma_semaphore, #tpu.memory_space<semaphore_mem>>
      %dma_start3A_69 = arith.constant 0 : i32
      %dma_start3A_70 = tpu.memref_slice %arg6[%arg0, %multiple_of3A, %dma_start3A_69] : memref<2x10112x128xf32, #tpu.memory_space<hbm>> -> memref<1x632x128xf32, #tpu.memory_space<hbm>>
      %dma_start3A_71 = tpu.memref_squeeze %dma_start3A_70 : memref<1x632x128xf32, #tpu.memory_space<hbm>> -> memref<632x128xf32, #tpu.memory_space<hbm>>
      %dma_start3A_72 = arith.constant 0 : i32
      %dma_start3A_73 = tpu.memref_slice %arg10[%multiple_of3A, %dma_start3A_72] : memref<10112x128xf32, #tpu.memory_space<vmem_shared>> -> memref<632x128xf32, #tpu.memory_space<vmem_shared>>
      tpu.enqueue_dma source(%dma_start3A_73 : memref<632x128xf32, #tpu.memory_space<vmem_shared>>) target(%dma_start3A_71 : memref<632x128xf32, #tpu.memory_space<hbm>>) target_semaphore(%run_scoped3A_68 : memref<!tpu.dma_semaphore, #tpu.memory_space<semaphore_mem>>)
      %dma_wait3A_74 = arith.constant 0 : i32
      %dma_wait3A_75 = tpu.memref_slice %arg6[%arg0, %multiple_of3A, %dma_wait3A_74] : memref<2x10112x128xf32, #tpu.memory_space<hbm>> -> memref<1x632x128xf32, #tpu.memory_space<hbm>>
      %dma_wait3A_76 = tpu.memref_squeeze %dma_wait3A_75 : memref<1x632x128xf32, #tpu.memory_space<hbm>> -> memref<632x128xf32, #tpu.memory_space<hbm>>
      %dma_wait3A_77 = arith.constant 0 : i32
      %dma_wait3A_78 = tpu.memref_slice %arg10[%multiple_of3A, %dma_wait3A_77] : memref<10112x128xf32, #tpu.memory_space<vmem_shared>> -> memref<632x128xf32, #tpu.memory_space<vmem_shared>>
      tpu.wait_dma2 semaphore(%run_scoped3A_68 : memref<!tpu.dma_semaphore, #tpu.memory_space<semaphore_mem>>) src(%dma_wait3A_78 : memref<632x128xf32, #tpu.memory_space<vmem_shared>>) dst(%dma_wait3A_76 : memref<632x128xf32, #tpu.memory_space<hbm>>)
      tpu.yield
    }) : () -> ()
    return
  }
}

#map = affine_map<(d0, d1) -> (0, 0)>
#map1 = affine_map<(d0, d1) -> (0, 0, 0)>
module attributes {stable_mosaic.version = 14 : i64} {
  func.func @_deg_kernel(%arg0: i32, %arg1: i32, %arg2: memref<32x10240xi32, #tpu.memory_space<hbm>>, %arg3: memref<128x128xf32, #tpu.memory_space<hbm>>, %arg4: memref<2x16384x128xf32, #tpu.memory_space<hbm>>, %arg5: memref<10240xi32, #tpu.memory_space<vmem>>, %arg6: memref<128x128xf32, #tpu.memory_space<vmem>>, %arg7: memref<1x128xi32, #tpu.memory_space<vmem>>, %arg8: memref<8x128xf32, #tpu.memory_space<vmem>>, %arg9: memref<512x128xf32, #tpu.memory_space<vmem>>, %arg10: memref<128x128xf32, #tpu.memory_space<vmem_shared>>) attributes {dimension_semantics = [#tpu.dimension_semantics<core_parallel>, #tpu.dimension_semantics<subcore_parallel>], iteration_bounds = array<i64: 2, 16>, scalar_prefetch = 0 : i64, scratch_operands = 6 : i64, tpu.core_type = #tpu.core_type<sc_vector_subcore>, window_params = [{transform_indices = #map}, {transform_indices = #map}, {transform_indices = #map1}]} {
    %mul3A = arith.constant 2 : i32
    %mul3A_0 = arith.muli %arg1, %mul3A : i32
    %add3A = arith.addi %mul3A_0, %arg0 : i32
    "tpu.region"() ({
      %run_scoped3A_522 = tpu.sem_alloc : memref<!tpu.dma_semaphore, #tpu.memory_space<semaphore_mem>>
      %dma_start3A = arith.constant 0 : i32
      %dma_start3A_523 = tpu.memref_slice %arg2[%add3A, %dma_start3A] : memref<32x10240xi32, #tpu.memory_space<hbm>> -> memref<1x10240xi32, #tpu.memory_space<hbm>>
      %dma_start3A_524 = tpu.memref_squeeze %dma_start3A_523 : memref<1x10240xi32, #tpu.memory_space<hbm>> -> memref<10240xi32, #tpu.memory_space<hbm>>
      %dma_start3A_525 = arith.constant 0 : i32
      %dma_start3A_526 = tpu.memref_slice %arg2[%add3A, %dma_start3A_525] : memref<32x10240xi32, #tpu.memory_space<hbm>> -> memref<1x10240xi32, #tpu.memory_space<hbm>>
      %dma_start3A_527 = tpu.memref_squeeze %dma_start3A_526 : memref<1x10240xi32, #tpu.memory_space<hbm>> -> memref<10240xi32, #tpu.memory_space<hbm>>
      tpu.enqueue_dma source(%dma_start3A_527 : memref<10240xi32, #tpu.memory_space<hbm>>) target(%arg5 : memref<10240xi32, #tpu.memory_space<vmem>>) target_semaphore(%run_scoped3A_522 : memref<!tpu.dma_semaphore, #tpu.memory_space<semaphore_mem>>)
      %dma_wait3A = arith.constant 0 : i32
      %dma_wait3A_528 = tpu.memref_slice %arg2[%add3A, %dma_wait3A] : memref<32x10240xi32, #tpu.memory_space<hbm>> -> memref<1x10240xi32, #tpu.memory_space<hbm>>
      %dma_wait3A_529 = tpu.memref_squeeze %dma_wait3A_528 : memref<1x10240xi32, #tpu.memory_space<hbm>> -> memref<10240xi32, #tpu.memory_space<hbm>>
      %dma_wait3A_530 = arith.constant 0 : i32
      %dma_wait3A_531 = tpu.memref_slice %arg2[%add3A, %dma_wait3A_530] : memref<32x10240xi32, #tpu.memory_space<hbm>> -> memref<1x10240xi32, #tpu.memory_space<hbm>>
      %dma_wait3A_532 = tpu.memref_squeeze %dma_wait3A_531 : memref<1x10240xi32, #tpu.memory_space<hbm>> -> memref<10240xi32, #tpu.memory_space<hbm>>
      tpu.wait_dma2 semaphore(%run_scoped3A_522 : memref<!tpu.dma_semaphore, #tpu.memory_space<semaphore_mem>>) src(%dma_wait3A_532 : memref<10240xi32, #tpu.memory_space<hbm>>) dst(%arg5 : memref<10240xi32, #tpu.memory_space<vmem>>)
      tpu.yield
    }) : () -> ()
    "tpu.region"() ({
      %run_scoped3A_522 = tpu.sem_alloc : memref<!tpu.dma_semaphore, #tpu.memory_space<semaphore_mem>>
      tpu.enqueue_dma source(%arg3 : memref<128x128xf32, #tpu.memory_space<hbm>>) target(%arg6 : memref<128x128xf32, #tpu.memory_space<vmem>>) target_semaphore(%run_scoped3A_522 : memref<!tpu.dma_semaphore, #tpu.memory_space<semaphore_mem>>)
      tpu.wait_dma2 semaphore(%run_scoped3A_522 : memref<!tpu.dma_semaphore, #tpu.memory_space<semaphore_mem>>) src(%arg3 : memref<128x128xf32, #tpu.memory_space<hbm>>) dst(%arg6 : memref<128x128xf32, #tpu.memory_space<vmem>>)
      tpu.yield
    }) : () -> ()
    %mul3A_1 = arith.constant 8 : i32
    %mul3A_2 = arith.muli %arg1, %mul3A_1 : i32
    %multiple_of3A = tpu.assume_multiple %mul3A_2, 8 : i32
    "tpu.region"() ({
      %run_scoped3A_522 = tpu.sem_alloc : memref<!tpu.dma_semaphore, #tpu.memory_space<semaphore_mem>>
      %dma_start3A = arith.constant 0 : i32
      %dma_start3A_523 = tpu.memref_slice %arg10[%multiple_of3A, %dma_start3A] : memref<128x128xf32, #tpu.memory_space<vmem_shared>> -> memref<8x128xf32, #tpu.memory_space<vmem_shared>>
      %dma_start3A_524 = arith.constant 0 : i32
      %dma_start3A_525 = tpu.memref_slice %arg3[%multiple_of3A, %dma_start3A_524] : memref<128x128xf32, #tpu.memory_space<hbm>> -> memref<8x128xf32, #tpu.memory_space<hbm>>
      tpu.enqueue_dma source(%dma_start3A_525 : memref<8x128xf32, #tpu.memory_space<hbm>>) target(%dma_start3A_523 : memref<8x128xf32, #tpu.memory_space<vmem_shared>>) target_semaphore(%run_scoped3A_522 : memref<!tpu.dma_semaphore, #tpu.memory_space<semaphore_mem>>)
      %dma_wait3A = arith.constant 0 : i32
      %dma_wait3A_526 = tpu.memref_slice %arg10[%multiple_of3A, %dma_wait3A] : memref<128x128xf32, #tpu.memory_space<vmem_shared>> -> memref<8x128xf32, #tpu.memory_space<vmem_shared>>
      %dma_wait3A_527 = arith.constant 0 : i32
      %dma_wait3A_528 = tpu.memref_slice %arg3[%multiple_of3A, %dma_wait3A_527] : memref<128x128xf32, #tpu.memory_space<hbm>> -> memref<8x128xf32, #tpu.memory_space<hbm>>
      tpu.wait_dma2 semaphore(%run_scoped3A_522 : memref<!tpu.dma_semaphore, #tpu.memory_space<semaphore_mem>>) src(%dma_wait3A_528 : memref<8x128xf32, #tpu.memory_space<hbm>>) dst(%dma_wait3A_526 : memref<8x128xf32, #tpu.memory_space<vmem_shared>>)
      tpu.yield
    }) : () -> ()
    %iota3A = tpu.iota {dimensions = array<i32: 0>} : vector<16xi32>
    %add3A_3 = arith.constant 0 : i32
    %add3A_4 = vector.broadcast %add3A_3 : i32 to vector<16xi32>
    %add3A_5 = arith.addi %iota3A, %add3A_4 : vector<16xi32>
    %swap3A = arith.constant 0 : i32
    %swap3A_6 = arith.index_cast %swap3A : i32 to index
    %swap3A_7 = arith.constant 0 : index
    %swap3A_8 = tpu.vector_load %arg7[%swap3A_6, %swap3A_7] {strides = array<i32>} : memref<1x128xi32, #tpu.memory_space<vmem>>, vector<16xi32>,
    tpu.vector_store %arg7[%swap3A_6, %swap3A_7], %add3A_5 {strides = array<i32>} : memref<1x128xi32, #tpu.memory_space<vmem>>, vector<16xi32>,
    %add3A_9 = arith.constant 16 : i32
    %add3A_10 = vector.broadcast %add3A_9 : i32 to vector<16xi32>
    %add3A_11 = arith.addi %iota3A, %add3A_10 : vector<16xi32>
    %swap3A_12 = arith.constant 0 : i32
    %swap3A_13 = arith.index_cast %swap3A_12 : i32 to index
    %swap3A_14 = arith.constant 16 : index
    %swap3A_15 = tpu.vector_load %arg7[%swap3A_13, %swap3A_14] {strides = array<i32>} : memref<1x128xi32, #tpu.memory_space<vmem>>, vector<16xi32>,
    tpu.vector_store %arg7[%swap3A_13, %swap3A_14], %add3A_11 {strides = array<i32>} : memref<1x128xi32, #tpu.memory_space<vmem>>, vector<16xi32>,
    %add3A_16 = arith.constant 32 : i32
    %add3A_17 = vector.broadcast %add3A_16 : i32 to vector<16xi32>
    %add3A_18 = arith.addi %iota3A, %add3A_17 : vector<16xi32>
    %swap3A_19 = arith.constant 0 : i32
    %swap3A_20 = arith.index_cast %swap3A_19 : i32 to index
    %swap3A_21 = arith.constant 32 : index
    %swap3A_22 = tpu.vector_load %arg7[%swap3A_20, %swap3A_21] {strides = array<i32>} : memref<1x128xi32, #tpu.memory_space<vmem>>, vector<16xi32>,
    tpu.vector_store %arg7[%swap3A_20, %swap3A_21], %add3A_18 {strides = array<i32>} : memref<1x128xi32, #tpu.memory_space<vmem>>, vector<16xi32>,
    %add3A_23 = arith.constant 48 : i32
    %add3A_24 = vector.broadcast %add3A_23 : i32 to vector<16xi32>
    %add3A_25 = arith.addi %iota3A, %add3A_24 : vector<16xi32>
    %swap3A_26 = arith.constant 0 : i32
    %swap3A_27 = arith.index_cast %swap3A_26 : i32 to index
    %swap3A_28 = arith.constant 48 : index
    %swap3A_29 = tpu.vector_load %arg7[%swap3A_27, %swap3A_28] {strides = array<i32>} : memref<1x128xi32, #tpu.memory_space<vmem>>, vector<16xi32>,
    tpu.vector_store %arg7[%swap3A_27, %swap3A_28], %add3A_25 {strides = array<i32>} : memref<1x128xi32, #tpu.memory_space<vmem>>, vector<16xi32>,
    %add3A_30 = arith.constant 64 : i32
    %add3A_31 = vector.broadcast %add3A_30 : i32 to vector<16xi32>
    %add3A_32 = arith.addi %iota3A, %add3A_31 : vector<16xi32>
    %swap3A_33 = arith.constant 0 : i32
    %swap3A_34 = arith.index_cast %swap3A_33 : i32 to index
    %swap3A_35 = arith.constant 64 : index
    %swap3A_36 = tpu.vector_load %arg7[%swap3A_34, %swap3A_35] {strides = array<i32>} : memref<1x128xi32, #tpu.memory_space<vmem>>, vector<16xi32>,
    tpu.vector_store %arg7[%swap3A_34, %swap3A_35], %add3A_32 {strides = array<i32>} : memref<1x128xi32, #tpu.memory_space<vmem>>, vector<16xi32>,
    %add3A_37 = arith.constant 80 : i32
    %add3A_38 = vector.broadcast %add3A_37 : i32 to vector<16xi32>
    %add3A_39 = arith.addi %iota3A, %add3A_38 : vector<16xi32>
    %swap3A_40 = arith.constant 0 : i32
    %swap3A_41 = arith.index_cast %swap3A_40 : i32 to index
    %swap3A_42 = arith.constant 80 : index
    %swap3A_43 = tpu.vector_load %arg7[%swap3A_41, %swap3A_42] {strides = array<i32>} : memref<1x128xi32, #tpu.memory_space<vmem>>, vector<16xi32>,
    tpu.vector_store %arg7[%swap3A_41, %swap3A_42], %add3A_39 {strides = array<i32>} : memref<1x128xi32, #tpu.memory_space<vmem>>, vector<16xi32>,
    %add3A_44 = arith.constant 96 : i32
    %add3A_45 = vector.broadcast %add3A_44 : i32 to vector<16xi32>
    %add3A_46 = arith.addi %iota3A, %add3A_45 : vector<16xi32>
    %swap3A_47 = arith.constant 0 : i32
    %swap3A_48 = arith.index_cast %swap3A_47 : i32 to index
    %swap3A_49 = arith.constant 96 : index
    %swap3A_50 = tpu.vector_load %arg7[%swap3A_48, %swap3A_49] {strides = array<i32>} : memref<1x128xi32, #tpu.memory_space<vmem>>, vector<16xi32>,
    tpu.vector_store %arg7[%swap3A_48, %swap3A_49], %add3A_46 {strides = array<i32>} : memref<1x128xi32, #tpu.memory_space<vmem>>, vector<16xi32>,
    %add3A_51 = arith.constant 112 : i32
    %add3A_52 = vector.broadcast %add3A_51 : i32 to vector<16xi32>
    %add3A_53 = arith.addi %iota3A, %add3A_52 : vector<16xi32>
    %swap3A_54 = arith.constant 0 : i32
    %swap3A_55 = arith.index_cast %swap3A_54 : i32 to index
    %swap3A_56 = arith.constant 112 : index
    %swap3A_57 = tpu.vector_load %arg7[%swap3A_55, %swap3A_56] {strides = array<i32>} : memref<1x128xi32, #tpu.memory_space<vmem>>, vector<16xi32>,
    tpu.vector_store %arg7[%swap3A_55, %swap3A_56], %add3A_53 {strides = array<i32>} : memref<1x128xi32, #tpu.memory_space<vmem>>, vector<16xi32>,
    %broadcast_in_dim3A = arith.constant 1.000000e+00 : f32
    %broadcast_in_dim3A_58 = vector.broadcast %broadcast_in_dim3A : f32 to vector<16xf32>
    %scan3A = arith.constant 0 : i32
    %scan3A_59 = arith.constant 0 : i32
    %scan3A_60 = arith.constant 80 : i32
    %scan3A_61 = arith.addi %scan3A_59, %scan3A_60 : i32
    %scan3A_62 = arith.constant 1 : i32
    scf.for %scan3A_522 = %scan3A_59 to %scan3A_61 step %scan3A_62  : i32 {
      %mul3A_523 = arith.constant 128 : i32
      %mul3A_524 = arith.muli %scan3A_522, %mul3A_523 : i32
      %add3A_525 = arith.constant 0 : i32
      %add3A_526 = arith.addi %mul3A_524, %add3A_525 : i32
      %get3A_527 = arith.index_cast %add3A_526 : i32 to index
      %get3A_528 = tpu.vector_load %arg5[%get3A_527] {strides = array<i32>} : memref<10240xi32, #tpu.memory_space<vmem>>, vector<16xi32>,
      %shift_right_arithmetic3A = arith.constant 7 : i32
      %shift_right_arithmetic3A_529 = vector.broadcast %shift_right_arithmetic3A : i32 to vector<16xi32>
      %shift_right_arithmetic3A_530 = arith.shrsi %get3A_528, %shift_right_arithmetic3A_529 : vector<16xi32>
      %and3A = arith.constant 127 : i32
      %and3A_531 = vector.broadcast %and3A : i32 to vector<16xi32>
      %and3A_532 = arith.andi %get3A_528, %and3A_531 : vector<16xi32>
      tpu.vector_store_idx %arg6[%shift_right_arithmetic3A_530, %and3A_532], %broadcast_in_dim3A_58 {add = true} : memref<128x128xf32, #tpu.memory_space<vmem>>[vector<16xi32>, vector<16xi32>], vector<16xf32>,
      %add3A_533 = arith.constant 16 : i32
      %add3A_534 = arith.addi %mul3A_524, %add3A_533 : i32
      %get3A_535 = arith.index_cast %add3A_534 : i32 to index
      %get3A_536 = tpu.vector_load %arg5[%get3A_535] {strides = array<i32>} : memref<10240xi32, #tpu.memory_space<vmem>>, vector<16xi32>,
      %shift_right_arithmetic3A_537 = arith.constant 7 : i32
      %shift_right_arithmetic3A_538 = vector.broadcast %shift_right_arithmetic3A_537 : i32 to vector<16xi32>
      %shift_right_arithmetic3A_539 = arith.shrsi %get3A_536, %shift_right_arithmetic3A_538 : vector<16xi32>
      %and3A_540 = arith.constant 127 : i32
      %and3A_541 = vector.broadcast %and3A_540 : i32 to vector<16xi32>
      %and3A_542 = arith.andi %get3A_536, %and3A_541 : vector<16xi32>
      tpu.vector_store_idx %arg6[%shift_right_arithmetic3A_539, %and3A_542], %broadcast_in_dim3A_58 {add = true} : memref<128x128xf32, #tpu.memory_space<vmem>>[vector<16xi32>, vector<16xi32>], vector<16xf32>,
      %add3A_543 = arith.constant 32 : i32
      %add3A_544 = arith.addi %mul3A_524, %add3A_543 : i32
      %get3A_545 = arith.index_cast %add3A_544 : i32 to index
      %get3A_546 = tpu.vector_load %arg5[%get3A_545] {strides = array<i32>} : memref<10240xi32, #tpu.memory_space<vmem>>, vector<16xi32>,
      %shift_right_arithmetic3A_547 = arith.constant 7 : i32
      %shift_right_arithmetic3A_548 = vector.broadcast %shift_right_arithmetic3A_547 : i32 to vector<16xi32>
      %shift_right_arithmetic3A_549 = arith.shrsi %get3A_546, %shift_right_arithmetic3A_548 : vector<16xi32>
      %and3A_550 = arith.constant 127 : i32
      %and3A_551 = vector.broadcast %and3A_550 : i32 to vector<16xi32>
      %and3A_552 = arith.andi %get3A_546, %and3A_551 : vector<16xi32>
      tpu.vector_store_idx %arg6[%shift_right_arithmetic3A_549, %and3A_552], %broadcast_in_dim3A_58 {add = true} : memref<128x128xf32, #tpu.memory_space<vmem>>[vector<16xi32>, vector<16xi32>], vector<16xf32>,
      %add3A_553 = arith.constant 48 : i32
      %add3A_554 = arith.addi %mul3A_524, %add3A_553 : i32
      %get3A_555 = arith.index_cast %add3A_554 : i32 to index
      %get3A_556 = tpu.vector_load %arg5[%get3A_555] {strides = array<i32>} : memref<10240xi32, #tpu.memory_space<vmem>>, vector<16xi32>,
      %shift_right_arithmetic3A_557 = arith.constant 7 : i32
      %shift_right_arithmetic3A_558 = vector.broadcast %shift_right_arithmetic3A_557 : i32 to vector<16xi32>
      %shift_right_arithmetic3A_559 = arith.shrsi %get3A_556, %shift_right_arithmetic3A_558 : vector<16xi32>
      %and3A_560 = arith.constant 127 : i32
      %and3A_561 = vector.broadcast %and3A_560 : i32 to vector<16xi32>
      %and3A_562 = arith.andi %get3A_556, %and3A_561 : vector<16xi32>
      tpu.vector_store_idx %arg6[%shift_right_arithmetic3A_559, %and3A_562], %broadcast_in_dim3A_58 {add = true} : memref<128x128xf32, #tpu.memory_space<vmem>>[vector<16xi32>, vector<16xi32>], vector<16xf32>,
      %add3A_563 = arith.constant 64 : i32
      %add3A_564 = arith.addi %mul3A_524, %add3A_563 : i32
      %get3A_565 = arith.index_cast %add3A_564 : i32 to index
      %get3A_566 = tpu.vector_load %arg5[%get3A_565] {strides = array<i32>} : memref<10240xi32, #tpu.memory_space<vmem>>, vector<16xi32>,
      %shift_right_arithmetic3A_567 = arith.constant 7 : i32
      %shift_right_arithmetic3A_568 = vector.broadcast %shift_right_arithmetic3A_567 : i32 to vector<16xi32>
      %shift_right_arithmetic3A_569 = arith.shrsi %get3A_566, %shift_right_arithmetic3A_568 : vector<16xi32>
      %and3A_570 = arith.constant 127 : i32
      %and3A_571 = vector.broadcast %and3A_570 : i32 to vector<16xi32>
      %and3A_572 = arith.andi %get3A_566, %and3A_571 : vector<16xi32>
      tpu.vector_store_idx %arg6[%shift_right_arithmetic3A_569, %and3A_572], %broadcast_in_dim3A_58 {add = true} : memref<128x128xf32, #tpu.memory_space<vmem>>[vector<16xi32>, vector<16xi32>], vector<16xf32>,
      %add3A_573 = arith.constant 80 : i32
      %add3A_574 = arith.addi %mul3A_524, %add3A_573 : i32
      %get3A_575 = arith.index_cast %add3A_574 : i32 to index
      %get3A_576 = tpu.vector_load %arg5[%get3A_575] {strides = array<i32>} : memref<10240xi32, #tpu.memory_space<vmem>>, vector<16xi32>,
      %shift_right_arithmetic3A_577 = arith.constant 7 : i32
      %shift_right_arithmetic3A_578 = vector.broadcast %shift_right_arithmetic3A_577 : i32 to vector<16xi32>
      %shift_right_arithmetic3A_579 = arith.shrsi %get3A_576, %shift_right_arithmetic3A_578 : vector<16xi32>
      %and3A_580 = arith.constant 127 : i32
      %and3A_581 = vector.broadcast %and3A_580 : i32 to vector<16xi32>
      %and3A_582 = arith.andi %get3A_576, %and3A_581 : vector<16xi32>
      tpu.vector_store_idx %arg6[%shift_right_arithmetic3A_579, %and3A_582], %broadcast_in_dim3A_58 {add = true} : memref<128x128xf32, #tpu.memory_space<vmem>>[vector<16xi32>, vector<16xi32>], vector<16xf32>,
      %add3A_583 = arith.constant 96 : i32
      %add3A_584 = arith.addi %mul3A_524, %add3A_583 : i32
      %get3A_585 = arith.index_cast %add3A_584 : i32 to index
      %get3A_586 = tpu.vector_load %arg5[%get3A_585] {strides = array<i32>} : memref<10240xi32, #tpu.memory_space<vmem>>, vector<16xi32>,
      %shift_right_arithmetic3A_587 = arith.constant 7 : i32
      %shift_right_arithmetic3A_588 = vector.broadcast %shift_right_arithmetic3A_587 : i32 to vector<16xi32>
      %shift_right_arithmetic3A_589 = arith.shrsi %get3A_586, %shift_right_arithmetic3A_588 : vector<16xi32>
      %and3A_590 = arith.constant 127 : i32
      %and3A_591 = vector.broadcast %and3A_590 : i32 to vector<16xi32>
      %and3A_592 = arith.andi %get3A_586, %and3A_591 : vector<16xi32>
      tpu.vector_store_idx %arg6[%shift_right_arithmetic3A_589, %and3A_592], %broadcast_in_dim3A_58 {add = true} : memref<128x128xf32, #tpu.memory_space<vmem>>[vector<16xi32>, vector<16xi32>], vector<16xf32>,
      %add3A_593 = arith.constant 112 : i32
      %add3A_594 = arith.addi %mul3A_524, %add3A_593 : i32
      %get3A_595 = arith.index_cast %add3A_594 : i32 to index
      %get3A_596 = tpu.vector_load %arg5[%get3A_595] {strides = array<i32>} : memref<10240xi32, #tpu.memory_space<vmem>>, vector<16xi32>,
      %shift_right_arithmetic3A_597 = arith.constant 7 : i32
      %shift_right_arithmetic3A_598 = vector.broadcast %shift_right_arithmetic3A_597 : i32 to vector<16xi32>
      %shift_right_arithmetic3A_599 = arith.shrsi %get3A_596, %shift_right_arithmetic3A_598 : vector<16xi32>
      %and3A_600 = arith.constant 127 : i32
      %and3A_601 = vector.broadcast %and3A_600 : i32 to vector<16xi32>
      %and3A_602 = arith.andi %get3A_596, %and3A_601 : vector<16xi32>
      tpu.vector_store_idx %arg6[%shift_right_arithmetic3A_599, %and3A_602], %broadcast_in_dim3A_58 {add = true} : memref<128x128xf32, #tpu.memory_space<vmem>>[vector<16xi32>, vector<16xi32>], vector<16xf32>,
    }
    %scan3A_63 = arith.constant 80 : i32
    %barrier3A = arith.constant 0 : index
    tpu.barrier barrier_id(%barrier3A)
    %run_scoped3A = arith.constant 0 : i32
    "tpu.region"() ({
      %run_scoped3A_522 = tpu.sem_alloc : memref<!tpu.dma_semaphore, #tpu.memory_space<semaphore_mem>>
      %dma_start3A = arith.constant 0 : i32
      %dma_start3A_523 = tpu.memref_slice %arg7[%run_scoped3A, %dma_start3A] : memref<1x128xi32, #tpu.memory_space<vmem>> -> memref<1x128xi32, #tpu.memory_space<vmem>>
      %dma_start3A_524 = tpu.memref_squeeze %dma_start3A_523 : memref<1x128xi32, #tpu.memory_space<vmem>> -> memref<128xi32, #tpu.memory_space<vmem>>
      %dma_start3A_525 = arith.constant 0 : i32
      %dma_start3A_526 = arith.constant 0 : i32
      %dma_start3A_527 = tpu.memref_slice %arg10[%dma_start3A_525, %dma_start3A_526] : memref<128x128xf32, #tpu.memory_space<vmem_shared>> -> memref<128x128xf32, #tpu.memory_space<vmem_shared>>
      tpu.enqueue_indirect_dma source(%arg6 : memref<128x128xf32, #tpu.memory_space<vmem>>) target(%dma_start3A_527 : memref<128x128xf32, #tpu.memory_space<vmem_shared>>) offsets(%dma_start3A_524 : memref<128xi32, #tpu.memory_space<vmem>>) semaphore(%run_scoped3A_522 : memref<!tpu.dma_semaphore, #tpu.memory_space<semaphore_mem>>) {add = true}
      %dma_wait3A = arith.constant 0 : i32
      %dma_wait3A_528 = tpu.memref_slice %arg7[%run_scoped3A, %dma_wait3A] : memref<1x128xi32, #tpu.memory_space<vmem>> -> memref<1x128xi32, #tpu.memory_space<vmem>>
      %dma_wait3A_529 = tpu.memref_squeeze %dma_wait3A_528 : memref<1x128xi32, #tpu.memory_space<vmem>> -> memref<128xi32, #tpu.memory_space<vmem>>
      %dma_wait3A_530 = arith.constant 0 : i32
      %dma_wait3A_531 = arith.constant 0 : i32
      %dma_wait3A_532 = tpu.memref_slice %arg10[%dma_wait3A_530, %dma_wait3A_531] : memref<128x128xf32, #tpu.memory_space<vmem_shared>> -> memref<128x128xf32, #tpu.memory_space<vmem_shared>>
      tpu.wait_indirect_dma semaphore(%run_scoped3A_522 : memref<!tpu.dma_semaphore, #tpu.memory_space<semaphore_mem>>) src(%arg6 : memref<128x128xf32, #tpu.memory_space<vmem>>) dst(%dma_wait3A_532 : memref<128x128xf32, #tpu.memory_space<vmem_shared>>)
      tpu.yield
    }) : () -> ()
    %barrier3A_64 = arith.constant 0 : index
    tpu.barrier barrier_id(%barrier3A_64)
    "tpu.region"() ({
      %run_scoped3A_522 = tpu.sem_alloc : memref<!tpu.dma_semaphore, #tpu.memory_space<semaphore_mem>>
      %dma_start3A = arith.constant 0 : i32
      %dma_start3A_523 = tpu.memref_slice %arg10[%multiple_of3A, %dma_start3A] : memref<128x128xf32, #tpu.memory_space<vmem_shared>> -> memref<8x128xf32, #tpu.memory_space<vmem_shared>>
      %dma_start3A_524 = arith.constant 0 : i32
      %dma_start3A_525 = tpu.memref_slice %arg10[%multiple_of3A, %dma_start3A_524] : memref<128x128xf32, #tpu.memory_space<vmem_shared>> -> memref<8x128xf32, #tpu.memory_space<vmem_shared>>
      tpu.enqueue_dma source(%dma_start3A_525 : memref<8x128xf32, #tpu.memory_space<vmem_shared>>) target(%arg8 : memref<8x128xf32, #tpu.memory_space<vmem>>) target_semaphore(%run_scoped3A_522 : memref<!tpu.dma_semaphore, #tpu.memory_space<semaphore_mem>>)
      %dma_wait3A = arith.constant 0 : i32
      %dma_wait3A_526 = tpu.memref_slice %arg10[%multiple_of3A, %dma_wait3A] : memref<128x128xf32, #tpu.memory_space<vmem_shared>> -> memref<8x128xf32, #tpu.memory_space<vmem_shared>>
      %dma_wait3A_527 = arith.constant 0 : i32
      %dma_wait3A_528 = tpu.memref_slice %arg10[%multiple_of3A, %dma_wait3A_527] : memref<128x128xf32, #tpu.memory_space<vmem_shared>> -> memref<8x128xf32, #tpu.memory_space<vmem_shared>>
      tpu.wait_dma2 semaphore(%run_scoped3A_522 : memref<!tpu.dma_semaphore, #tpu.memory_space<semaphore_mem>>) src(%dma_wait3A_528 : memref<8x128xf32, #tpu.memory_space<vmem_shared>>) dst(%arg8 : memref<8x128xf32, #tpu.memory_space<vmem>>)
      tpu.yield
    }) : () -> ()
    %broadcast_in_dim3A_65 = arith.constant 0 : i32
    %broadcast_in_dim3A_66 = vector.broadcast %broadcast_in_dim3A_65 : i32 to vector<16xi32>
    %get3A = arith.constant 0 : i32
    %get3A_67 = arith.index_cast %get3A : i32 to index
    %get3A_68 = arith.constant 0 : index
    %get3A_69 = tpu.vector_load %arg8[%get3A_67, %get3A_68] {strides = array<i32>} : memref<8x128xf32, #tpu.memory_space<vmem>>, vector<16xf32>,
    %add3A_70 = arith.constant 0 : i32
    %add3A_71 = vector.broadcast %add3A_70 : i32 to vector<16xi32>
    %add3A_72 = arith.addi %iota3A, %add3A_71 : vector<16xi32>
    tpu.vector_store_idx %arg9[%add3A_72, %broadcast_in_dim3A_66], %get3A_69 : memref<512x128xf32, #tpu.memory_space<vmem>>[vector<16xi32>, vector<16xi32>], vector<16xf32>,
    %get3A_73 = arith.constant 0 : i32
    %get3A_74 = arith.index_cast %get3A_73 : i32 to index
    %get3A_75 = arith.constant 16 : index
    %get3A_76 = tpu.vector_load %arg8[%get3A_74, %get3A_75] {strides = array<i32>} : memref<8x128xf32, #tpu.memory_space<vmem>>, vector<16xf32>,
    %add3A_77 = arith.constant 16 : i32
    %add3A_78 = vector.broadcast %add3A_77 : i32 to vector<16xi32>
    %add3A_79 = arith.addi %iota3A, %add3A_78 : vector<16xi32>
    tpu.vector_store_idx %arg9[%add3A_79, %broadcast_in_dim3A_66], %get3A_76 : memref<512x128xf32, #tpu.memory_space<vmem>>[vector<16xi32>, vector<16xi32>], vector<16xf32>,
    %get3A_80 = arith.constant 0 : i32
    %get3A_81 = arith.index_cast %get3A_80 : i32 to index
    %get3A_82 = arith.constant 32 : index
    %get3A_83 = tpu.vector_load %arg8[%get3A_81, %get3A_82] {strides = array<i32>} : memref<8x128xf32, #tpu.memory_space<vmem>>, vector<16xf32>,
    %add3A_84 = arith.constant 32 : i32
    %add3A_85 = vector.broadcast %add3A_84 : i32 to vector<16xi32>
    %add3A_86 = arith.addi %iota3A, %add3A_85 : vector<16xi32>
    tpu.vector_store_idx %arg9[%add3A_86, %broadcast_in_dim3A_66], %get3A_83 : memref<512x128xf32, #tpu.memory_space<vmem>>[vector<16xi32>, vector<16xi32>], vector<16xf32>,
    %get3A_87 = arith.constant 0 : i32
    %get3A_88 = arith.index_cast %get3A_87 : i32 to index
    %get3A_89 = arith.constant 48 : index
    %get3A_90 = tpu.vector_load %arg8[%get3A_88, %get3A_89] {strides = array<i32>} : memref<8x128xf32, #tpu.memory_space<vmem>>, vector<16xf32>,
    %add3A_91 = arith.constant 48 : i32
    %add3A_92 = vector.broadcast %add3A_91 : i32 to vector<16xi32>
    %add3A_93 = arith.addi %iota3A, %add3A_92 : vector<16xi32>
    tpu.vector_store_idx %arg9[%add3A_93, %broadcast_in_dim3A_66], %get3A_90 : memref<512x128xf32, #tpu.memory_space<vmem>>[vector<16xi32>, vector<16xi32>], vector<16xf32>,
    %get3A_94 = arith.constant 0 : i32
    %get3A_95 = arith.index_cast %get3A_94 : i32 to index
    %get3A_96 = arith.constant 64 : index
    %get3A_97 = tpu.vector_load %arg8[%get3A_95, %get3A_96] {strides = array<i32>} : memref<8x128xf32, #tpu.memory_space<vmem>>, vector<16xf32>,
    %add3A_98 = arith.constant 64 : i32
    %add3A_99 = vector.broadcast %add3A_98 : i32 to vector<16xi32>
    %add3A_100 = arith.addi %iota3A, %add3A_99 : vector<16xi32>
    tpu.vector_store_idx %arg9[%add3A_100, %broadcast_in_dim3A_66], %get3A_97 : memref<512x128xf32, #tpu.memory_space<vmem>>[vector<16xi32>, vector<16xi32>], vector<16xf32>,
    %get3A_101 = arith.constant 0 : i32
    %get3A_102 = arith.index_cast %get3A_101 : i32 to index
    %get3A_103 = arith.constant 80 : index
    %get3A_104 = tpu.vector_load %arg8[%get3A_102, %get3A_103] {strides = array<i32>} : memref<8x128xf32, #tpu.memory_space<vmem>>, vector<16xf32>,
    %add3A_105 = arith.constant 80 : i32
    %add3A_106 = vector.broadcast %add3A_105 : i32 to vector<16xi32>
    %add3A_107 = arith.addi %iota3A, %add3A_106 : vector<16xi32>
    tpu.vector_store_idx %arg9[%add3A_107, %broadcast_in_dim3A_66], %get3A_104 : memref<512x128xf32, #tpu.memory_space<vmem>>[vector<16xi32>, vector<16xi32>], vector<16xf32>,
    %get3A_108 = arith.constant 0 : i32
    %get3A_109 = arith.index_cast %get3A_108 : i32 to index
    %get3A_110 = arith.constant 96 : index
    %get3A_111 = tpu.vector_load %arg8[%get3A_109, %get3A_110] {strides = array<i32>} : memref<8x128xf32, #tpu.memory_space<vmem>>, vector<16xf32>,
    %add3A_112 = arith.constant 96 : i32
    %add3A_113 = vector.broadcast %add3A_112 : i32 to vector<16xi32>
    %add3A_114 = arith.addi %iota3A, %add3A_113 : vector<16xi32>
    tpu.vector_store_idx %arg9[%add3A_114, %broadcast_in_dim3A_66], %get3A_111 : memref<512x128xf32, #tpu.memory_space<vmem>>[vector<16xi32>, vector<16xi32>], vector<16xf32>,
    %get3A_115 = arith.constant 0 : i32
    %get3A_116 = arith.index_cast %get3A_115 : i32 to index
    %get3A_117 = arith.constant 112 : index
    %get3A_118 = tpu.vector_load %arg8[%get3A_116, %get3A_117] {strides = array<i32>} : memref<8x128xf32, #tpu.memory_space<vmem>>, vector<16xf32>,
    %add3A_119 = arith.constant 112 : i32
    %add3A_120 = vector.broadcast %add3A_119 : i32 to vector<16xi32>
    %add3A_121 = arith.addi %iota3A, %add3A_120 : vector<16xi32>
    tpu.vector_store_idx %arg9[%add3A_121, %broadcast_in_dim3A_66], %get3A_118 : memref<512x128xf32, #tpu.memory_space<vmem>>[vector<16xi32>, vector<16xi32>], vector<16xf32>,
    %get3A_122 = arith.constant 1 : i32
    %get3A_123 = arith.index_cast %get3A_122 : i32 to index
    %get3A_124 = arith.constant 0 : index
    %get3A_125 = tpu.vector_load %arg8[%get3A_123, %get3A_124] {strides = array<i32>} : memref<8x128xf32, #tpu.memory_space<vmem>>, vector<16xf32>,
    %add3A_126 = arith.constant 128 : i32
    %add3A_127 = vector.broadcast %add3A_126 : i32 to vector<16xi32>
    %add3A_128 = arith.addi %iota3A, %add3A_127 : vector<16xi32>
    tpu.vector_store_idx %arg9[%add3A_128, %broadcast_in_dim3A_66], %get3A_125 : memref<512x128xf32, #tpu.memory_space<vmem>>[vector<16xi32>, vector<16xi32>], vector<16xf32>,
    %get3A_129 = arith.constant 1 : i32
    %get3A_130 = arith.index_cast %get3A_129 : i32 to index
    %get3A_131 = arith.constant 16 : index
    %get3A_132 = tpu.vector_load %arg8[%get3A_130, %get3A_131] {strides = array<i32>} : memref<8x128xf32, #tpu.memory_space<vmem>>, vector<16xf32>,
    %add3A_133 = arith.constant 144 : i32
    %add3A_134 = vector.broadcast %add3A_133 : i32 to vector<16xi32>
    %add3A_135 = arith.addi %iota3A, %add3A_134 : vector<16xi32>
    tpu.vector_store_idx %arg9[%add3A_135, %broadcast_in_dim3A_66], %get3A_132 : memref<512x128xf32, #tpu.memory_space<vmem>>[vector<16xi32>, vector<16xi32>], vector<16xf32>,
    %get3A_136 = arith.constant 1 : i32
    %get3A_137 = arith.index_cast %get3A_136 : i32 to index
    %get3A_138 = arith.constant 32 : index
    %get3A_139 = tpu.vector_load %arg8[%get3A_137, %get3A_138] {strides = array<i32>} : memref<8x128xf32, #tpu.memory_space<vmem>>, vector<16xf32>,
    %add3A_140 = arith.constant 160 : i32
    %add3A_141 = vector.broadcast %add3A_140 : i32 to vector<16xi32>
    %add3A_142 = arith.addi %iota3A, %add3A_141 : vector<16xi32>
    tpu.vector_store_idx %arg9[%add3A_142, %broadcast_in_dim3A_66], %get3A_139 : memref<512x128xf32, #tpu.memory_space<vmem>>[vector<16xi32>, vector<16xi32>], vector<16xf32>,
    %get3A_143 = arith.constant 1 : i32
    %get3A_144 = arith.index_cast %get3A_143 : i32 to index
    %get3A_145 = arith.constant 48 : index
    %get3A_146 = tpu.vector_load %arg8[%get3A_144, %get3A_145] {strides = array<i32>} : memref<8x128xf32, #tpu.memory_space<vmem>>, vector<16xf32>,
    %add3A_147 = arith.constant 176 : i32
    %add3A_148 = vector.broadcast %add3A_147 : i32 to vector<16xi32>
    %add3A_149 = arith.addi %iota3A, %add3A_148 : vector<16xi32>
    tpu.vector_store_idx %arg9[%add3A_149, %broadcast_in_dim3A_66], %get3A_146 : memref<512x128xf32, #tpu.memory_space<vmem>>[vector<16xi32>, vector<16xi32>], vector<16xf32>,
    %get3A_150 = arith.constant 1 : i32
    %get3A_151 = arith.index_cast %get3A_150 : i32 to index
    %get3A_152 = arith.constant 64 : index
    %get3A_153 = tpu.vector_load %arg8[%get3A_151, %get3A_152] {strides = array<i32>} : memref<8x128xf32, #tpu.memory_space<vmem>>, vector<16xf32>,
    %add3A_154 = arith.constant 192 : i32
    %add3A_155 = vector.broadcast %add3A_154 : i32 to vector<16xi32>
    %add3A_156 = arith.addi %iota3A, %add3A_155 : vector<16xi32>
    tpu.vector_store_idx %arg9[%add3A_156, %broadcast_in_dim3A_66], %get3A_153 : memref<512x128xf32, #tpu.memory_space<vmem>>[vector<16xi32>, vector<16xi32>], vector<16xf32>,
    %get3A_157 = arith.constant 1 : i32
    %get3A_158 = arith.index_cast %get3A_157 : i32 to index
    %get3A_159 = arith.constant 80 : index
    %get3A_160 = tpu.vector_load %arg8[%get3A_158, %get3A_159] {strides = array<i32>} : memref<8x128xf32, #tpu.memory_space<vmem>>, vector<16xf32>,
    %add3A_161 = arith.constant 208 : i32
    %add3A_162 = vector.broadcast %add3A_161 : i32 to vector<16xi32>
    %add3A_163 = arith.addi %iota3A, %add3A_162 : vector<16xi32>
    tpu.vector_store_idx %arg9[%add3A_163, %broadcast_in_dim3A_66], %get3A_160 : memref<512x128xf32, #tpu.memory_space<vmem>>[vector<16xi32>, vector<16xi32>], vector<16xf32>,
    %get3A_164 = arith.constant 1 : i32
    %get3A_165 = arith.index_cast %get3A_164 : i32 to index
    %get3A_166 = arith.constant 96 : index
    %get3A_167 = tpu.vector_load %arg8[%get3A_165, %get3A_166] {strides = array<i32>} : memref<8x128xf32, #tpu.memory_space<vmem>>, vector<16xf32>,
    %add3A_168 = arith.constant 224 : i32
    %add3A_169 = vector.broadcast %add3A_168 : i32 to vector<16xi32>
    %add3A_170 = arith.addi %iota3A, %add3A_169 : vector<16xi32>
    tpu.vector_store_idx %arg9[%add3A_170, %broadcast_in_dim3A_66], %get3A_167 : memref<512x128xf32, #tpu.memory_space<vmem>>[vector<16xi32>, vector<16xi32>], vector<16xf32>,
    %get3A_171 = arith.constant 1 : i32
    %get3A_172 = arith.index_cast %get3A_171 : i32 to index
    %get3A_173 = arith.constant 112 : index
    %get3A_174 = tpu.vector_load %arg8[%get3A_172, %get3A_173] {strides = array<i32>} : memref<8x128xf32, #tpu.memory_space<vmem>>, vector<16xf32>,
    %add3A_175 = arith.constant 240 : i32
    %add3A_176 = vector.broadcast %add3A_175 : i32 to vector<16xi32>
    %add3A_177 = arith.addi %iota3A, %add3A_176 : vector<16xi32>
    tpu.vector_store_idx %arg9[%add3A_177, %broadcast_in_dim3A_66], %get3A_174 : memref<512x128xf32, #tpu.memory_space<vmem>>[vector<16xi32>, vector<16xi32>], vector<16xf32>,
    %get3A_178 = arith.constant 2 : i32
    %get3A_179 = arith.index_cast %get3A_178 : i32 to index
    %get3A_180 = arith.constant 0 : index
    %get3A_181 = tpu.vector_load %arg8[%get3A_179, %get3A_180] {strides = array<i32>} : memref<8x128xf32, #tpu.memory_space<vmem>>, vector<16xf32>,
    %add3A_182 = arith.constant 256 : i32
    %add3A_183 = vector.broadcast %add3A_182 : i32 to vector<16xi32>
    %add3A_184 = arith.addi %iota3A, %add3A_183 : vector<16xi32>
    tpu.vector_store_idx %arg9[%add3A_184, %broadcast_in_dim3A_66], %get3A_181 : memref<512x128xf32, #tpu.memory_space<vmem>>[vector<16xi32>, vector<16xi32>], vector<16xf32>,
    %get3A_185 = arith.constant 2 : i32
    %get3A_186 = arith.index_cast %get3A_185 : i32 to index
    %get3A_187 = arith.constant 16 : index
    %get3A_188 = tpu.vector_load %arg8[%get3A_186, %get3A_187] {strides = array<i32>} : memref<8x128xf32, #tpu.memory_space<vmem>>, vector<16xf32>,
    %add3A_189 = arith.constant 272 : i32
    %add3A_190 = vector.broadcast %add3A_189 : i32 to vector<16xi32>
    %add3A_191 = arith.addi %iota3A, %add3A_190 : vector<16xi32>
    tpu.vector_store_idx %arg9[%add3A_191, %broadcast_in_dim3A_66], %get3A_188 : memref<512x128xf32, #tpu.memory_space<vmem>>[vector<16xi32>, vector<16xi32>], vector<16xf32>,
    %get3A_192 = arith.constant 2 : i32
    %get3A_193 = arith.index_cast %get3A_192 : i32 to index
    %get3A_194 = arith.constant 32 : index
    %get3A_195 = tpu.vector_load %arg8[%get3A_193, %get3A_194] {strides = array<i32>} : memref<8x128xf32, #tpu.memory_space<vmem>>, vector<16xf32>,
    %add3A_196 = arith.constant 288 : i32
    %add3A_197 = vector.broadcast %add3A_196 : i32 to vector<16xi32>
    %add3A_198 = arith.addi %iota3A, %add3A_197 : vector<16xi32>
    tpu.vector_store_idx %arg9[%add3A_198, %broadcast_in_dim3A_66], %get3A_195 : memref<512x128xf32, #tpu.memory_space<vmem>>[vector<16xi32>, vector<16xi32>], vector<16xf32>,
    %get3A_199 = arith.constant 2 : i32
    %get3A_200 = arith.index_cast %get3A_199 : i32 to index
    %get3A_201 = arith.constant 48 : index
    %get3A_202 = tpu.vector_load %arg8[%get3A_200, %get3A_201] {strides = array<i32>} : memref<8x128xf32, #tpu.memory_space<vmem>>, vector<16xf32>,
    %add3A_203 = arith.constant 304 : i32
    %add3A_204 = vector.broadcast %add3A_203 : i32 to vector<16xi32>
    %add3A_205 = arith.addi %iota3A, %add3A_204 : vector<16xi32>
    tpu.vector_store_idx %arg9[%add3A_205, %broadcast_in_dim3A_66], %get3A_202 : memref<512x128xf32, #tpu.memory_space<vmem>>[vector<16xi32>, vector<16xi32>], vector<16xf32>,
    %get3A_206 = arith.constant 2 : i32
    %get3A_207 = arith.index_cast %get3A_206 : i32 to index
    %get3A_208 = arith.constant 64 : index
    %get3A_209 = tpu.vector_load %arg8[%get3A_207, %get3A_208] {strides = array<i32>} : memref<8x128xf32, #tpu.memory_space<vmem>>, vector<16xf32>,
    %add3A_210 = arith.constant 320 : i32
    %add3A_211 = vector.broadcast %add3A_210 : i32 to vector<16xi32>
    %add3A_212 = arith.addi %iota3A, %add3A_211 : vector<16xi32>
    tpu.vector_store_idx %arg9[%add3A_212, %broadcast_in_dim3A_66], %get3A_209 : memref<512x128xf32, #tpu.memory_space<vmem>>[vector<16xi32>, vector<16xi32>], vector<16xf32>,
    %get3A_213 = arith.constant 2 : i32
    %get3A_214 = arith.index_cast %get3A_213 : i32 to index
    %get3A_215 = arith.constant 80 : index
    %get3A_216 = tpu.vector_load %arg8[%get3A_214, %get3A_215] {strides = array<i32>} : memref<8x128xf32, #tpu.memory_space<vmem>>, vector<16xf32>,
    %add3A_217 = arith.constant 336 : i32
    %add3A_218 = vector.broadcast %add3A_217 : i32 to vector<16xi32>
    %add3A_219 = arith.addi %iota3A, %add3A_218 : vector<16xi32>
    tpu.vector_store_idx %arg9[%add3A_219, %broadcast_in_dim3A_66], %get3A_216 : memref<512x128xf32, #tpu.memory_space<vmem>>[vector<16xi32>, vector<16xi32>], vector<16xf32>,
    %get3A_220 = arith.constant 2 : i32
    %get3A_221 = arith.index_cast %get3A_220 : i32 to index
    %get3A_222 = arith.constant 96 : index
    %get3A_223 = tpu.vector_load %arg8[%get3A_221, %get3A_222] {strides = array<i32>} : memref<8x128xf32, #tpu.memory_space<vmem>>, vector<16xf32>,
    %add3A_224 = arith.constant 352 : i32
    %add3A_225 = vector.broadcast %add3A_224 : i32 to vector<16xi32>
    %add3A_226 = arith.addi %iota3A, %add3A_225 : vector<16xi32>
    tpu.vector_store_idx %arg9[%add3A_226, %broadcast_in_dim3A_66], %get3A_223 : memref<512x128xf32, #tpu.memory_space<vmem>>[vector<16xi32>, vector<16xi32>], vector<16xf32>,
    %get3A_227 = arith.constant 2 : i32
    %get3A_228 = arith.index_cast %get3A_227 : i32 to index
    %get3A_229 = arith.constant 112 : index
    %get3A_230 = tpu.vector_load %arg8[%get3A_228, %get3A_229] {strides = array<i32>} : memref<8x128xf32, #tpu.memory_space<vmem>>, vector<16xf32>,
    %add3A_231 = arith.constant 368 : i32
    %add3A_232 = vector.broadcast %add3A_231 : i32 to vector<16xi32>
    %add3A_233 = arith.addi %iota3A, %add3A_232 : vector<16xi32>
    tpu.vector_store_idx %arg9[%add3A_233, %broadcast_in_dim3A_66], %get3A_230 : memref<512x128xf32, #tpu.memory_space<vmem>>[vector<16xi32>, vector<16xi32>], vector<16xf32>,
    %get3A_234 = arith.constant 3 : i32
    %get3A_235 = arith.index_cast %get3A_234 : i32 to index
    %get3A_236 = arith.constant 0 : index
    %get3A_237 = tpu.vector_load %arg8[%get3A_235, %get3A_236] {strides = array<i32>} : memref<8x128xf32, #tpu.memory_space<vmem>>, vector<16xf32>,
    %add3A_238 = arith.constant 384 : i32
    %add3A_239 = vector.broadcast %add3A_238 : i32 to vector<16xi32>
    %add3A_240 = arith.addi %iota3A, %add3A_239 : vector<16xi32>
    tpu.vector_store_idx %arg9[%add3A_240, %broadcast_in_dim3A_66], %get3A_237 : memref<512x128xf32, #tpu.memory_space<vmem>>[vector<16xi32>, vector<16xi32>], vector<16xf32>,
    %get3A_241 = arith.constant 3 : i32
    %get3A_242 = arith.index_cast %get3A_241 : i32 to index
    %get3A_243 = arith.constant 16 : index
    %get3A_244 = tpu.vector_load %arg8[%get3A_242, %get3A_243] {strides = array<i32>} : memref<8x128xf32, #tpu.memory_space<vmem>>, vector<16xf32>,
    %add3A_245 = arith.constant 400 : i32
    %add3A_246 = vector.broadcast %add3A_245 : i32 to vector<16xi32>
    %add3A_247 = arith.addi %iota3A, %add3A_246 : vector<16xi32>
    tpu.vector_store_idx %arg9[%add3A_247, %broadcast_in_dim3A_66], %get3A_244 : memref<512x128xf32, #tpu.memory_space<vmem>>[vector<16xi32>, vector<16xi32>], vector<16xf32>,
    %get3A_248 = arith.constant 3 : i32
    %get3A_249 = arith.index_cast %get3A_248 : i32 to index
    %get3A_250 = arith.constant 32 : index
    %get3A_251 = tpu.vector_load %arg8[%get3A_249, %get3A_250] {strides = array<i32>} : memref<8x128xf32, #tpu.memory_space<vmem>>, vector<16xf32>,
    %add3A_252 = arith.constant 416 : i32
    %add3A_253 = vector.broadcast %add3A_252 : i32 to vector<16xi32>
    %add3A_254 = arith.addi %iota3A, %add3A_253 : vector<16xi32>
    tpu.vector_store_idx %arg9[%add3A_254, %broadcast_in_dim3A_66], %get3A_251 : memref<512x128xf32, #tpu.memory_space<vmem>>[vector<16xi32>, vector<16xi32>], vector<16xf32>,
    %get3A_255 = arith.constant 3 : i32
    %get3A_256 = arith.index_cast %get3A_255 : i32 to index
    %get3A_257 = arith.constant 48 : index
    %get3A_258 = tpu.vector_load %arg8[%get3A_256, %get3A_257] {strides = array<i32>} : memref<8x128xf32, #tpu.memory_space<vmem>>, vector<16xf32>,
    %add3A_259 = arith.constant 432 : i32
    %add3A_260 = vector.broadcast %add3A_259 : i32 to vector<16xi32>
    %add3A_261 = arith.addi %iota3A, %add3A_260 : vector<16xi32>
    tpu.vector_store_idx %arg9[%add3A_261, %broadcast_in_dim3A_66], %get3A_258 : memref<512x128xf32, #tpu.memory_space<vmem>>[vector<16xi32>, vector<16xi32>], vector<16xf32>,
    %get3A_262 = arith.constant 3 : i32
    %get3A_263 = arith.index_cast %get3A_262 : i32 to index
    %get3A_264 = arith.constant 64 : index
    %get3A_265 = tpu.vector_load %arg8[%get3A_263, %get3A_264] {strides = array<i32>} : memref<8x128xf32, #tpu.memory_space<vmem>>, vector<16xf32>,
    %add3A_266 = arith.constant 448 : i32
    %add3A_267 = vector.broadcast %add3A_266 : i32 to vector<16xi32>
    %add3A_268 = arith.addi %iota3A, %add3A_267 : vector<16xi32>
    tpu.vector_store_idx %arg9[%add3A_268, %broadcast_in_dim3A_66], %get3A_265 : memref<512x128xf32, #tpu.memory_space<vmem>>[vector<16xi32>, vector<16xi32>], vector<16xf32>,
    %get3A_269 = arith.constant 3 : i32
    %get3A_270 = arith.index_cast %get3A_269 : i32 to index
    %get3A_271 = arith.constant 80 : index
    %get3A_272 = tpu.vector_load %arg8[%get3A_270, %get3A_271] {strides = array<i32>} : memref<8x128xf32, #tpu.memory_space<vmem>>, vector<16xf32>,
    %add3A_273 = arith.constant 464 : i32
    %add3A_274 = vector.broadcast %add3A_273 : i32 to vector<16xi32>
    %add3A_275 = arith.addi %iota3A, %add3A_274 : vector<16xi32>
    tpu.vector_store_idx %arg9[%add3A_275, %broadcast_in_dim3A_66], %get3A_272 : memref<512x128xf32, #tpu.memory_space<vmem>>[vector<16xi32>, vector<16xi32>], vector<16xf32>,
    %get3A_276 = arith.constant 3 : i32
    %get3A_277 = arith.index_cast %get3A_276 : i32 to index
    %get3A_278 = arith.constant 96 : index
    %get3A_279 = tpu.vector_load %arg8[%get3A_277, %get3A_278] {strides = array<i32>} : memref<8x128xf32, #tpu.memory_space<vmem>>, vector<16xf32>,
    %add3A_280 = arith.constant 480 : i32
    %add3A_281 = vector.broadcast %add3A_280 : i32 to vector<16xi32>
    %add3A_282 = arith.addi %iota3A, %add3A_281 : vector<16xi32>
    tpu.vector_store_idx %arg9[%add3A_282, %broadcast_in_dim3A_66], %get3A_279 : memref<512x128xf32, #tpu.memory_space<vmem>>[vector<16xi32>, vector<16xi32>], vector<16xf32>,
    %get3A_283 = arith.constant 3 : i32
    %get3A_284 = arith.index_cast %get3A_283 : i32 to index
    %get3A_285 = arith.constant 112 : index
    %get3A_286 = tpu.vector_load %arg8[%get3A_284, %get3A_285] {strides = array<i32>} : memref<8x128xf32, #tpu.memory_space<vmem>>, vector<16xf32>,
    %add3A_287 = arith.constant 496 : i32
    %add3A_288 = vector.broadcast %add3A_287 : i32 to vector<16xi32>
    %add3A_289 = arith.addi %iota3A, %add3A_288 : vector<16xi32>
    tpu.vector_store_idx %arg9[%add3A_289, %broadcast_in_dim3A_66], %get3A_286 : memref<512x128xf32, #tpu.memory_space<vmem>>[vector<16xi32>, vector<16xi32>], vector<16xf32>,
    %mul3A_290 = arith.constant 1024 : i32
    %mul3A_291 = arith.muli %arg1, %mul3A_290 : i32
    %add3A_292 = arith.constant 0 : i32
    %add3A_293 = arith.addi %mul3A_291, %add3A_292 : i32
    "tpu.region"() ({
      %run_scoped3A_522 = tpu.sem_alloc : memref<!tpu.dma_semaphore, #tpu.memory_space<semaphore_mem>>
      %dma_start3A = arith.constant 0 : i32
      %dma_start3A_523 = tpu.memref_slice %arg4[%arg0, %add3A_293, %dma_start3A] : memref<2x16384x128xf32, #tpu.memory_space<hbm>> -> memref<1x512x128xf32, #tpu.memory_space<hbm>>
      %dma_start3A_524 = tpu.memref_squeeze %dma_start3A_523 : memref<1x512x128xf32, #tpu.memory_space<hbm>> -> memref<512x128xf32, #tpu.memory_space<hbm>>
      %dma_start3A_525 = arith.constant 0 : i32
      %dma_start3A_526 = tpu.memref_slice %arg4[%arg0, %add3A_293, %dma_start3A_525] : memref<2x16384x128xf32, #tpu.memory_space<hbm>> -> memref<1x512x128xf32, #tpu.memory_space<hbm>>
      %dma_start3A_527 = tpu.memref_squeeze %dma_start3A_526 : memref<1x512x128xf32, #tpu.memory_space<hbm>> -> memref<512x128xf32, #tpu.memory_space<hbm>>
      tpu.enqueue_dma source(%arg9 : memref<512x128xf32, #tpu.memory_space<vmem>>) target(%dma_start3A_527 : memref<512x128xf32, #tpu.memory_space<hbm>>) target_semaphore(%run_scoped3A_522 : memref<!tpu.dma_semaphore, #tpu.memory_space<semaphore_mem>>)
      %dma_wait3A = arith.constant 0 : i32
      %dma_wait3A_528 = tpu.memref_slice %arg4[%arg0, %add3A_293, %dma_wait3A] : memref<2x16384x128xf32, #tpu.memory_space<hbm>> -> memref<1x512x128xf32, #tpu.memory_space<hbm>>
      %dma_wait3A_529 = tpu.memref_squeeze %dma_wait3A_528 : memref<1x512x128xf32, #tpu.memory_space<hbm>> -> memref<512x128xf32, #tpu.memory_space<hbm>>
      %dma_wait3A_530 = arith.constant 0 : i32
      %dma_wait3A_531 = tpu.memref_slice %arg4[%arg0, %add3A_293, %dma_wait3A_530] : memref<2x16384x128xf32, #tpu.memory_space<hbm>> -> memref<1x512x128xf32, #tpu.memory_space<hbm>>
      %dma_wait3A_532 = tpu.memref_squeeze %dma_wait3A_531 : memref<1x512x128xf32, #tpu.memory_space<hbm>> -> memref<512x128xf32, #tpu.memory_space<hbm>>
      tpu.wait_dma2 semaphore(%run_scoped3A_522 : memref<!tpu.dma_semaphore, #tpu.memory_space<semaphore_mem>>) src(%arg9 : memref<512x128xf32, #tpu.memory_space<vmem>>) dst(%dma_wait3A_532 : memref<512x128xf32, #tpu.memory_space<hbm>>)
      tpu.yield
    }) : () -> ()
    %get3A_294 = arith.constant 4 : i32
    %get3A_295 = arith.index_cast %get3A_294 : i32 to index
    %get3A_296 = arith.constant 0 : index
    %get3A_297 = tpu.vector_load %arg8[%get3A_295, %get3A_296] {strides = array<i32>} : memref<8x128xf32, #tpu.memory_space<vmem>>, vector<16xf32>,
    %add3A_298 = arith.constant 0 : i32
    %add3A_299 = vector.broadcast %add3A_298 : i32 to vector<16xi32>
    %add3A_300 = arith.addi %iota3A, %add3A_299 : vector<16xi32>
    tpu.vector_store_idx %arg9[%add3A_300, %broadcast_in_dim3A_66], %get3A_297 : memref<512x128xf32, #tpu.memory_space<vmem>>[vector<16xi32>, vector<16xi32>], vector<16xf32>,
    %get3A_301 = arith.constant 4 : i32
    %get3A_302 = arith.index_cast %get3A_301 : i32 to index
    %get3A_303 = arith.constant 16 : index
    %get3A_304 = tpu.vector_load %arg8[%get3A_302, %get3A_303] {strides = array<i32>} : memref<8x128xf32, #tpu.memory_space<vmem>>, vector<16xf32>,
    %add3A_305 = arith.constant 16 : i32
    %add3A_306 = vector.broadcast %add3A_305 : i32 to vector<16xi32>
    %add3A_307 = arith.addi %iota3A, %add3A_306 : vector<16xi32>
    tpu.vector_store_idx %arg9[%add3A_307, %broadcast_in_dim3A_66], %get3A_304 : memref<512x128xf32, #tpu.memory_space<vmem>>[vector<16xi32>, vector<16xi32>], vector<16xf32>,
    %get3A_308 = arith.constant 4 : i32
    %get3A_309 = arith.index_cast %get3A_308 : i32 to index
    %get3A_310 = arith.constant 32 : index
    %get3A_311 = tpu.vector_load %arg8[%get3A_309, %get3A_310] {strides = array<i32>} : memref<8x128xf32, #tpu.memory_space<vmem>>, vector<16xf32>,
    %add3A_312 = arith.constant 32 : i32
    %add3A_313 = vector.broadcast %add3A_312 : i32 to vector<16xi32>
    %add3A_314 = arith.addi %iota3A, %add3A_313 : vector<16xi32>
    tpu.vector_store_idx %arg9[%add3A_314, %broadcast_in_dim3A_66], %get3A_311 : memref<512x128xf32, #tpu.memory_space<vmem>>[vector<16xi32>, vector<16xi32>], vector<16xf32>,
    %get3A_315 = arith.constant 4 : i32
    %get3A_316 = arith.index_cast %get3A_315 : i32 to index
    %get3A_317 = arith.constant 48 : index
    %get3A_318 = tpu.vector_load %arg8[%get3A_316, %get3A_317] {strides = array<i32>} : memref<8x128xf32, #tpu.memory_space<vmem>>, vector<16xf32>,
    %add3A_319 = arith.constant 48 : i32
    %add3A_320 = vector.broadcast %add3A_319 : i32 to vector<16xi32>
    %add3A_321 = arith.addi %iota3A, %add3A_320 : vector<16xi32>
    tpu.vector_store_idx %arg9[%add3A_321, %broadcast_in_dim3A_66], %get3A_318 : memref<512x128xf32, #tpu.memory_space<vmem>>[vector<16xi32>, vector<16xi32>], vector<16xf32>,
    %get3A_322 = arith.constant 4 : i32
    %get3A_323 = arith.index_cast %get3A_322 : i32 to index
    %get3A_324 = arith.constant 64 : index
    %get3A_325 = tpu.vector_load %arg8[%get3A_323, %get3A_324] {strides = array<i32>} : memref<8x128xf32, #tpu.memory_space<vmem>>, vector<16xf32>,
    %add3A_326 = arith.constant 64 : i32
    %add3A_327 = vector.broadcast %add3A_326 : i32 to vector<16xi32>
    %add3A_328 = arith.addi %iota3A, %add3A_327 : vector<16xi32>
    tpu.vector_store_idx %arg9[%add3A_328, %broadcast_in_dim3A_66], %get3A_325 : memref<512x128xf32, #tpu.memory_space<vmem>>[vector<16xi32>, vector<16xi32>], vector<16xf32>,
    %get3A_329 = arith.constant 4 : i32
    %get3A_330 = arith.index_cast %get3A_329 : i32 to index
    %get3A_331 = arith.constant 80 : index
    %get3A_332 = tpu.vector_load %arg8[%get3A_330, %get3A_331] {strides = array<i32>} : memref<8x128xf32, #tpu.memory_space<vmem>>, vector<16xf32>,
    %add3A_333 = arith.constant 80 : i32
    %add3A_334 = vector.broadcast %add3A_333 : i32 to vector<16xi32>
    %add3A_335 = arith.addi %iota3A, %add3A_334 : vector<16xi32>
    tpu.vector_store_idx %arg9[%add3A_335, %broadcast_in_dim3A_66], %get3A_332 : memref<512x128xf32, #tpu.memory_space<vmem>>[vector<16xi32>, vector<16xi32>], vector<16xf32>,
    %get3A_336 = arith.constant 4 : i32
    %get3A_337 = arith.index_cast %get3A_336 : i32 to index
    %get3A_338 = arith.constant 96 : index
    %get3A_339 = tpu.vector_load %arg8[%get3A_337, %get3A_338] {strides = array<i32>} : memref<8x128xf32, #tpu.memory_space<vmem>>, vector<16xf32>,
    %add3A_340 = arith.constant 96 : i32
    %add3A_341 = vector.broadcast %add3A_340 : i32 to vector<16xi32>
    %add3A_342 = arith.addi %iota3A, %add3A_341 : vector<16xi32>
    tpu.vector_store_idx %arg9[%add3A_342, %broadcast_in_dim3A_66], %get3A_339 : memref<512x128xf32, #tpu.memory_space<vmem>>[vector<16xi32>, vector<16xi32>], vector<16xf32>,
    %get3A_343 = arith.constant 4 : i32
    %get3A_344 = arith.index_cast %get3A_343 : i32 to index
    %get3A_345 = arith.constant 112 : index
    %get3A_346 = tpu.vector_load %arg8[%get3A_344, %get3A_345] {strides = array<i32>} : memref<8x128xf32, #tpu.memory_space<vmem>>, vector<16xf32>,
    %add3A_347 = arith.constant 112 : i32
    %add3A_348 = vector.broadcast %add3A_347 : i32 to vector<16xi32>
    %add3A_349 = arith.addi %iota3A, %add3A_348 : vector<16xi32>
    tpu.vector_store_idx %arg9[%add3A_349, %broadcast_in_dim3A_66], %get3A_346 : memref<512x128xf32, #tpu.memory_space<vmem>>[vector<16xi32>, vector<16xi32>], vector<16xf32>,
    %get3A_350 = arith.constant 5 : i32
    %get3A_351 = arith.index_cast %get3A_350 : i32 to index
    %get3A_352 = arith.constant 0 : index
    %get3A_353 = tpu.vector_load %arg8[%get3A_351, %get3A_352] {strides = array<i32>} : memref<8x128xf32, #tpu.memory_space<vmem>>, vector<16xf32>,
    %add3A_354 = arith.constant 128 : i32
    %add3A_355 = vector.broadcast %add3A_354 : i32 to vector<16xi32>
    %add3A_356 = arith.addi %iota3A, %add3A_355 : vector<16xi32>
    tpu.vector_store_idx %arg9[%add3A_356, %broadcast_in_dim3A_66], %get3A_353 : memref<512x128xf32, #tpu.memory_space<vmem>>[vector<16xi32>, vector<16xi32>], vector<16xf32>,
    %get3A_357 = arith.constant 5 : i32
    %get3A_358 = arith.index_cast %get3A_357 : i32 to index
    %get3A_359 = arith.constant 16 : index
    %get3A_360 = tpu.vector_load %arg8[%get3A_358, %get3A_359] {strides = array<i32>} : memref<8x128xf32, #tpu.memory_space<vmem>>, vector<16xf32>,
    %add3A_361 = arith.constant 144 : i32
    %add3A_362 = vector.broadcast %add3A_361 : i32 to vector<16xi32>
    %add3A_363 = arith.addi %iota3A, %add3A_362 : vector<16xi32>
    tpu.vector_store_idx %arg9[%add3A_363, %broadcast_in_dim3A_66], %get3A_360 : memref<512x128xf32, #tpu.memory_space<vmem>>[vector<16xi32>, vector<16xi32>], vector<16xf32>,
    %get3A_364 = arith.constant 5 : i32
    %get3A_365 = arith.index_cast %get3A_364 : i32 to index
    %get3A_366 = arith.constant 32 : index
    %get3A_367 = tpu.vector_load %arg8[%get3A_365, %get3A_366] {strides = array<i32>} : memref<8x128xf32, #tpu.memory_space<vmem>>, vector<16xf32>,
    %add3A_368 = arith.constant 160 : i32
    %add3A_369 = vector.broadcast %add3A_368 : i32 to vector<16xi32>
    %add3A_370 = arith.addi %iota3A, %add3A_369 : vector<16xi32>
    tpu.vector_store_idx %arg9[%add3A_370, %broadcast_in_dim3A_66], %get3A_367 : memref<512x128xf32, #tpu.memory_space<vmem>>[vector<16xi32>, vector<16xi32>], vector<16xf32>,
    %get3A_371 = arith.constant 5 : i32
    %get3A_372 = arith.index_cast %get3A_371 : i32 to index
    %get3A_373 = arith.constant 48 : index
    %get3A_374 = tpu.vector_load %arg8[%get3A_372, %get3A_373] {strides = array<i32>} : memref<8x128xf32, #tpu.memory_space<vmem>>, vector<16xf32>,
    %add3A_375 = arith.constant 176 : i32
    %add3A_376 = vector.broadcast %add3A_375 : i32 to vector<16xi32>
    %add3A_377 = arith.addi %iota3A, %add3A_376 : vector<16xi32>
    tpu.vector_store_idx %arg9[%add3A_377, %broadcast_in_dim3A_66], %get3A_374 : memref<512x128xf32, #tpu.memory_space<vmem>>[vector<16xi32>, vector<16xi32>], vector<16xf32>,
    %get3A_378 = arith.constant 5 : i32
    %get3A_379 = arith.index_cast %get3A_378 : i32 to index
    %get3A_380 = arith.constant 64 : index
    %get3A_381 = tpu.vector_load %arg8[%get3A_379, %get3A_380] {strides = array<i32>} : memref<8x128xf32, #tpu.memory_space<vmem>>, vector<16xf32>,
    %add3A_382 = arith.constant 192 : i32
    %add3A_383 = vector.broadcast %add3A_382 : i32 to vector<16xi32>
    %add3A_384 = arith.addi %iota3A, %add3A_383 : vector<16xi32>
    tpu.vector_store_idx %arg9[%add3A_384, %broadcast_in_dim3A_66], %get3A_381 : memref<512x128xf32, #tpu.memory_space<vmem>>[vector<16xi32>, vector<16xi32>], vector<16xf32>,
    %get3A_385 = arith.constant 5 : i32
    %get3A_386 = arith.index_cast %get3A_385 : i32 to index
    %get3A_387 = arith.constant 80 : index
    %get3A_388 = tpu.vector_load %arg8[%get3A_386, %get3A_387] {strides = array<i32>} : memref<8x128xf32, #tpu.memory_space<vmem>>, vector<16xf32>,
    %add3A_389 = arith.constant 208 : i32
    %add3A_390 = vector.broadcast %add3A_389 : i32 to vector<16xi32>
    %add3A_391 = arith.addi %iota3A, %add3A_390 : vector<16xi32>
    tpu.vector_store_idx %arg9[%add3A_391, %broadcast_in_dim3A_66], %get3A_388 : memref<512x128xf32, #tpu.memory_space<vmem>>[vector<16xi32>, vector<16xi32>], vector<16xf32>,
    %get3A_392 = arith.constant 5 : i32
    %get3A_393 = arith.index_cast %get3A_392 : i32 to index
    %get3A_394 = arith.constant 96 : index
    %get3A_395 = tpu.vector_load %arg8[%get3A_393, %get3A_394] {strides = array<i32>} : memref<8x128xf32, #tpu.memory_space<vmem>>, vector<16xf32>,
    %add3A_396 = arith.constant 224 : i32
    %add3A_397 = vector.broadcast %add3A_396 : i32 to vector<16xi32>
    %add3A_398 = arith.addi %iota3A, %add3A_397 : vector<16xi32>
    tpu.vector_store_idx %arg9[%add3A_398, %broadcast_in_dim3A_66], %get3A_395 : memref<512x128xf32, #tpu.memory_space<vmem>>[vector<16xi32>, vector<16xi32>], vector<16xf32>,
    %get3A_399 = arith.constant 5 : i32
    %get3A_400 = arith.index_cast %get3A_399 : i32 to index
    %get3A_401 = arith.constant 112 : index
    %get3A_402 = tpu.vector_load %arg8[%get3A_400, %get3A_401] {strides = array<i32>} : memref<8x128xf32, #tpu.memory_space<vmem>>, vector<16xf32>,
    %add3A_403 = arith.constant 240 : i32
    %add3A_404 = vector.broadcast %add3A_403 : i32 to vector<16xi32>
    %add3A_405 = arith.addi %iota3A, %add3A_404 : vector<16xi32>
    tpu.vector_store_idx %arg9[%add3A_405, %broadcast_in_dim3A_66], %get3A_402 : memref<512x128xf32, #tpu.memory_space<vmem>>[vector<16xi32>, vector<16xi32>], vector<16xf32>,
    %get3A_406 = arith.constant 6 : i32
    %get3A_407 = arith.index_cast %get3A_406 : i32 to index
    %get3A_408 = arith.constant 0 : index
    %get3A_409 = tpu.vector_load %arg8[%get3A_407, %get3A_408] {strides = array<i32>} : memref<8x128xf32, #tpu.memory_space<vmem>>, vector<16xf32>,
    %add3A_410 = arith.constant 256 : i32
    %add3A_411 = vector.broadcast %add3A_410 : i32 to vector<16xi32>
    %add3A_412 = arith.addi %iota3A, %add3A_411 : vector<16xi32>
    tpu.vector_store_idx %arg9[%add3A_412, %broadcast_in_dim3A_66], %get3A_409 : memref<512x128xf32, #tpu.memory_space<vmem>>[vector<16xi32>, vector<16xi32>], vector<16xf32>,
    %get3A_413 = arith.constant 6 : i32
    %get3A_414 = arith.index_cast %get3A_413 : i32 to index
    %get3A_415 = arith.constant 16 : index
    %get3A_416 = tpu.vector_load %arg8[%get3A_414, %get3A_415] {strides = array<i32>} : memref<8x128xf32, #tpu.memory_space<vmem>>, vector<16xf32>,
    %add3A_417 = arith.constant 272 : i32
    %add3A_418 = vector.broadcast %add3A_417 : i32 to vector<16xi32>
    %add3A_419 = arith.addi %iota3A, %add3A_418 : vector<16xi32>
    tpu.vector_store_idx %arg9[%add3A_419, %broadcast_in_dim3A_66], %get3A_416 : memref<512x128xf32, #tpu.memory_space<vmem>>[vector<16xi32>, vector<16xi32>], vector<16xf32>,
    %get3A_420 = arith.constant 6 : i32
    %get3A_421 = arith.index_cast %get3A_420 : i32 to index
    %get3A_422 = arith.constant 32 : index
    %get3A_423 = tpu.vector_load %arg8[%get3A_421, %get3A_422] {strides = array<i32>} : memref<8x128xf32, #tpu.memory_space<vmem>>, vector<16xf32>,
    %add3A_424 = arith.constant 288 : i32
    %add3A_425 = vector.broadcast %add3A_424 : i32 to vector<16xi32>
    %add3A_426 = arith.addi %iota3A, %add3A_425 : vector<16xi32>
    tpu.vector_store_idx %arg9[%add3A_426, %broadcast_in_dim3A_66], %get3A_423 : memref<512x128xf32, #tpu.memory_space<vmem>>[vector<16xi32>, vector<16xi32>], vector<16xf32>,
    %get3A_427 = arith.constant 6 : i32
    %get3A_428 = arith.index_cast %get3A_427 : i32 to index
    %get3A_429 = arith.constant 48 : index
    %get3A_430 = tpu.vector_load %arg8[%get3A_428, %get3A_429] {strides = array<i32>} : memref<8x128xf32, #tpu.memory_space<vmem>>, vector<16xf32>,
    %add3A_431 = arith.constant 304 : i32
    %add3A_432 = vector.broadcast %add3A_431 : i32 to vector<16xi32>
    %add3A_433 = arith.addi %iota3A, %add3A_432 : vector<16xi32>
    tpu.vector_store_idx %arg9[%add3A_433, %broadcast_in_dim3A_66], %get3A_430 : memref<512x128xf32, #tpu.memory_space<vmem>>[vector<16xi32>, vector<16xi32>], vector<16xf32>,
    %get3A_434 = arith.constant 6 : i32
    %get3A_435 = arith.index_cast %get3A_434 : i32 to index
    %get3A_436 = arith.constant 64 : index
    %get3A_437 = tpu.vector_load %arg8[%get3A_435, %get3A_436] {strides = array<i32>} : memref<8x128xf32, #tpu.memory_space<vmem>>, vector<16xf32>,
    %add3A_438 = arith.constant 320 : i32
    %add3A_439 = vector.broadcast %add3A_438 : i32 to vector<16xi32>
    %add3A_440 = arith.addi %iota3A, %add3A_439 : vector<16xi32>
    tpu.vector_store_idx %arg9[%add3A_440, %broadcast_in_dim3A_66], %get3A_437 : memref<512x128xf32, #tpu.memory_space<vmem>>[vector<16xi32>, vector<16xi32>], vector<16xf32>,
    %get3A_441 = arith.constant 6 : i32
    %get3A_442 = arith.index_cast %get3A_441 : i32 to index
    %get3A_443 = arith.constant 80 : index
    %get3A_444 = tpu.vector_load %arg8[%get3A_442, %get3A_443] {strides = array<i32>} : memref<8x128xf32, #tpu.memory_space<vmem>>, vector<16xf32>,
    %add3A_445 = arith.constant 336 : i32
    %add3A_446 = vector.broadcast %add3A_445 : i32 to vector<16xi32>
    %add3A_447 = arith.addi %iota3A, %add3A_446 : vector<16xi32>
    tpu.vector_store_idx %arg9[%add3A_447, %broadcast_in_dim3A_66], %get3A_444 : memref<512x128xf32, #tpu.memory_space<vmem>>[vector<16xi32>, vector<16xi32>], vector<16xf32>,
    %get3A_448 = arith.constant 6 : i32
    %get3A_449 = arith.index_cast %get3A_448 : i32 to index
    %get3A_450 = arith.constant 96 : index
    %get3A_451 = tpu.vector_load %arg8[%get3A_449, %get3A_450] {strides = array<i32>} : memref<8x128xf32, #tpu.memory_space<vmem>>, vector<16xf32>,
    %add3A_452 = arith.constant 352 : i32
    %add3A_453 = vector.broadcast %add3A_452 : i32 to vector<16xi32>
    %add3A_454 = arith.addi %iota3A, %add3A_453 : vector<16xi32>
    tpu.vector_store_idx %arg9[%add3A_454, %broadcast_in_dim3A_66], %get3A_451 : memref<512x128xf32, #tpu.memory_space<vmem>>[vector<16xi32>, vector<16xi32>], vector<16xf32>,
    %get3A_455 = arith.constant 6 : i32
    %get3A_456 = arith.index_cast %get3A_455 : i32 to index
    %get3A_457 = arith.constant 112 : index
    %get3A_458 = tpu.vector_load %arg8[%get3A_456, %get3A_457] {strides = array<i32>} : memref<8x128xf32, #tpu.memory_space<vmem>>, vector<16xf32>,
    %add3A_459 = arith.constant 368 : i32
    %add3A_460 = vector.broadcast %add3A_459 : i32 to vector<16xi32>
    %add3A_461 = arith.addi %iota3A, %add3A_460 : vector<16xi32>
    tpu.vector_store_idx %arg9[%add3A_461, %broadcast_in_dim3A_66], %get3A_458 : memref<512x128xf32, #tpu.memory_space<vmem>>[vector<16xi32>, vector<16xi32>], vector<16xf32>,
    %get3A_462 = arith.constant 7 : i32
    %get3A_463 = arith.index_cast %get3A_462 : i32 to index
    %get3A_464 = arith.constant 0 : index
    %get3A_465 = tpu.vector_load %arg8[%get3A_463, %get3A_464] {strides = array<i32>} : memref<8x128xf32, #tpu.memory_space<vmem>>, vector<16xf32>,
    %add3A_466 = arith.constant 384 : i32
    %add3A_467 = vector.broadcast %add3A_466 : i32 to vector<16xi32>
    %add3A_468 = arith.addi %iota3A, %add3A_467 : vector<16xi32>
    tpu.vector_store_idx %arg9[%add3A_468, %broadcast_in_dim3A_66], %get3A_465 : memref<512x128xf32, #tpu.memory_space<vmem>>[vector<16xi32>, vector<16xi32>], vector<16xf32>,
    %get3A_469 = arith.constant 7 : i32
    %get3A_470 = arith.index_cast %get3A_469 : i32 to index
    %get3A_471 = arith.constant 16 : index
    %get3A_472 = tpu.vector_load %arg8[%get3A_470, %get3A_471] {strides = array<i32>} : memref<8x128xf32, #tpu.memory_space<vmem>>, vector<16xf32>,
    %add3A_473 = arith.constant 400 : i32
    %add3A_474 = vector.broadcast %add3A_473 : i32 to vector<16xi32>
    %add3A_475 = arith.addi %iota3A, %add3A_474 : vector<16xi32>
    tpu.vector_store_idx %arg9[%add3A_475, %broadcast_in_dim3A_66], %get3A_472 : memref<512x128xf32, #tpu.memory_space<vmem>>[vector<16xi32>, vector<16xi32>], vector<16xf32>,
    %get3A_476 = arith.constant 7 : i32
    %get3A_477 = arith.index_cast %get3A_476 : i32 to index
    %get3A_478 = arith.constant 32 : index
    %get3A_479 = tpu.vector_load %arg8[%get3A_477, %get3A_478] {strides = array<i32>} : memref<8x128xf32, #tpu.memory_space<vmem>>, vector<16xf32>,
    %add3A_480 = arith.constant 416 : i32
    %add3A_481 = vector.broadcast %add3A_480 : i32 to vector<16xi32>
    %add3A_482 = arith.addi %iota3A, %add3A_481 : vector<16xi32>
    tpu.vector_store_idx %arg9[%add3A_482, %broadcast_in_dim3A_66], %get3A_479 : memref<512x128xf32, #tpu.memory_space<vmem>>[vector<16xi32>, vector<16xi32>], vector<16xf32>,
    %get3A_483 = arith.constant 7 : i32
    %get3A_484 = arith.index_cast %get3A_483 : i32 to index
    %get3A_485 = arith.constant 48 : index
    %get3A_486 = tpu.vector_load %arg8[%get3A_484, %get3A_485] {strides = array<i32>} : memref<8x128xf32, #tpu.memory_space<vmem>>, vector<16xf32>,
    %add3A_487 = arith.constant 432 : i32
    %add3A_488 = vector.broadcast %add3A_487 : i32 to vector<16xi32>
    %add3A_489 = arith.addi %iota3A, %add3A_488 : vector<16xi32>
    tpu.vector_store_idx %arg9[%add3A_489, %broadcast_in_dim3A_66], %get3A_486 : memref<512x128xf32, #tpu.memory_space<vmem>>[vector<16xi32>, vector<16xi32>], vector<16xf32>,
    %get3A_490 = arith.constant 7 : i32
    %get3A_491 = arith.index_cast %get3A_490 : i32 to index
    %get3A_492 = arith.constant 64 : index
    %get3A_493 = tpu.vector_load %arg8[%get3A_491, %get3A_492] {strides = array<i32>} : memref<8x128xf32, #tpu.memory_space<vmem>>, vector<16xf32>,
    %add3A_494 = arith.constant 448 : i32
    %add3A_495 = vector.broadcast %add3A_494 : i32 to vector<16xi32>
    %add3A_496 = arith.addi %iota3A, %add3A_495 : vector<16xi32>
    tpu.vector_store_idx %arg9[%add3A_496, %broadcast_in_dim3A_66], %get3A_493 : memref<512x128xf32, #tpu.memory_space<vmem>>[vector<16xi32>, vector<16xi32>], vector<16xf32>,
    %get3A_497 = arith.constant 7 : i32
    %get3A_498 = arith.index_cast %get3A_497 : i32 to index
    %get3A_499 = arith.constant 80 : index
    %get3A_500 = tpu.vector_load %arg8[%get3A_498, %get3A_499] {strides = array<i32>} : memref<8x128xf32, #tpu.memory_space<vmem>>, vector<16xf32>,
    %add3A_501 = arith.constant 464 : i32
    %add3A_502 = vector.broadcast %add3A_501 : i32 to vector<16xi32>
    %add3A_503 = arith.addi %iota3A, %add3A_502 : vector<16xi32>
    tpu.vector_store_idx %arg9[%add3A_503, %broadcast_in_dim3A_66], %get3A_500 : memref<512x128xf32, #tpu.memory_space<vmem>>[vector<16xi32>, vector<16xi32>], vector<16xf32>,
    %get3A_504 = arith.constant 7 : i32
    %get3A_505 = arith.index_cast %get3A_504 : i32 to index
    %get3A_506 = arith.constant 96 : index
    %get3A_507 = tpu.vector_load %arg8[%get3A_505, %get3A_506] {strides = array<i32>} : memref<8x128xf32, #tpu.memory_space<vmem>>, vector<16xf32>,
    %add3A_508 = arith.constant 480 : i32
    %add3A_509 = vector.broadcast %add3A_508 : i32 to vector<16xi32>
    %add3A_510 = arith.addi %iota3A, %add3A_509 : vector<16xi32>
    tpu.vector_store_idx %arg9[%add3A_510, %broadcast_in_dim3A_66], %get3A_507 : memref<512x128xf32, #tpu.memory_space<vmem>>[vector<16xi32>, vector<16xi32>], vector<16xf32>,
    %get3A_511 = arith.constant 7 : i32
    %get3A_512 = arith.index_cast %get3A_511 : i32 to index
    %get3A_513 = arith.constant 112 : index
    %get3A_514 = tpu.vector_load %arg8[%get3A_512, %get3A_513] {strides = array<i32>} : memref<8x128xf32, #tpu.memory_space<vmem>>, vector<16xf32>,
    %add3A_515 = arith.constant 496 : i32
    %add3A_516 = vector.broadcast %add3A_515 : i32 to vector<16xi32>
    %add3A_517 = arith.addi %iota3A, %add3A_516 : vector<16xi32>
    tpu.vector_store_idx %arg9[%add3A_517, %broadcast_in_dim3A_66], %get3A_514 : memref<512x128xf32, #tpu.memory_space<vmem>>[vector<16xi32>, vector<16xi32>], vector<16xf32>,
    %mul3A_518 = arith.constant 1024 : i32
    %mul3A_519 = arith.muli %arg1, %mul3A_518 : i32
    %add3A_520 = arith.constant 512 : i32
    %add3A_521 = arith.addi %mul3A_519, %add3A_520 : i32
    "tpu.region"() ({
      %run_scoped3A_522 = tpu.sem_alloc : memref<!tpu.dma_semaphore, #tpu.memory_space<semaphore_mem>>
      %dma_start3A = arith.constant 0 : i32
      %dma_start3A_523 = tpu.memref_slice %arg4[%arg0, %add3A_521, %dma_start3A] : memref<2x16384x128xf32, #tpu.memory_space<hbm>> -> memref<1x512x128xf32, #tpu.memory_space<hbm>>
      %dma_start3A_524 = tpu.memref_squeeze %dma_start3A_523 : memref<1x512x128xf32, #tpu.memory_space<hbm>> -> memref<512x128xf32, #tpu.memory_space<hbm>>
      %dma_start3A_525 = arith.constant 0 : i32
      %dma_start3A_526 = tpu.memref_slice %arg4[%arg0, %add3A_521, %dma_start3A_525] : memref<2x16384x128xf32, #tpu.memory_space<hbm>> -> memref<1x512x128xf32, #tpu.memory_space<hbm>>
      %dma_start3A_527 = tpu.memref_squeeze %dma_start3A_526 : memref<1x512x128xf32, #tpu.memory_space<hbm>> -> memref<512x128xf32, #tpu.memory_space<hbm>>
      tpu.enqueue_dma source(%arg9 : memref<512x128xf32, #tpu.memory_space<vmem>>) target(%dma_start3A_527 : memref<512x128xf32, #tpu.memory_space<hbm>>) target_semaphore(%run_scoped3A_522 : memref<!tpu.dma_semaphore, #tpu.memory_space<semaphore_mem>>)
      %dma_wait3A = arith.constant 0 : i32
      %dma_wait3A_528 = tpu.memref_slice %arg4[%arg0, %add3A_521, %dma_wait3A] : memref<2x16384x128xf32, #tpu.memory_space<hbm>> -> memref<1x512x128xf32, #tpu.memory_space<hbm>>
      %dma_wait3A_529 = tpu.memref_squeeze %dma_wait3A_528 : memref<1x512x128xf32, #tpu.memory_space<hbm>> -> memref<512x128xf32, #tpu.memory_space<hbm>>
      %dma_wait3A_530 = arith.constant 0 : i32
      %dma_wait3A_531 = tpu.memref_slice %arg4[%arg0, %add3A_521, %dma_wait3A_530] : memref<2x16384x128xf32, #tpu.memory_space<hbm>> -> memref<1x512x128xf32, #tpu.memory_space<hbm>>
      %dma_wait3A_532 = tpu.memref_squeeze %dma_wait3A_531 : memref<1x512x128xf32, #tpu.memory_space<hbm>> -> memref<512x128xf32, #tpu.memory_space<hbm>>
      tpu.wait_dma2 semaphore(%run_scoped3A_522 : memref<!tpu.dma_semaphore, #tpu.memory_space<semaphore_mem>>) src(%arg9 : memref<512x128xf32, #tpu.memory_space<vmem>>) dst(%dma_wait3A_532 : memref<512x128xf32, #tpu.memory_space<hbm>>)
      tpu.yield
    }) : () -> ()
    return
  }
}

#map = affine_map<(d0, d1) -> (0, 0)>
#map1 = affine_map<(d0, d1) -> (0, 0, 0)>
module attributes {stable_mosaic.version = 14 : i64} {
  func.func @_agg_kernel(%arg0: i32, %arg1: i32, %arg2: memref<10000x128xf32, #tpu.memory_space<hbm>>, %arg3: memref<32x80x128xi32, #tpu.memory_space<hbm>>, %arg4: memref<32x80x128xi32, #tpu.memory_space<hbm>>, %arg5: memref<10112x128xf32, #tpu.memory_space<hbm>>, %arg6: memref<2x10112x128xf32, #tpu.memory_space<hbm>>, %arg7: memref<3x8x128xi32, #tpu.memory_space<vmem>>, %arg8: memref<3x8x128xi32, #tpu.memory_space<vmem>>, %arg9: memref<2x128x128xf32, #tpu.memory_space<vmem>>, %arg10: memref<10112x128xf32, #tpu.memory_space<vmem_shared>>, %arg11: memref<!tpu.dma_semaphore, #tpu.memory_space<semaphore_mem>>, %arg12: memref<!tpu.dma_semaphore, #tpu.memory_space<semaphore_mem>>, %arg13: memref<!tpu.dma_semaphore, #tpu.memory_space<semaphore_mem>>) attributes {dimension_semantics = [#tpu.dimension_semantics<core_parallel>, #tpu.dimension_semantics<subcore_parallel>], iteration_bounds = array<i64: 2, 16>, scalar_prefetch = 0 : i64, scratch_operands = 7 : i64, tpu.core_type = #tpu.core_type<sc_vector_subcore>, window_params = [{transform_indices = #map}, {transform_indices = #map1}, {transform_indices = #map1}, {transform_indices = #map}, {transform_indices = #map1}]} {
    %mul3A = arith.constant 2 : i32
    %mul3A_0 = arith.muli %arg1, %mul3A : i32
    %add3A = arith.addi %mul3A_0, %arg0 : i32
    %mul3A_1 = arith.constant 632 : i32
    %mul3A_2 = arith.muli %arg1, %mul3A_1 : i32
    %multiple_of3A = tpu.assume_multiple %mul3A_2, 8 : i32
    "tpu.region"() ({
      %run_scoped3A_68 = tpu.sem_alloc : memref<!tpu.dma_semaphore, #tpu.memory_space<semaphore_mem>>
      %dma_start3A_69 = arith.constant 0 : i32
      %dma_start3A_70 = tpu.memref_slice %arg10[%multiple_of3A, %dma_start3A_69] : memref<10112x128xf32, #tpu.memory_space<vmem_shared>> -> memref<632x128xf32, #tpu.memory_space<vmem_shared>>
      %dma_start3A_71 = arith.constant 0 : i32
      %dma_start3A_72 = tpu.memref_slice %arg5[%multiple_of3A, %dma_start3A_71] : memref<10112x128xf32, #tpu.memory_space<hbm>> -> memref<632x128xf32, #tpu.memory_space<hbm>>
      tpu.enqueue_dma source(%dma_start3A_72 : memref<632x128xf32, #tpu.memory_space<hbm>>) target(%dma_start3A_70 : memref<632x128xf32, #tpu.memory_space<vmem_shared>>) target_semaphore(%run_scoped3A_68 : memref<!tpu.dma_semaphore, #tpu.memory_space<semaphore_mem>>)
      %dma_wait3A_73 = arith.constant 0 : i32
      %dma_wait3A_74 = tpu.memref_slice %arg10[%multiple_of3A, %dma_wait3A_73] : memref<10112x128xf32, #tpu.memory_space<vmem_shared>> -> memref<632x128xf32, #tpu.memory_space<vmem_shared>>
      %dma_wait3A_75 = arith.constant 0 : i32
      %dma_wait3A_76 = tpu.memref_slice %arg5[%multiple_of3A, %dma_wait3A_75] : memref<10112x128xf32, #tpu.memory_space<hbm>> -> memref<632x128xf32, #tpu.memory_space<hbm>>
      tpu.wait_dma2 semaphore(%run_scoped3A_68 : memref<!tpu.dma_semaphore, #tpu.memory_space<semaphore_mem>>) src(%dma_wait3A_76 : memref<632x128xf32, #tpu.memory_space<hbm>>) dst(%dma_wait3A_74 : memref<632x128xf32, #tpu.memory_space<vmem_shared>>)
      tpu.yield
    }) : () -> ()
    %run_scoped3A = arith.constant 0 : i32
    "tpu.region"() ({
      %run_scoped3A_68 = tpu.sem_alloc : memref<!tpu.dma_semaphore, #tpu.memory_space<semaphore_mem>>
      %dma_start3A_69 = arith.constant 0 : i32
      %dma_start3A_70 = arith.constant 0 : i32
      %dma_start3A_71 = tpu.memref_slice %arg7[%run_scoped3A, %dma_start3A_69, %dma_start3A_70] : memref<3x8x128xi32, #tpu.memory_space<vmem>> -> memref<1x8x128xi32, #tpu.memory_space<vmem>>
      %dma_start3A_72 = tpu.memref_squeeze %dma_start3A_71 : memref<1x8x128xi32, #tpu.memory_space<vmem>> -> memref<8x128xi32, #tpu.memory_space<vmem>>
      %dma_start3A_73 = arith.constant 0 : i32
      %dma_start3A_74 = arith.constant 0 : i32
      %dma_start3A_75 = tpu.memref_slice %arg3[%add3A, %dma_start3A_73, %dma_start3A_74] : memref<32x80x128xi32, #tpu.memory_space<hbm>> -> memref<1x8x128xi32, #tpu.memory_space<hbm>>
      %dma_start3A_76 = tpu.memref_squeeze %dma_start3A_75 : memref<1x8x128xi32, #tpu.memory_space<hbm>> -> memref<8x128xi32, #tpu.memory_space<hbm>>
      %dma_start3A_77 = arith.constant 0 : i32
      %dma_start3A_78 = arith.constant 0 : i32
      %dma_start3A_79 = tpu.memref_slice %arg7[%run_scoped3A, %dma_start3A_77, %dma_start3A_78] : memref<3x8x128xi32, #tpu.memory_space<vmem>> -> memref<1x8x128xi32, #tpu.memory_space<vmem>>
      %dma_start3A_80 = tpu.memref_squeeze %dma_start3A_79 : memref<1x8x128xi32, #tpu.memory_space<vmem>> -> memref<8x128xi32, #tpu.memory_space<vmem>>
      %dma_start3A_81 = arith.constant 0 : i32
      %dma_start3A_82 = arith.constant 0 : i32
      %dma_start3A_83 = tpu.memref_slice %arg3[%add3A, %dma_start3A_81, %dma_start3A_82] : memref<32x80x128xi32, #tpu.memory_space<hbm>> -> memref<1x8x128xi32, #tpu.memory_space<hbm>>
      %dma_start3A_84 = tpu.memref_squeeze %dma_start3A_83 : memref<1x8x128xi32, #tpu.memory_space<hbm>> -> memref<8x128xi32, #tpu.memory_space<hbm>>
      tpu.enqueue_dma source(%dma_start3A_84 : memref<8x128xi32, #tpu.memory_space<hbm>>) target(%dma_start3A_80 : memref<8x128xi32, #tpu.memory_space<vmem>>) target_semaphore(%run_scoped3A_68 : memref<!tpu.dma_semaphore, #tpu.memory_space<semaphore_mem>>)
      %dma_wait3A_85 = arith.constant 0 : i32
      %dma_wait3A_86 = arith.constant 0 : i32
      %dma_wait3A_87 = tpu.memref_slice %arg7[%run_scoped3A, %dma_wait3A_85, %dma_wait3A_86] : memref<3x8x128xi32, #tpu.memory_space<vmem>> -> memref<1x8x128xi32, #tpu.memory_space<vmem>>
      %dma_wait3A_88 = tpu.memref_squeeze %dma_wait3A_87 : memref<1x8x128xi32, #tpu.memory_space<vmem>> -> memref<8x128xi32, #tpu.memory_space<vmem>>
      %dma_wait3A_89 = arith.constant 0 : i32
      %dma_wait3A_90 = arith.constant 0 : i32
      %dma_wait3A_91 = tpu.memref_slice %arg3[%add3A, %dma_wait3A_89, %dma_wait3A_90] : memref<32x80x128xi32, #tpu.memory_space<hbm>> -> memref<1x8x128xi32, #tpu.memory_space<hbm>>
      %dma_wait3A_92 = tpu.memref_squeeze %dma_wait3A_91 : memref<1x8x128xi32, #tpu.memory_space<hbm>> -> memref<8x128xi32, #tpu.memory_space<hbm>>
      %dma_wait3A_93 = arith.constant 0 : i32
      %dma_wait3A_94 = arith.constant 0 : i32
      %dma_wait3A_95 = tpu.memref_slice %arg7[%run_scoped3A, %dma_wait3A_93, %dma_wait3A_94] : memref<3x8x128xi32, #tpu.memory_space<vmem>> -> memref<1x8x128xi32, #tpu.memory_space<vmem>>
      %dma_wait3A_96 = tpu.memref_squeeze %dma_wait3A_95 : memref<1x8x128xi32, #tpu.memory_space<vmem>> -> memref<8x128xi32, #tpu.memory_space<vmem>>
      %dma_wait3A_97 = arith.constant 0 : i32
      %dma_wait3A_98 = arith.constant 0 : i32
      %dma_wait3A_99 = tpu.memref_slice %arg3[%add3A, %dma_wait3A_97, %dma_wait3A_98] : memref<32x80x128xi32, #tpu.memory_space<hbm>> -> memref<1x8x128xi32, #tpu.memory_space<hbm>>
      %dma_wait3A_100 = tpu.memref_squeeze %dma_wait3A_99 : memref<1x8x128xi32, #tpu.memory_space<hbm>> -> memref<8x128xi32, #tpu.memory_space<hbm>>
      tpu.wait_dma2 semaphore(%run_scoped3A_68 : memref<!tpu.dma_semaphore, #tpu.memory_space<semaphore_mem>>) src(%dma_wait3A_100 : memref<8x128xi32, #tpu.memory_space<hbm>>) dst(%dma_wait3A_96 : memref<8x128xi32, #tpu.memory_space<vmem>>)
      tpu.yield
    }) : () -> ()
    %run_scoped3A_3 = arith.constant 0 : i32
    "tpu.region"() ({
      %run_scoped3A_68 = tpu.sem_alloc : memref<!tpu.dma_semaphore, #tpu.memory_space<semaphore_mem>>
      %dma_start3A_69 = arith.constant 0 : i32
      %dma_start3A_70 = arith.constant 0 : i32
      %dma_start3A_71 = tpu.memref_slice %arg8[%run_scoped3A_3, %dma_start3A_69, %dma_start3A_70] : memref<3x8x128xi32, #tpu.memory_space<vmem>> -> memref<1x8x128xi32, #tpu.memory_space<vmem>>
      %dma_start3A_72 = tpu.memref_squeeze %dma_start3A_71 : memref<1x8x128xi32, #tpu.memory_space<vmem>> -> memref<8x128xi32, #tpu.memory_space<vmem>>
      %dma_start3A_73 = arith.constant 0 : i32
      %dma_start3A_74 = arith.constant 0 : i32
      %dma_start3A_75 = tpu.memref_slice %arg4[%add3A, %dma_start3A_73, %dma_start3A_74] : memref<32x80x128xi32, #tpu.memory_space<hbm>> -> memref<1x8x128xi32, #tpu.memory_space<hbm>>
      %dma_start3A_76 = tpu.memref_squeeze %dma_start3A_75 : memref<1x8x128xi32, #tpu.memory_space<hbm>> -> memref<8x128xi32, #tpu.memory_space<hbm>>
      %dma_start3A_77 = arith.constant 0 : i32
      %dma_start3A_78 = arith.constant 0 : i32
      %dma_start3A_79 = tpu.memref_slice %arg8[%run_scoped3A_3, %dma_start3A_77, %dma_start3A_78] : memref<3x8x128xi32, #tpu.memory_space<vmem>> -> memref<1x8x128xi32, #tpu.memory_space<vmem>>
      %dma_start3A_80 = tpu.memref_squeeze %dma_start3A_79 : memref<1x8x128xi32, #tpu.memory_space<vmem>> -> memref<8x128xi32, #tpu.memory_space<vmem>>
      %dma_start3A_81 = arith.constant 0 : i32
      %dma_start3A_82 = arith.constant 0 : i32
      %dma_start3A_83 = tpu.memref_slice %arg4[%add3A, %dma_start3A_81, %dma_start3A_82] : memref<32x80x128xi32, #tpu.memory_space<hbm>> -> memref<1x8x128xi32, #tpu.memory_space<hbm>>
      %dma_start3A_84 = tpu.memref_squeeze %dma_start3A_83 : memref<1x8x128xi32, #tpu.memory_space<hbm>> -> memref<8x128xi32, #tpu.memory_space<hbm>>
      tpu.enqueue_dma source(%dma_start3A_84 : memref<8x128xi32, #tpu.memory_space<hbm>>) target(%dma_start3A_80 : memref<8x128xi32, #tpu.memory_space<vmem>>) target_semaphore(%run_scoped3A_68 : memref<!tpu.dma_semaphore, #tpu.memory_space<semaphore_mem>>)
      %dma_wait3A_85 = arith.constant 0 : i32
      %dma_wait3A_86 = arith.constant 0 : i32
      %dma_wait3A_87 = tpu.memref_slice %arg8[%run_scoped3A_3, %dma_wait3A_85, %dma_wait3A_86] : memref<3x8x128xi32, #tpu.memory_space<vmem>> -> memref<1x8x128xi32, #tpu.memory_space<vmem>>
      %dma_wait3A_88 = tpu.memref_squeeze %dma_wait3A_87 : memref<1x8x128xi32, #tpu.memory_space<vmem>> -> memref<8x128xi32, #tpu.memory_space<vmem>>
      %dma_wait3A_89 = arith.constant 0 : i32
      %dma_wait3A_90 = arith.constant 0 : i32
      %dma_wait3A_91 = tpu.memref_slice %arg4[%add3A, %dma_wait3A_89, %dma_wait3A_90] : memref<32x80x128xi32, #tpu.memory_space<hbm>> -> memref<1x8x128xi32, #tpu.memory_space<hbm>>
      %dma_wait3A_92 = tpu.memref_squeeze %dma_wait3A_91 : memref<1x8x128xi32, #tpu.memory_space<hbm>> -> memref<8x128xi32, #tpu.memory_space<hbm>>
      %dma_wait3A_93 = arith.constant 0 : i32
      %dma_wait3A_94 = arith.constant 0 : i32
      %dma_wait3A_95 = tpu.memref_slice %arg8[%run_scoped3A_3, %dma_wait3A_93, %dma_wait3A_94] : memref<3x8x128xi32, #tpu.memory_space<vmem>> -> memref<1x8x128xi32, #tpu.memory_space<vmem>>
      %dma_wait3A_96 = tpu.memref_squeeze %dma_wait3A_95 : memref<1x8x128xi32, #tpu.memory_space<vmem>> -> memref<8x128xi32, #tpu.memory_space<vmem>>
      %dma_wait3A_97 = arith.constant 0 : i32
      %dma_wait3A_98 = arith.constant 0 : i32
      %dma_wait3A_99 = tpu.memref_slice %arg4[%add3A, %dma_wait3A_97, %dma_wait3A_98] : memref<32x80x128xi32, #tpu.memory_space<hbm>> -> memref<1x8x128xi32, #tpu.memory_space<hbm>>
      %dma_wait3A_100 = tpu.memref_squeeze %dma_wait3A_99 : memref<1x8x128xi32, #tpu.memory_space<hbm>> -> memref<8x128xi32, #tpu.memory_space<hbm>>
      tpu.wait_dma2 semaphore(%run_scoped3A_68 : memref<!tpu.dma_semaphore, #tpu.memory_space<semaphore_mem>>) src(%dma_wait3A_100 : memref<8x128xi32, #tpu.memory_space<hbm>>) dst(%dma_wait3A_96 : memref<8x128xi32, #tpu.memory_space<vmem>>)
      tpu.yield
    }) : () -> ()
    %dma_start3A = arith.constant 1 : i32
    %dma_start3A_4 = arith.constant 0 : i32
    %dma_start3A_5 = arith.constant 0 : i32
    %dma_start3A_6 = tpu.memref_slice %arg7[%dma_start3A, %dma_start3A_4, %dma_start3A_5] : memref<3x8x128xi32, #tpu.memory_space<vmem>> -> memref<1x8x128xi32, #tpu.memory_space<vmem>>
    %dma_start3A_7 = tpu.memref_squeeze %dma_start3A_6 : memref<1x8x128xi32, #tpu.memory_space<vmem>> -> memref<8x128xi32, #tpu.memory_space<vmem>>
    %dma_start3A_8 = arith.constant 8 : i32
    %dma_start3A_9 = arith.constant 0 : i32
    %dma_start3A_10 = tpu.memref_slice %arg3[%add3A, %dma_start3A_8, %dma_start3A_9] : memref<32x80x128xi32, #tpu.memory_space<hbm>> -> memref<1x8x128xi32, #tpu.memory_space<hbm>>
    %dma_start3A_11 = tpu.memref_squeeze %dma_start3A_10 : memref<1x8x128xi32, #tpu.memory_space<hbm>> -> memref<8x128xi32, #tpu.memory_space<hbm>>
    %dma_start3A_12 = arith.constant 0 : i32
    %dma_start3A_13 = arith.constant 0 : i32
    %dma_start3A_14 = tpu.memref_slice %arg7[%dma_start3A, %dma_start3A_12, %dma_start3A_13] : memref<3x8x128xi32, #tpu.memory_space<vmem>> -> memref<1x8x128xi32, #tpu.memory_space<vmem>>
    %dma_start3A_15 = tpu.memref_squeeze %dma_start3A_14 : memref<1x8x128xi32, #tpu.memory_space<vmem>> -> memref<8x128xi32, #tpu.memory_space<vmem>>
    %dma_start3A_16 = arith.constant 8 : i32
    %dma_start3A_17 = arith.constant 0 : i32
    %dma_start3A_18 = tpu.memref_slice %arg3[%add3A, %dma_start3A_16, %dma_start3A_17] : memref<32x80x128xi32, #tpu.memory_space<hbm>> -> memref<1x8x128xi32, #tpu.memory_space<hbm>>
    %dma_start3A_19 = tpu.memref_squeeze %dma_start3A_18 : memref<1x8x128xi32, #tpu.memory_space<hbm>> -> memref<8x128xi32, #tpu.memory_space<hbm>>
    tpu.enqueue_dma source(%dma_start3A_19 : memref<8x128xi32, #tpu.memory_space<hbm>>) target(%dma_start3A_15 : memref<8x128xi32, #tpu.memory_space<vmem>>) target_semaphore(%arg13 : memref<!tpu.dma_semaphore, #tpu.memory_space<semaphore_mem>>)
    %dma_start3A_20 = arith.constant 1 : i32
    %dma_start3A_21 = arith.constant 0 : i32
    %dma_start3A_22 = arith.constant 0 : i32
    %dma_start3A_23 = tpu.memref_slice %arg8[%dma_start3A_20, %dma_start3A_21, %dma_start3A_22] : memref<3x8x128xi32, #tpu.memory_space<vmem>> -> memref<1x8x128xi32, #tpu.memory_space<vmem>>
    %dma_start3A_24 = tpu.memref_squeeze %dma_start3A_23 : memref<1x8x128xi32, #tpu.memory_space<vmem>> -> memref<8x128xi32, #tpu.memory_space<vmem>>
    %dma_start3A_25 = arith.constant 8 : i32
    %dma_start3A_26 = arith.constant 0 : i32
    %dma_start3A_27 = tpu.memref_slice %arg4[%add3A, %dma_start3A_25, %dma_start3A_26] : memref<32x80x128xi32, #tpu.memory_space<hbm>> -> memref<1x8x128xi32, #tpu.memory_space<hbm>>
    %dma_start3A_28 = tpu.memref_squeeze %dma_start3A_27 : memref<1x8x128xi32, #tpu.memory_space<hbm>> -> memref<8x128xi32, #tpu.memory_space<hbm>>
    %dma_start3A_29 = arith.constant 0 : i32
    %dma_start3A_30 = arith.constant 0 : i32
    %dma_start3A_31 = tpu.memref_slice %arg8[%dma_start3A_20, %dma_start3A_29, %dma_start3A_30] : memref<3x8x128xi32, #tpu.memory_space<vmem>> -> memref<1x8x128xi32, #tpu.memory_space<vmem>>
    %dma_start3A_32 = tpu.memref_squeeze %dma_start3A_31 : memref<1x8x128xi32, #tpu.memory_space<vmem>> -> memref<8x128xi32, #tpu.memory_space<vmem>>
    %dma_start3A_33 = arith.constant 8 : i32
    %dma_start3A_34 = arith.constant 0 : i32
    %dma_start3A_35 = tpu.memref_slice %arg4[%add3A, %dma_start3A_33, %dma_start3A_34] : memref<32x80x128xi32, #tpu.memory_space<hbm>> -> memref<1x8x128xi32, #tpu.memory_space<hbm>>
    %dma_start3A_36 = tpu.memref_squeeze %dma_start3A_35 : memref<1x8x128xi32, #tpu.memory_space<hbm>> -> memref<8x128xi32, #tpu.memory_space<hbm>>
    tpu.enqueue_dma source(%dma_start3A_36 : memref<8x128xi32, #tpu.memory_space<hbm>>) target(%dma_start3A_32 : memref<8x128xi32, #tpu.memory_space<vmem>>) target_semaphore(%arg13 : memref<!tpu.dma_semaphore, #tpu.memory_space<semaphore_mem>>)
    %barrier3A = arith.constant 0 : index
    tpu.barrier barrier_id(%barrier3A)
    %dma_start3A_37 = arith.constant 0 : i32
    %dma_start3A_38 = arith.constant 0 : i32
    %dma_start3A_39 = arith.constant 0 : i32
    %dma_start3A_40 = arith.constant 0 : i32
    %dma_start3A_41 = arith.constant 0 : i32
    %dma_start3A_42 = tpu.memref_slice %arg9[%dma_start3A_39, %dma_start3A_40, %dma_start3A_41] : memref<2x128x128xf32, #tpu.memory_space<vmem>> -> memref<1x128x128xf32, #tpu.memory_space<vmem>>
    %dma_start3A_43 = tpu.memref_squeeze %dma_start3A_42 : memref<1x128x128xf32, #tpu.memory_space<vmem>> -> memref<128x128xf32, #tpu.memory_space<vmem>>
    %dma_start3A_44 = arith.constant 0 : i32
    %dma_start3A_45 = tpu.memref_slice %arg7[%dma_start3A_37, %dma_start3A_38, %dma_start3A_44] : memref<3x8x128xi32, #tpu.memory_space<vmem>> -> memref<1x1x128xi32, #tpu.memory_space<vmem>>
    %dma_start3A_46 = tpu.memref_squeeze %dma_start3A_45 : memref<1x1x128xi32, #tpu.memory_space<vmem>> -> memref<128xi32, #tpu.memory_space<vmem>>
    %dma_start3A_47 = arith.constant 0 : i32
    %dma_start3A_48 = arith.constant 0 : i32
    %dma_start3A_49 = tpu.memref_slice %arg2[%dma_start3A_47, %dma_start3A_48] : memref<10000x128xf32, #tpu.memory_space<hbm>> -> memref<10000x128xf32, #tpu.memory_space<hbm>>
    tpu.enqueue_indirect_dma source(%dma_start3A_49 : memref<10000x128xf32, #tpu.memory_space<hbm>>) target(%dma_start3A_43 : memref<128x128xf32, #tpu.memory_space<vmem>>) offsets(%dma_start3A_46 : memref<128xi32, #tpu.memory_space<vmem>>) semaphore(%arg11 : memref<!tpu.dma_semaphore, #tpu.memory_space<semaphore_mem>>)
    %scan3A = arith.constant 0 : i32
    %scan3A_50 = arith.constant 0 : i32
    %scan3A_51 = arith.constant 80 : i32
    %scan3A_52 = arith.addi %scan3A_50, %scan3A_51 : i32
    %scan3A_53 = arith.constant 1 : i32
    scf.for %scan3A_68 = %scan3A_50 to %scan3A_52 step %scan3A_53  : i32 {
      %jit3A = arith.constant 2 : i32
      %eq3A = arith.constant 0 : i32
      %eq3A_69 = arith.cmpi eq, %jit3A, %eq3A : i32
      %jit3A_70 = arith.constant 1 : i32
      %select_n3A = arith.select %eq3A_69, %jit3A_70, %jit3A : i32
      %rem3A = arith.remsi %scan3A_68, %select_n3A : i32
      %ne3A = arith.constant 0 : i32
      %ne3A_71 = arith.cmpi ne, %rem3A, %ne3A : i32
      %lt3A = arith.constant 0 : i32
      %lt3A_72 = arith.cmpi slt, %rem3A, %lt3A : i32
      %lt3A_73 = arith.constant 0 : i32
      %lt3A_74 = arith.cmpi slt, %select_n3A, %lt3A_73 : i32
      %ne3A_75 = arith.xori %lt3A_72, %lt3A_74 : i1
      %and3A = arith.andi %ne3A_75, %ne3A_71 : i1
      %add3A_76 = arith.addi %rem3A, %select_n3A : i32
      %select_n3A_77 = arith.select %and3A, %add3A_76, %rem3A : i32
      %jit3A_78 = arith.constant 8 : i32
      %div3A = arith.divsi %scan3A_68, %jit3A_78 : i32
      %sign3A = arith.constant 0 : i32
      %sign3A_79 = arith.cmpi sgt, %scan3A_68, %sign3A : i32
      %sign3A_80 = arith.extui %sign3A_79 : i1 to i32
      %sign3A_81 = arith.constant 0 : i32
      %sign3A_82 = arith.cmpi slt, %scan3A_68, %sign3A_81 : i32
      %sign3A_83 = arith.extui %sign3A_82 : i1 to i32
      %sign3A_84 = arith.subi %sign3A_80, %sign3A_83 : i32
      %sign3A_85 = arith.constant 0 : i32
      %sign3A_86 = arith.cmpi sgt, %jit3A_78, %sign3A_85 : i32
      %sign3A_87 = arith.extui %sign3A_86 : i1 to i32
      %sign3A_88 = arith.constant 0 : i32
      %sign3A_89 = arith.cmpi slt, %jit3A_78, %sign3A_88 : i32
      %sign3A_90 = arith.extui %sign3A_89 : i1 to i32
      %sign3A_91 = arith.subi %sign3A_87, %sign3A_90 : i32
      %ne3A_92 = arith.cmpi ne, %sign3A_84, %sign3A_91 : i32
      %rem3A_93 = arith.remsi %scan3A_68, %jit3A_78 : i32
      %ne3A_94 = arith.constant 0 : i32
      %ne3A_95 = arith.cmpi ne, %rem3A_93, %ne3A_94 : i32
      %and3A_96 = arith.andi %ne3A_92, %ne3A_95 : i1
      %sub3A = arith.constant 1 : i32
      %sub3A_97 = arith.subi %div3A, %sub3A : i32
      %select_n3A_98 = arith.select %and3A_96, %sub3A_97, %div3A : i32
      %jit3A_99 = arith.constant 8 : i32
      %eq3A_100 = arith.constant 0 : i32
      %eq3A_101 = arith.cmpi eq, %jit3A_99, %eq3A_100 : i32
      %jit3A_102 = arith.constant 1 : i32
      %select_n3A_103 = arith.select %eq3A_101, %jit3A_102, %jit3A_99 : i32
      %rem3A_104 = arith.remsi %scan3A_68, %select_n3A_103 : i32
      %ne3A_105 = arith.constant 0 : i32
      %ne3A_106 = arith.cmpi ne, %rem3A_104, %ne3A_105 : i32
      %lt3A_107 = arith.constant 0 : i32
      %lt3A_108 = arith.cmpi slt, %rem3A_104, %lt3A_107 : i32
      %lt3A_109 = arith.constant 0 : i32
      %lt3A_110 = arith.cmpi slt, %select_n3A_103, %lt3A_109 : i32
      %ne3A_111 = arith.xori %lt3A_108, %lt3A_110 : i1
      %and3A_112 = arith.andi %ne3A_111, %ne3A_106 : i1
      %add3A_113 = arith.addi %rem3A_104, %select_n3A_103 : i32
      %select_n3A_114 = arith.select %and3A_112, %add3A_113, %rem3A_104 : i32
      %jit3A_115 = arith.constant 3 : i32
      %eq3A_116 = arith.constant 0 : i32
      %eq3A_117 = arith.cmpi eq, %jit3A_115, %eq3A_116 : i32
      %jit3A_118 = arith.constant 1 : i32
      %select_n3A_119 = arith.select %eq3A_117, %jit3A_118, %jit3A_115 : i32
      %rem3A_120 = arith.remsi %select_n3A_98, %select_n3A_119 : i32
      %ne3A_121 = arith.constant 0 : i32
      %ne3A_122 = arith.cmpi ne, %rem3A_120, %ne3A_121 : i32
      %lt3A_123 = arith.constant 0 : i32
      %lt3A_124 = arith.cmpi slt, %rem3A_120, %lt3A_123 : i32
      %lt3A_125 = arith.constant 0 : i32
      %lt3A_126 = arith.cmpi slt, %select_n3A_119, %lt3A_125 : i32
      %ne3A_127 = arith.xori %lt3A_124, %lt3A_126 : i1
      %and3A_128 = arith.andi %ne3A_127, %ne3A_122 : i1
      %add3A_129 = arith.addi %rem3A_120, %select_n3A_119 : i32
      %select_n3A_130 = arith.select %and3A_128, %add3A_129, %rem3A_120 : i32
      %dma_wait3A_131 = arith.constant 0 : i32
      %dma_wait3A_132 = arith.constant 0 : i32
      %dma_wait3A_133 = tpu.memref_slice %arg9[%select_n3A_77, %dma_wait3A_131, %dma_wait3A_132] : memref<2x128x128xf32, #tpu.memory_space<vmem>> -> memref<1x128x128xf32, #tpu.memory_space<vmem>>
      %dma_wait3A_134 = tpu.memref_squeeze %dma_wait3A_133 : memref<1x128x128xf32, #tpu.memory_space<vmem>> -> memref<128x128xf32, #tpu.memory_space<vmem>>
      %dma_wait3A_135 = arith.constant 0 : i32
      %dma_wait3A_136 = tpu.memref_slice %arg7[%select_n3A_130, %select_n3A_114, %dma_wait3A_135] : memref<3x8x128xi32, #tpu.memory_space<vmem>> -> memref<1x1x128xi32, #tpu.memory_space<vmem>>
      %dma_wait3A_137 = tpu.memref_squeeze %dma_wait3A_136 : memref<1x1x128xi32, #tpu.memory_space<vmem>> -> memref<128xi32, #tpu.memory_space<vmem>>
      %dma_wait3A_138 = arith.constant 0 : i32
      %dma_wait3A_139 = arith.constant 0 : i32
      %dma_wait3A_140 = tpu.memref_slice %arg2[%dma_wait3A_138, %dma_wait3A_139] : memref<10000x128xf32, #tpu.memory_space<hbm>> -> memref<10000x128xf32, #tpu.memory_space<hbm>>
      tpu.wait_indirect_dma semaphore(%arg11 : memref<!tpu.dma_semaphore, #tpu.memory_space<semaphore_mem>>) src(%dma_wait3A_140 : memref<10000x128xf32, #tpu.memory_space<hbm>>) dst(%dma_wait3A_134 : memref<128x128xf32, #tpu.memory_space<vmem>>)
      %ge3A = arith.constant 1 : i32
      %ge3A_141 = arith.cmpi sge, %scan3A_68, %ge3A : i32
      %convert_element_type3A = arith.extui %ge3A_141 : i1 to i32
      %cond3A = arith.constant 0 : i32
      %cond3A_142 = arith.cmpi ne, %convert_element_type3A, %cond3A : i32
      scf.if %cond3A_142 {
        %sub3A_170 = arith.constant 1 : i32
        %sub3A_171 = arith.subi %sub3A_170, %select_n3A_77 : i32
        %dma_wait3A_172 = arith.constant 0 : i32
        %dma_wait3A_173 = arith.constant 0 : i32
        %dma_wait3A_174 = tpu.memref_slice %arg9[%sub3A_171, %dma_wait3A_172, %dma_wait3A_173] : memref<2x128x128xf32, #tpu.memory_space<vmem>> -> memref<1x128x128xf32, #tpu.memory_space<vmem>>
        %dma_wait3A_175 = tpu.memref_squeeze %dma_wait3A_174 : memref<1x128x128xf32, #tpu.memory_space<vmem>> -> memref<128x128xf32, #tpu.memory_space<vmem>>
        %dma_wait3A_176 = arith.constant 0 : i32
        %dma_wait3A_177 = tpu.memref_slice %arg8[%select_n3A_130, %select_n3A_114, %dma_wait3A_176] : memref<3x8x128xi32, #tpu.memory_space<vmem>> -> memref<1x1x128xi32, #tpu.memory_space<vmem>>
        %dma_wait3A_178 = tpu.memref_squeeze %dma_wait3A_177 : memref<1x1x128xi32, #tpu.memory_space<vmem>> -> memref<128xi32, #tpu.memory_space<vmem>>
        %dma_wait3A_179 = arith.constant 0 : i32
        %dma_wait3A_180 = arith.constant 0 : i32
        %dma_wait3A_181 = tpu.memref_slice %arg10[%dma_wait3A_179, %dma_wait3A_180] : memref<10112x128xf32, #tpu.memory_space<vmem_shared>> -> memref<10112x128xf32, #tpu.memory_space<vmem_shared>>
        tpu.wait_indirect_dma semaphore(%arg12 : memref<!tpu.dma_semaphore, #tpu.memory_space<semaphore_mem>>) src(%dma_wait3A_175 : memref<128x128xf32, #tpu.memory_space<vmem>>) dst(%dma_wait3A_181 : memref<10112x128xf32, #tpu.memory_space<vmem_shared>>)
      } else {
      }
      %dma_start3A_143 = arith.constant 0 : i32
      %dma_start3A_144 = arith.constant 0 : i32
      %dma_start3A_145 = tpu.memref_slice %arg9[%select_n3A_77, %dma_start3A_143, %dma_start3A_144] : memref<2x128x128xf32, #tpu.memory_space<vmem>> -> memref<1x128x128xf32, #tpu.memory_space<vmem>>
      %dma_start3A_146 = tpu.memref_squeeze %dma_start3A_145 : memref<1x128x128xf32, #tpu.memory_space<vmem>> -> memref<128x128xf32, #tpu.memory_space<vmem>>
      %dma_start3A_147 = arith.constant 0 : i32
      %dma_start3A_148 = tpu.memref_slice %arg8[%select_n3A_130, %select_n3A_114, %dma_start3A_147] : memref<3x8x128xi32, #tpu.memory_space<vmem>> -> memref<1x1x128xi32, #tpu.memory_space<vmem>>
      %dma_start3A_149 = tpu.memref_squeeze %dma_start3A_148 : memref<1x1x128xi32, #tpu.memory_space<vmem>> -> memref<128xi32, #tpu.memory_space<vmem>>
      %dma_start3A_150 = arith.constant 0 : i32
      %dma_start3A_151 = arith.constant 0 : i32
      %dma_start3A_152 = tpu.memref_slice %arg10[%dma_start3A_150, %dma_start3A_151] : memref<10112x128xf32, #tpu.memory_space<vmem_shared>> -> memref<10112x128xf32, #tpu.memory_space<vmem_shared>>
      tpu.enqueue_indirect_dma source(%dma_start3A_146 : memref<128x128xf32, #tpu.memory_space<vmem>>) target(%dma_start3A_152 : memref<10112x128xf32, #tpu.memory_space<vmem_shared>>) offsets(%dma_start3A_149 : memref<128xi32, #tpu.memory_space<vmem>>) semaphore(%arg12 : memref<!tpu.dma_semaphore, #tpu.memory_space<semaphore_mem>>) {add = true}
      %eq3A_153 = arith.constant 7 : i32
      %eq3A_154 = arith.cmpi eq, %select_n3A_114, %eq3A_153 : i32
      %add3A_155 = arith.constant 2 : i32
      %add3A_156 = arith.addi %select_n3A_98, %add3A_155 : i32
      %lt3A_157 = arith.constant 10 : i32
      %lt3A_158 = arith.cmpi slt, %add3A_156, %lt3A_157 : i32
      %and3A_159 = arith.andi %eq3A_154, %lt3A_158 : i1
      %convert_element_type3A_160 = arith.extui %and3A_159 : i1 to i32
      %cond3A_161 = arith.constant 0 : i32
      %cond3A_162 = arith.cmpi ne, %convert_element_type3A_160, %cond3A_161 : i32
      scf.if %cond3A_162 {
        %add3A_170 = arith.constant 2 : i32
        %add3A_171 = arith.addi %select_n3A_98, %add3A_170 : i32
        %jit3A_172 = arith.constant 3 : i32
        %eq3A_173 = arith.constant 0 : i32
        %eq3A_174 = arith.cmpi eq, %jit3A_172, %eq3A_173 : i32
        %jit3A_175 = arith.constant 1 : i32
        %select_n3A_176 = arith.select %eq3A_174, %jit3A_175, %jit3A_172 : i32
        %rem3A_177 = arith.remsi %add3A_171, %select_n3A_176 : i32
        %ne3A_178 = arith.constant 0 : i32
        %ne3A_179 = arith.cmpi ne, %rem3A_177, %ne3A_178 : i32
        %lt3A_180 = arith.constant 0 : i32
        %lt3A_181 = arith.cmpi slt, %rem3A_177, %lt3A_180 : i32
        %lt3A_182 = arith.constant 0 : i32
        %lt3A_183 = arith.cmpi slt, %select_n3A_176, %lt3A_182 : i32
        %ne3A_184 = arith.xori %lt3A_181, %lt3A_183 : i1
        %and3A_185 = arith.andi %ne3A_184, %ne3A_179 : i1
        %add3A_186 = arith.addi %rem3A_177, %select_n3A_176 : i32
        %select_n3A_187 = arith.select %and3A_185, %add3A_186, %rem3A_177 : i32
        %add3A_188 = arith.constant 2 : i32
        %add3A_189 = arith.addi %select_n3A_98, %add3A_188 : i32
        %mul3A_190 = arith.constant 8 : i32
        %mul3A_191 = arith.muli %add3A_189, %mul3A_190 : i32
        %multiple_of3A_192 = tpu.assume_multiple %mul3A_191, 8 : i32
        %dma_start3A_193 = arith.constant 0 : i32
        %dma_start3A_194 = arith.constant 0 : i32
        %dma_start3A_195 = tpu.memref_slice %arg7[%select_n3A_187, %dma_start3A_193, %dma_start3A_194] : memref<3x8x128xi32, #tpu.memory_space<vmem>> -> memref<1x8x128xi32, #tpu.memory_space<vmem>>
        %dma_start3A_196 = tpu.memref_squeeze %dma_start3A_195 : memref<1x8x128xi32, #tpu.memory_space<vmem>> -> memref<8x128xi32, #tpu.memory_space<vmem>>
        %dma_start3A_197 = arith.constant 0 : i32
        %dma_start3A_198 = tpu.memref_slice %arg3[%add3A, %multiple_of3A_192, %dma_start3A_197] : memref<32x80x128xi32, #tpu.memory_space<hbm>> -> memref<1x8x128xi32, #tpu.memory_space<hbm>>
        %dma_start3A_199 = tpu.memref_squeeze %dma_start3A_198 : memref<1x8x128xi32, #tpu.memory_space<hbm>> -> memref<8x128xi32, #tpu.memory_space<hbm>>
        %dma_start3A_200 = arith.constant 0 : i32
        %dma_start3A_201 = arith.constant 0 : i32
        %dma_start3A_202 = tpu.memref_slice %arg7[%select_n3A_187, %dma_start3A_200, %dma_start3A_201] : memref<3x8x128xi32, #tpu.memory_space<vmem>> -> memref<1x8x128xi32, #tpu.memory_space<vmem>>
        %dma_start3A_203 = tpu.memref_squeeze %dma_start3A_202 : memref<1x8x128xi32, #tpu.memory_space<vmem>> -> memref<8x128xi32, #tpu.memory_space<vmem>>
        %dma_start3A_204 = arith.constant 0 : i32
        %dma_start3A_205 = tpu.memref_slice %arg3[%add3A, %multiple_of3A_192, %dma_start3A_204] : memref<32x80x128xi32, #tpu.memory_space<hbm>> -> memref<1x8x128xi32, #tpu.memory_space<hbm>>
        %dma_start3A_206 = tpu.memref_squeeze %dma_start3A_205 : memref<1x8x128xi32, #tpu.memory_space<hbm>> -> memref<8x128xi32, #tpu.memory_space<hbm>>
        tpu.enqueue_dma source(%dma_start3A_206 : memref<8x128xi32, #tpu.memory_space<hbm>>) target(%dma_start3A_203 : memref<8x128xi32, #tpu.memory_space<vmem>>) target_semaphore(%arg13 : memref<!tpu.dma_semaphore, #tpu.memory_space<semaphore_mem>>)
        %dma_start3A_207 = arith.constant 0 : i32
        %dma_start3A_208 = arith.constant 0 : i32
        %dma_start3A_209 = tpu.memref_slice %arg8[%select_n3A_187, %dma_start3A_207, %dma_start3A_208] : memref<3x8x128xi32, #tpu.memory_space<vmem>> -> memref<1x8x128xi32, #tpu.memory_space<vmem>>
        %dma_start3A_210 = tpu.memref_squeeze %dma_start3A_209 : memref<1x8x128xi32, #tpu.memory_space<vmem>> -> memref<8x128xi32, #tpu.memory_space<vmem>>
        %dma_start3A_211 = arith.constant 0 : i32
        %dma_start3A_212 = tpu.memref_slice %arg4[%add3A, %multiple_of3A_192, %dma_start3A_211] : memref<32x80x128xi32, #tpu.memory_space<hbm>> -> memref<1x8x128xi32, #tpu.memory_space<hbm>>
        %dma_start3A_213 = tpu.memref_squeeze %dma_start3A_212 : memref<1x8x128xi32, #tpu.memory_space<hbm>> -> memref<8x128xi32, #tpu.memory_space<hbm>>
        %dma_start3A_214 = arith.constant 0 : i32
        %dma_start3A_215 = arith.constant 0 : i32
        %dma_start3A_216 = tpu.memref_slice %arg8[%select_n3A_187, %dma_start3A_214, %dma_start3A_215] : memref<3x8x128xi32, #tpu.memory_space<vmem>> -> memref<1x8x128xi32, #tpu.memory_space<vmem>>
        %dma_start3A_217 = tpu.memref_squeeze %dma_start3A_216 : memref<1x8x128xi32, #tpu.memory_space<vmem>> -> memref<8x128xi32, #tpu.memory_space<vmem>>
        %dma_start3A_218 = arith.constant 0 : i32
        %dma_start3A_219 = tpu.memref_slice %arg4[%add3A, %multiple_of3A_192, %dma_start3A_218] : memref<32x80x128xi32, #tpu.memory_space<hbm>> -> memref<1x8x128xi32, #tpu.memory_space<hbm>>
        %dma_start3A_220 = tpu.memref_squeeze %dma_start3A_219 : memref<1x8x128xi32, #tpu.memory_space<hbm>> -> memref<8x128xi32, #tpu.memory_space<hbm>>
        tpu.enqueue_dma source(%dma_start3A_220 : memref<8x128xi32, #tpu.memory_space<hbm>>) target(%dma_start3A_217 : memref<8x128xi32, #tpu.memory_space<vmem>>) target_semaphore(%arg13 : memref<!tpu.dma_semaphore, #tpu.memory_space<semaphore_mem>>)
      } else {
      }
      %add3A_163 = arith.constant 1 : i32
      %add3A_164 = arith.addi %scan3A_68, %add3A_163 : i32
      %lt3A_165 = arith.constant 80 : i32
      %lt3A_166 = arith.cmpi slt, %add3A_164, %lt3A_165 : i32
      %convert_element_type3A_167 = arith.extui %lt3A_166 : i1 to i32
      %cond3A_168 = arith.constant 0 : i32
      %cond3A_169 = arith.cmpi ne, %convert_element_type3A_167, %cond3A_168 : i32
      scf.if %cond3A_169 {
        %add3A_170 = arith.constant 1 : i32
        %add3A_171 = arith.addi %scan3A_68, %add3A_170 : i32
        %jit3A_172 = arith.constant 8 : i32
        %div3A_173 = arith.divsi %add3A_171, %jit3A_172 : i32
        %sign3A_174 = arith.constant 0 : i32
        %sign3A_175 = arith.cmpi sgt, %add3A_171, %sign3A_174 : i32
        %sign3A_176 = arith.extui %sign3A_175 : i1 to i32
        %sign3A_177 = arith.constant 0 : i32
        %sign3A_178 = arith.cmpi slt, %add3A_171, %sign3A_177 : i32
        %sign3A_179 = arith.extui %sign3A_178 : i1 to i32
        %sign3A_180 = arith.subi %sign3A_176, %sign3A_179 : i32
        %sign3A_181 = arith.constant 0 : i32
        %sign3A_182 = arith.cmpi sgt, %jit3A_172, %sign3A_181 : i32
        %sign3A_183 = arith.extui %sign3A_182 : i1 to i32
        %sign3A_184 = arith.constant 0 : i32
        %sign3A_185 = arith.cmpi slt, %jit3A_172, %sign3A_184 : i32
        %sign3A_186 = arith.extui %sign3A_185 : i1 to i32
        %sign3A_187 = arith.subi %sign3A_183, %sign3A_186 : i32
        %ne3A_188 = arith.cmpi ne, %sign3A_180, %sign3A_187 : i32
        %rem3A_189 = arith.remsi %add3A_171, %jit3A_172 : i32
        %ne3A_190 = arith.constant 0 : i32
        %ne3A_191 = arith.cmpi ne, %rem3A_189, %ne3A_190 : i32
        %and3A_192 = arith.andi %ne3A_188, %ne3A_191 : i1
        %sub3A_193 = arith.constant 1 : i32
        %sub3A_194 = arith.subi %div3A_173, %sub3A_193 : i32
        %select_n3A_195 = arith.select %and3A_192, %sub3A_194, %div3A_173 : i32
        %add3A_196 = arith.constant 1 : i32
        %add3A_197 = arith.addi %scan3A_68, %add3A_196 : i32
        %jit3A_198 = arith.constant 8 : i32
        %eq3A_199 = arith.constant 0 : i32
        %eq3A_200 = arith.cmpi eq, %jit3A_198, %eq3A_199 : i32
        %jit3A_201 = arith.constant 1 : i32
        %select_n3A_202 = arith.select %eq3A_200, %jit3A_201, %jit3A_198 : i32
        %rem3A_203 = arith.remsi %add3A_197, %select_n3A_202 : i32
        %ne3A_204 = arith.constant 0 : i32
        %ne3A_205 = arith.cmpi ne, %rem3A_203, %ne3A_204 : i32
        %lt3A_206 = arith.constant 0 : i32
        %lt3A_207 = arith.cmpi slt, %rem3A_203, %lt3A_206 : i32
        %lt3A_208 = arith.constant 0 : i32
        %lt3A_209 = arith.cmpi slt, %select_n3A_202, %lt3A_208 : i32
        %ne3A_210 = arith.xori %lt3A_207, %lt3A_209 : i1
        %and3A_211 = arith.andi %ne3A_210, %ne3A_205 : i1
        %add3A_212 = arith.addi %rem3A_203, %select_n3A_202 : i32
        %select_n3A_213 = arith.select %and3A_211, %add3A_212, %rem3A_203 : i32
        %jit3A_214 = arith.constant 3 : i32
        %eq3A_215 = arith.constant 0 : i32
        %eq3A_216 = arith.cmpi eq, %jit3A_214, %eq3A_215 : i32
        %jit3A_217 = arith.constant 1 : i32
        %select_n3A_218 = arith.select %eq3A_216, %jit3A_217, %jit3A_214 : i32
        %rem3A_219 = arith.remsi %select_n3A_195, %select_n3A_218 : i32
        %ne3A_220 = arith.constant 0 : i32
        %ne3A_221 = arith.cmpi ne, %rem3A_219, %ne3A_220 : i32
        %lt3A_222 = arith.constant 0 : i32
        %lt3A_223 = arith.cmpi slt, %rem3A_219, %lt3A_222 : i32
        %lt3A_224 = arith.constant 0 : i32
        %lt3A_225 = arith.cmpi slt, %select_n3A_218, %lt3A_224 : i32
        %ne3A_226 = arith.xori %lt3A_223, %lt3A_225 : i1
        %and3A_227 = arith.andi %ne3A_226, %ne3A_221 : i1
        %add3A_228 = arith.addi %rem3A_219, %select_n3A_218 : i32
        %select_n3A_229 = arith.select %and3A_227, %add3A_228, %rem3A_219 : i32
        %eq3A_230 = arith.constant 0 : i32
        %eq3A_231 = arith.cmpi eq, %select_n3A_213, %eq3A_230 : i32
        %convert_element_type3A_232 = arith.extui %eq3A_231 : i1 to i32
        %cond3A_233 = arith.constant 0 : i32
        %cond3A_234 = arith.cmpi ne, %convert_element_type3A_232, %cond3A_233 : i32
        scf.if %cond3A_234 {
          %mul3A_247 = arith.constant 8 : i32
          %mul3A_248 = arith.muli %select_n3A_195, %mul3A_247 : i32
          %multiple_of3A_249 = tpu.assume_multiple %mul3A_248, 8 : i32
          %dma_wait3A_250 = arith.constant 0 : i32
          %dma_wait3A_251 = arith.constant 0 : i32
          %dma_wait3A_252 = tpu.memref_slice %arg7[%select_n3A_229, %dma_wait3A_250, %dma_wait3A_251] : memref<3x8x128xi32, #tpu.memory_space<vmem>> -> memref<1x8x128xi32, #tpu.memory_space<vmem>>
          %dma_wait3A_253 = tpu.memref_squeeze %dma_wait3A_252 : memref<1x8x128xi32, #tpu.memory_space<vmem>> -> memref<8x128xi32, #tpu.memory_space<vmem>>
          %dma_wait3A_254 = arith.constant 0 : i32
          %dma_wait3A_255 = tpu.memref_slice %arg3[%add3A, %multiple_of3A_249, %dma_wait3A_254] : memref<32x80x128xi32, #tpu.memory_space<hbm>> -> memref<1x8x128xi32, #tpu.memory_space<hbm>>
          %dma_wait3A_256 = tpu.memref_squeeze %dma_wait3A_255 : memref<1x8x128xi32, #tpu.memory_space<hbm>> -> memref<8x128xi32, #tpu.memory_space<hbm>>
          %dma_wait3A_257 = arith.constant 0 : i32
          %dma_wait3A_258 = arith.constant 0 : i32
          %dma_wait3A_259 = tpu.memref_slice %arg7[%select_n3A_229, %dma_wait3A_257, %dma_wait3A_258] : memref<3x8x128xi32, #tpu.memory_space<vmem>> -> memref<1x8x128xi32, #tpu.memory_space<vmem>>
          %dma_wait3A_260 = tpu.memref_squeeze %dma_wait3A_259 : memref<1x8x128xi32, #tpu.memory_space<vmem>> -> memref<8x128xi32, #tpu.memory_space<vmem>>
          %dma_wait3A_261 = arith.constant 0 : i32
          %dma_wait3A_262 = tpu.memref_slice %arg3[%add3A, %multiple_of3A_249, %dma_wait3A_261] : memref<32x80x128xi32, #tpu.memory_space<hbm>> -> memref<1x8x128xi32, #tpu.memory_space<hbm>>
          %dma_wait3A_263 = tpu.memref_squeeze %dma_wait3A_262 : memref<1x8x128xi32, #tpu.memory_space<hbm>> -> memref<8x128xi32, #tpu.memory_space<hbm>>
          tpu.wait_dma2 semaphore(%arg13 : memref<!tpu.dma_semaphore, #tpu.memory_space<semaphore_mem>>) src(%dma_wait3A_263 : memref<8x128xi32, #tpu.memory_space<hbm>>) dst(%dma_wait3A_260 : memref<8x128xi32, #tpu.memory_space<vmem>>)
          %dma_wait3A_264 = arith.constant 0 : i32
          %dma_wait3A_265 = arith.constant 0 : i32
          %dma_wait3A_266 = tpu.memref_slice %arg8[%select_n3A_229, %dma_wait3A_264, %dma_wait3A_265] : memref<3x8x128xi32, #tpu.memory_space<vmem>> -> memref<1x8x128xi32, #tpu.memory_space<vmem>>
          %dma_wait3A_267 = tpu.memref_squeeze %dma_wait3A_266 : memref<1x8x128xi32, #tpu.memory_space<vmem>> -> memref<8x128xi32, #tpu.memory_space<vmem>>
          %dma_wait3A_268 = arith.constant 0 : i32
          %dma_wait3A_269 = tpu.memref_slice %arg4[%add3A, %multiple_of3A_249, %dma_wait3A_268] : memref<32x80x128xi32, #tpu.memory_space<hbm>> -> memref<1x8x128xi32, #tpu.memory_space<hbm>>
          %dma_wait3A_270 = tpu.memref_squeeze %dma_wait3A_269 : memref<1x8x128xi32, #tpu.memory_space<hbm>> -> memref<8x128xi32, #tpu.memory_space<hbm>>
          %dma_wait3A_271 = arith.constant 0 : i32
          %dma_wait3A_272 = arith.constant 0 : i32
          %dma_wait3A_273 = tpu.memref_slice %arg8[%select_n3A_229, %dma_wait3A_271, %dma_wait3A_272] : memref<3x8x128xi32, #tpu.memory_space<vmem>> -> memref<1x8x128xi32, #tpu.memory_space<vmem>>
          %dma_wait3A_274 = tpu.memref_squeeze %dma_wait3A_273 : memref<1x8x128xi32, #tpu.memory_space<vmem>> -> memref<8x128xi32, #tpu.memory_space<vmem>>
          %dma_wait3A_275 = arith.constant 0 : i32
          %dma_wait3A_276 = tpu.memref_slice %arg4[%add3A, %multiple_of3A_249, %dma_wait3A_275] : memref<32x80x128xi32, #tpu.memory_space<hbm>> -> memref<1x8x128xi32, #tpu.memory_space<hbm>>
          %dma_wait3A_277 = tpu.memref_squeeze %dma_wait3A_276 : memref<1x8x128xi32, #tpu.memory_space<hbm>> -> memref<8x128xi32, #tpu.memory_space<hbm>>
          tpu.wait_dma2 semaphore(%arg13 : memref<!tpu.dma_semaphore, #tpu.memory_space<semaphore_mem>>) src(%dma_wait3A_277 : memref<8x128xi32, #tpu.memory_space<hbm>>) dst(%dma_wait3A_274 : memref<8x128xi32, #tpu.memory_space<vmem>>)
        } else {
        }
        %sub3A_235 = arith.constant 1 : i32
        %sub3A_236 = arith.subi %sub3A_235, %select_n3A_77 : i32
        %dma_start3A_237 = arith.constant 0 : i32
        %dma_start3A_238 = arith.constant 0 : i32
        %dma_start3A_239 = tpu.memref_slice %arg9[%sub3A_236, %dma_start3A_237, %dma_start3A_238] : memref<2x128x128xf32, #tpu.memory_space<vmem>> -> memref<1x128x128xf32, #tpu.memory_space<vmem>>
        %dma_start3A_240 = tpu.memref_squeeze %dma_start3A_239 : memref<1x128x128xf32, #tpu.memory_space<vmem>> -> memref<128x128xf32, #tpu.memory_space<vmem>>
        %dma_start3A_241 = arith.constant 0 : i32
        %dma_start3A_242 = tpu.memref_slice %arg7[%select_n3A_229, %select_n3A_213, %dma_start3A_241] : memref<3x8x128xi32, #tpu.memory_space<vmem>> -> memref<1x1x128xi32, #tpu.memory_space<vmem>>
        %dma_start3A_243 = tpu.memref_squeeze %dma_start3A_242 : memref<1x1x128xi32, #tpu.memory_space<vmem>> -> memref<128xi32, #tpu.memory_space<vmem>>
        %dma_start3A_244 = arith.constant 0 : i32
        %dma_start3A_245 = arith.constant 0 : i32
        %dma_start3A_246 = tpu.memref_slice %arg2[%dma_start3A_244, %dma_start3A_245] : memref<10000x128xf32, #tpu.memory_space<hbm>> -> memref<10000x128xf32, #tpu.memory_space<hbm>>
        tpu.enqueue_indirect_dma source(%dma_start3A_246 : memref<10000x128xf32, #tpu.memory_space<hbm>>) target(%dma_start3A_240 : memref<128x128xf32, #tpu.memory_space<vmem>>) offsets(%dma_start3A_243 : memref<128xi32, #tpu.memory_space<vmem>>) semaphore(%arg11 : memref<!tpu.dma_semaphore, #tpu.memory_space<semaphore_mem>>)
      } else {
      }
    }
    %scan3A_54 = arith.constant 80 : i32
    %dma_wait3A = arith.constant 0 : i32
    %dma_wait3A_55 = arith.constant 0 : i32
    %dma_wait3A_56 = arith.constant 0 : i32
    %dma_wait3A_57 = arith.constant 0 : i32
    %dma_wait3A_58 = arith.constant 0 : i32
    %dma_wait3A_59 = tpu.memref_slice %arg9[%dma_wait3A, %dma_wait3A_57, %dma_wait3A_58] : memref<2x128x128xf32, #tpu.memory_space<vmem>> -> memref<1x128x128xf32, #tpu.memory_space<vmem>>
    %dma_wait3A_60 = tpu.memref_squeeze %dma_wait3A_59 : memref<1x128x128xf32, #tpu.memory_space<vmem>> -> memref<128x128xf32, #tpu.memory_space<vmem>>
    %dma_wait3A_61 = arith.constant 0 : i32
    %dma_wait3A_62 = tpu.memref_slice %arg8[%dma_wait3A_55, %dma_wait3A_56, %dma_wait3A_61] : memref<3x8x128xi32, #tpu.memory_space<vmem>> -> memref<1x1x128xi32, #tpu.memory_space<vmem>>
    %dma_wait3A_63 = tpu.memref_squeeze %dma_wait3A_62 : memref<1x1x128xi32, #tpu.memory_space<vmem>> -> memref<128xi32, #tpu.memory_space<vmem>>
    %dma_wait3A_64 = arith.constant 0 : i32
    %dma_wait3A_65 = arith.constant 0 : i32
    %dma_wait3A_66 = tpu.memref_slice %arg10[%dma_wait3A_64, %dma_wait3A_65] : memref<10112x128xf32, #tpu.memory_space<vmem_shared>> -> memref<10112x128xf32, #tpu.memory_space<vmem_shared>>
    tpu.wait_indirect_dma semaphore(%arg12 : memref<!tpu.dma_semaphore, #tpu.memory_space<semaphore_mem>>) src(%dma_wait3A_60 : memref<128x128xf32, #tpu.memory_space<vmem>>) dst(%dma_wait3A_66 : memref<10112x128xf32, #tpu.memory_space<vmem_shared>>)
    %barrier3A_67 = arith.constant 0 : index
    tpu.barrier barrier_id(%barrier3A_67)
    "tpu.region"() ({
      %run_scoped3A_68 = tpu.sem_alloc : memref<!tpu.dma_semaphore, #tpu.memory_space<semaphore_mem>>
      %dma_start3A_69 = arith.constant 0 : i32
      %dma_start3A_70 = tpu.memref_slice %arg6[%arg0, %multiple_of3A, %dma_start3A_69] : memref<2x10112x128xf32, #tpu.memory_space<hbm>> -> memref<1x632x128xf32, #tpu.memory_space<hbm>>
      %dma_start3A_71 = tpu.memref_squeeze %dma_start3A_70 : memref<1x632x128xf32, #tpu.memory_space<hbm>> -> memref<632x128xf32, #tpu.memory_space<hbm>>
      %dma_start3A_72 = arith.constant 0 : i32
      %dma_start3A_73 = tpu.memref_slice %arg10[%multiple_of3A, %dma_start3A_72] : memref<10112x128xf32, #tpu.memory_space<vmem_shared>> -> memref<632x128xf32, #tpu.memory_space<vmem_shared>>
      tpu.enqueue_dma source(%dma_start3A_73 : memref<632x128xf32, #tpu.memory_space<vmem_shared>>) target(%dma_start3A_71 : memref<632x128xf32, #tpu.memory_space<hbm>>) target_semaphore(%run_scoped3A_68 : memref<!tpu.dma_semaphore, #tpu.memory_space<semaphore_mem>>)
      %dma_wait3A_74 = arith.constant 0 : i32
      %dma_wait3A_75 = tpu.memref_slice %arg6[%arg0, %multiple_of3A, %dma_wait3A_74] : memref<2x10112x128xf32, #tpu.memory_space<hbm>> -> memref<1x632x128xf32, #tpu.memory_space<hbm>>
      %dma_wait3A_76 = tpu.memref_squeeze %dma_wait3A_75 : memref<1x632x128xf32, #tpu.memory_space<hbm>> -> memref<632x128xf32, #tpu.memory_space<hbm>>
      %dma_wait3A_77 = arith.constant 0 : i32
      %dma_wait3A_78 = tpu.memref_slice %arg10[%multiple_of3A, %dma_wait3A_77] : memref<10112x128xf32, #tpu.memory_space<vmem_shared>> -> memref<632x128xf32, #tpu.memory_space<vmem_shared>>
      tpu.wait_dma2 semaphore(%run_scoped3A_68 : memref<!tpu.dma_semaphore, #tpu.memory_space<semaphore_mem>>) src(%dma_wait3A_78 : memref<632x128xf32, #tpu.memory_space<vmem_shared>>) dst(%dma_wait3A_76 : memref<632x128xf32, #tpu.memory_space<hbm>>)
      tpu.yield
    }) : () -> ()
    return
  }
}

module attributes {stable_mosaic.version = 14 : i64} {
  func.func @_y1_body(%arg0: i32, %arg1: memref<1000x128xf32, #tpu.memory_space<vmem>>, %arg2: memref<128x128xf32, #tpu.memory_space<vmem>>, %arg3: memref<2x1000x16xf32, #tpu.memory_space<vmem>>, %arg4: memref<1000x128xf32, #tpu.memory_space<vmem>>) attributes {dimension_semantics = [#tpu.dimension_semantics<arbitrary>], iteration_bounds = array<i64: 10>, scalar_prefetch = 0 : i64, scratch_operands = 0 : i64, tpu.core_type = #tpu.core_type<tc>, window_params = [{transform_indices = @transform_0, window_bounds = array<i64: 1000, 128>}, {pipeline_mode = #tpu.pipeline_mode<synchronous>, transform_indices = @transform_1, window_bounds = array<i64: 128, 128>}, {transform_indices = @transform_2, window_bounds = array<i64: 2, 1000, 16>}, {transform_indices = @transform_3, window_bounds = array<i64: 1000, 128>}]} {
    %get3A = arith.constant 0 : index
    %get3A_0 = arith.constant 0 : index
    %get3A_1 = arith.constant 0 : index
    %get3A_2 = vector.load %arg3[%get3A, %get3A_0, %get3A_1] : memref<2x1000x16xf32, #tpu.memory_space<vmem>>, vector<2x1000x16xf32>
    %slice3A = vector.extract_strided_slice %get3A_2 {offsets = [0, 0, 0], sizes = [1, 1000, 1], strides = [1, 1, 1]} : vector<2x1000x16xf32> to vector<1x1000x1xf32>
    %squeeze3A = vector.shape_cast %slice3A : vector<1x1000x1xf32> to vector<1000xf32>
    %slice3A_3 = vector.extract_strided_slice %get3A_2 {offsets = [1, 0, 0], sizes = [1, 1000, 1], strides = [1, 1, 1]} : vector<2x1000x16xf32> to vector<1x1000x1xf32>
    %squeeze3A_4 = vector.shape_cast %slice3A_3 : vector<1x1000x1xf32> to vector<1000xf32>
    %add3A = arith.addf %squeeze3A, %squeeze3A_4 : vector<1000xf32>
    %add3A_5 = arith.constant 1.000000e+00 : f32
    %add3A_6 = vector.broadcast %add3A_5 : f32 to vector<1000xf32>
    %add3A_7 = arith.addf %add3A, %add3A_6 : vector<1000xf32>
    %rsqrt3A = math.rsqrt %add3A_7 : vector<1000xf32>
    %get3A_8 = arith.constant 0 : index
    %get3A_9 = arith.constant 0 : index
    %get3A_10 = vector.load %arg1[%get3A_8, %get3A_9] : memref<1000x128xf32, #tpu.memory_space<vmem>>, vector<1000x128xf32>
    %get3A_11 = arith.constant 0 : index
    %get3A_12 = arith.constant 0 : index
    %get3A_13 = vector.load %arg2[%get3A_11, %get3A_12] : memref<128x128xf32, #tpu.memory_space<vmem>>, vector<128x128xf32>
    %dot_general3A = arith.constant dense<0.000000e+00> : vector<1000x128xf32>
    %dot_general3A_14 = tpu.matmul %get3A_10, %get3A_13, %dot_general3A {dimension_numbers = #tpu.dot_dimension_numbers<[1], [0], [0], [1], [0, 0, 1, 1], [], []>, transpose_lhs_hint = false} : vector<1000x128xf32>, vector<128x128xf32>, vector<1000x128xf32> -> vector<1000x128xf32>
    %broadcast_in_dim3A = vector.shape_cast %rsqrt3A : vector<1000xf32> to vector<1000x1xf32>
    %mul3A = vector.broadcast %broadcast_in_dim3A : vector<1000x1xf32> to vector<1000x128xf32>
    %mul3A_15 = arith.mulf %dot_general3A_14, %mul3A : vector<1000x128xf32>
    %swap3A = arith.constant 0 : index
    %swap3A_16 = arith.constant 0 : index
    %swap3A_17 = vector.load %arg4[%swap3A, %swap3A_16] : memref<1000x128xf32, #tpu.memory_space<vmem>>, vector<1000x128xf32>
    tpu.vector_store %arg4[%swap3A, %swap3A_16], %mul3A_15 {strides = array<i32>} : memref<1000x128xf32, #tpu.memory_space<vmem>>, vector<1000x128xf32>,
    return
  }
  func.func @transform_0(%arg0: i32) -> (i32, i32) {
    %c0_i32 = arith.constant 0 : i32
    %c0_i32_0 = arith.constant 0 : i32
    return %arg0, %c0_i32 : i32, i32
  }
  func.func @transform_1(%arg0: i32) -> (i32, i32) {
    %c0_i32 = arith.constant 0 : i32
    %c0_i32_0 = arith.constant 0 : i32
    %c0_i32_1 = arith.constant 0 : i32
    return %c0_i32, %c0_i32_0 : i32, i32
  }
  func.func @transform_2(%arg0: i32) -> (i32, i32, i32) {
    %c0_i32 = arith.constant 0 : i32
    %c0_i32_0 = arith.constant 0 : i32
    %c0_i32_1 = arith.constant 0 : i32
    return %c0_i32, %arg0, %c0_i32_0 : i32, i32, i32
  }
  func.func @transform_3(%arg0: i32) -> (i32, i32) {
    %c0_i32 = arith.constant 0 : i32
    %c0_i32_0 = arith.constant 0 : i32
    return %arg0, %c0_i32 : i32, i32
  }
}

module attributes {stable_mosaic.version = 14 : i64} {
  func.func @_mid_body(%arg0: i32, %arg1: memref<2x1000x128xf32, #tpu.memory_space<vmem>>, %arg2: memref<1000x128xf32, #tpu.memory_space<vmem>>, %arg3: memref<2x1000x16xf32, #tpu.memory_space<vmem>>, %arg4: memref<1x128xf32, #tpu.memory_space<vmem>>, %arg5: memref<128x128xf32, #tpu.memory_space<vmem>>, %arg6: memref<1000x128xf32, #tpu.memory_space<vmem>>) attributes {dimension_semantics = [#tpu.dimension_semantics<arbitrary>], iteration_bounds = array<i64: 10>, scalar_prefetch = 0 : i64, scratch_operands = 0 : i64, tpu.core_type = #tpu.core_type<tc>, window_params = [{transform_indices = @transform_0, window_bounds = array<i64: 2, 1000, 128>}, {transform_indices = @transform_1, window_bounds = array<i64: 1000, 128>}, {transform_indices = @transform_2, window_bounds = array<i64: 2, 1000, 16>}, {pipeline_mode = #tpu.pipeline_mode<synchronous>, transform_indices = @transform_3, window_bounds = array<i64: 1, 128>}, {pipeline_mode = #tpu.pipeline_mode<synchronous>, transform_indices = @transform_4, window_bounds = array<i64: 128, 128>}, {transform_indices = @transform_5, window_bounds = array<i64: 1000, 128>}]} {
    %get3A = arith.constant 0 : index
    %get3A_0 = arith.constant 0 : index
    %get3A_1 = arith.constant 0 : index
    %get3A_2 = vector.load %arg3[%get3A, %get3A_0, %get3A_1] : memref<2x1000x16xf32, #tpu.memory_space<vmem>>, vector<2x1000x16xf32>
    %slice3A = vector.extract_strided_slice %get3A_2 {offsets = [0, 0, 0], sizes = [1, 1000, 1], strides = [1, 1, 1]} : vector<2x1000x16xf32> to vector<1x1000x1xf32>
    %squeeze3A = vector.shape_cast %slice3A : vector<1x1000x1xf32> to vector<1000xf32>
    %slice3A_3 = vector.extract_strided_slice %get3A_2 {offsets = [1, 0, 0], sizes = [1, 1000, 1], strides = [1, 1, 1]} : vector<2x1000x16xf32> to vector<1x1000x1xf32>
    %squeeze3A_4 = vector.shape_cast %slice3A_3 : vector<1x1000x1xf32> to vector<1000xf32>
    %add3A = arith.addf %squeeze3A, %squeeze3A_4 : vector<1000xf32>
    %add3A_5 = arith.constant 1.000000e+00 : f32
    %add3A_6 = vector.broadcast %add3A_5 : f32 to vector<1000xf32>
    %add3A_7 = arith.addf %add3A, %add3A_6 : vector<1000xf32>
    %rsqrt3A = math.rsqrt %add3A_7 : vector<1000xf32>
    %get3A_8 = arith.constant 0 : index
    %get3A_9 = arith.constant 0 : index
    %get3A_10 = arith.constant 0 : index
    %get3A_11 = vector.load %arg1[%get3A_8, %get3A_9, %get3A_10] : memref<2x1000x128xf32, #tpu.memory_space<vmem>>, vector<1x1000x128xf32>
    %get3A_12 = vector.shape_cast %get3A_11 : vector<1x1000x128xf32> to vector<1000x128xf32>
    %get3A_13 = arith.constant 1 : index
    %get3A_14 = arith.constant 0 : index
    %get3A_15 = arith.constant 0 : index
    %get3A_16 = vector.load %arg1[%get3A_13, %get3A_14, %get3A_15] : memref<2x1000x128xf32, #tpu.memory_space<vmem>>, vector<1x1000x128xf32>
    %get3A_17 = vector.shape_cast %get3A_16 : vector<1x1000x128xf32> to vector<1000x128xf32>
    %add3A_18 = arith.addf %get3A_12, %get3A_17 : vector<1000x128xf32>
    %get3A_19 = arith.constant 0 : index
    %get3A_20 = arith.constant 0 : index
    %get3A_21 = vector.load %arg2[%get3A_19, %get3A_20] : memref<1000x128xf32, #tpu.memory_space<vmem>>, vector<1000x128xf32>
    %add3A_22 = arith.addf %add3A_18, %get3A_21 : vector<1000x128xf32>
    %broadcast_in_dim3A = vector.shape_cast %rsqrt3A : vector<1000xf32> to vector<1000x1xf32>
    %mul3A = vector.broadcast %broadcast_in_dim3A : vector<1000x1xf32> to vector<1000x128xf32>
    %mul3A_23 = arith.mulf %mul3A, %add3A_22 : vector<1000x128xf32>
    %get3A_24 = arith.constant 0 : index
    %get3A_25 = arith.constant 0 : index
    %get3A_26 = vector.load %arg4[%get3A_24, %get3A_25] : memref<1x128xf32, #tpu.memory_space<vmem>>, vector<1x128xf32>
    %add3A_27 = vector.broadcast %get3A_26 : vector<1x128xf32> to vector<1000x128xf32>
    %add3A_28 = arith.addf %mul3A_23, %add3A_27 : vector<1000x128xf32>
    %max3A = arith.constant 0.000000e+00 : f32
    %max3A_29 = vector.broadcast %max3A : f32 to vector<1000x128xf32>
    %max3A_30 = arith.maximumf %add3A_28, %max3A_29 : vector<1000x128xf32>
    %get3A_31 = arith.constant 0 : index
    %get3A_32 = arith.constant 0 : index
    %get3A_33 = vector.load %arg5[%get3A_31, %get3A_32] : memref<128x128xf32, #tpu.memory_space<vmem>>, vector<128x128xf32>
    %dot_general3A = arith.constant dense<0.000000e+00> : vector<1000x128xf32>
    %dot_general3A_34 = tpu.matmul %max3A_30, %get3A_33, %dot_general3A {dimension_numbers = #tpu.dot_dimension_numbers<[1], [0], [0], [1], [0, 0, 1, 1], [], []>, transpose_lhs_hint = false} : vector<1000x128xf32>, vector<128x128xf32>, vector<1000x128xf32> -> vector<1000x128xf32>
    %broadcast_in_dim3A_35 = vector.shape_cast %rsqrt3A : vector<1000xf32> to vector<1000x1xf32>
    %mul3A_36 = vector.broadcast %broadcast_in_dim3A_35 : vector<1000x1xf32> to vector<1000x128xf32>
    %mul3A_37 = arith.mulf %dot_general3A_34, %mul3A_36 : vector<1000x128xf32>
    %swap3A = arith.constant 0 : index
    %swap3A_38 = arith.constant 0 : index
    %swap3A_39 = vector.load %arg6[%swap3A, %swap3A_38] : memref<1000x128xf32, #tpu.memory_space<vmem>>, vector<1000x128xf32>
    tpu.vector_store %arg6[%swap3A, %swap3A_38], %mul3A_37 {strides = array<i32>} : memref<1000x128xf32, #tpu.memory_space<vmem>>, vector<1000x128xf32>,
    return
  }
  func.func @transform_0(%arg0: i32) -> (i32, i32, i32) {
    %c0_i32 = arith.constant 0 : i32
    %c0_i32_0 = arith.constant 0 : i32
    %c0_i32_1 = arith.constant 0 : i32
    return %c0_i32, %arg0, %c0_i32_0 : i32, i32, i32
  }
  func.func @transform_1(%arg0: i32) -> (i32, i32) {
    %c0_i32 = arith.constant 0 : i32
    %c0_i32_0 = arith.constant 0 : i32
    return %arg0, %c0_i32 : i32, i32
  }
  func.func @transform_2(%arg0: i32) -> (i32, i32, i32) {
    %c0_i32 = arith.constant 0 : i32
    %c0_i32_0 = arith.constant 0 : i32
    %c0_i32_1 = arith.constant 0 : i32
    return %c0_i32, %arg0, %c0_i32_0 : i32, i32, i32
  }
  func.func @transform_3(%arg0: i32) -> (i32, i32) {
    %c0_i32 = arith.constant 0 : i32
    %c0_i32_0 = arith.constant 0 : i32
    %c0_i32_1 = arith.constant 0 : i32
    return %c0_i32, %c0_i32_0 : i32, i32
  }
  func.func @transform_4(%arg0: i32) -> (i32, i32) {
    %c0_i32 = arith.constant 0 : i32
    %c0_i32_0 = arith.constant 0 : i32
    %c0_i32_1 = arith.constant 0 : i32
    return %c0_i32, %c0_i32_0 : i32, i32
  }
  func.func @transform_5(%arg0: i32) -> (i32, i32) {
    %c0_i32 = arith.constant 0 : i32
    %c0_i32_0 = arith.constant 0 : i32
    return %arg0, %c0_i32 : i32, i32
  }
}

module attributes {stable_mosaic.version = 14 : i64} {
  func.func @_fin_body(%arg0: i32, %arg1: memref<2x1000x128xf32, #tpu.memory_space<vmem>>, %arg2: memref<1000x128xf32, #tpu.memory_space<vmem>>, %arg3: memref<2x1000x16xf32, #tpu.memory_space<vmem>>, %arg4: memref<1x128xf32, #tpu.memory_space<vmem>>, %arg5: memref<128x128xf32, #tpu.memory_space<vmem>>, %arg6: memref<1x128xf32, #tpu.memory_space<vmem>>, %arg7: memref<1000x128xf32, #tpu.memory_space<vmem>>) attributes {dimension_semantics = [#tpu.dimension_semantics<arbitrary>], iteration_bounds = array<i64: 10>, scalar_prefetch = 0 : i64, scratch_operands = 0 : i64, tpu.core_type = #tpu.core_type<tc>, window_params = [{transform_indices = @transform_0, window_bounds = array<i64: 2, 1000, 128>}, {transform_indices = @transform_1, window_bounds = array<i64: 1000, 128>}, {transform_indices = @transform_2, window_bounds = array<i64: 2, 1000, 16>}, {pipeline_mode = #tpu.pipeline_mode<synchronous>, transform_indices = @transform_3, window_bounds = array<i64: 1, 128>}, {pipeline_mode = #tpu.pipeline_mode<synchronous>, transform_indices = @transform_4, window_bounds = array<i64: 128, 128>}, {pipeline_mode = #tpu.pipeline_mode<synchronous>, transform_indices = @transform_5, window_bounds = array<i64: 1, 128>}, {transform_indices = @transform_6, window_bounds = array<i64: 1000, 128>}]} {
    %get3A = arith.constant 0 : index
    %get3A_0 = arith.constant 0 : index
    %get3A_1 = arith.constant 0 : index
    %get3A_2 = vector.load %arg3[%get3A, %get3A_0, %get3A_1] : memref<2x1000x16xf32, #tpu.memory_space<vmem>>, vector<2x1000x16xf32>
    %slice3A = vector.extract_strided_slice %get3A_2 {offsets = [0, 0, 0], sizes = [1, 1000, 1], strides = [1, 1, 1]} : vector<2x1000x16xf32> to vector<1x1000x1xf32>
    %squeeze3A = vector.shape_cast %slice3A : vector<1x1000x1xf32> to vector<1000xf32>
    %slice3A_3 = vector.extract_strided_slice %get3A_2 {offsets = [1, 0, 0], sizes = [1, 1000, 1], strides = [1, 1, 1]} : vector<2x1000x16xf32> to vector<1x1000x1xf32>
    %squeeze3A_4 = vector.shape_cast %slice3A_3 : vector<1x1000x1xf32> to vector<1000xf32>
    %add3A = arith.addf %squeeze3A, %squeeze3A_4 : vector<1000xf32>
    %add3A_5 = arith.constant 1.000000e+00 : f32
    %add3A_6 = vector.broadcast %add3A_5 : f32 to vector<1000xf32>
    %add3A_7 = arith.addf %add3A, %add3A_6 : vector<1000xf32>
    %rsqrt3A = math.rsqrt %add3A_7 : vector<1000xf32>
    %get3A_8 = arith.constant 0 : index
    %get3A_9 = arith.constant 0 : index
    %get3A_10 = arith.constant 0 : index
    %get3A_11 = vector.load %arg1[%get3A_8, %get3A_9, %get3A_10] : memref<2x1000x128xf32, #tpu.memory_space<vmem>>, vector<1x1000x128xf32>
    %get3A_12 = vector.shape_cast %get3A_11 : vector<1x1000x128xf32> to vector<1000x128xf32>
    %get3A_13 = arith.constant 1 : index
    %get3A_14 = arith.constant 0 : index
    %get3A_15 = arith.constant 0 : index
    %get3A_16 = vector.load %arg1[%get3A_13, %get3A_14, %get3A_15] : memref<2x1000x128xf32, #tpu.memory_space<vmem>>, vector<1x1000x128xf32>
    %get3A_17 = vector.shape_cast %get3A_16 : vector<1x1000x128xf32> to vector<1000x128xf32>
    %add3A_18 = arith.addf %get3A_12, %get3A_17 : vector<1000x128xf32>
    %get3A_19 = arith.constant 0 : index
    %get3A_20 = arith.constant 0 : index
    %get3A_21 = vector.load %arg2[%get3A_19, %get3A_20] : memref<1000x128xf32, #tpu.memory_space<vmem>>, vector<1000x128xf32>
    %add3A_22 = arith.addf %add3A_18, %get3A_21 : vector<1000x128xf32>
    %broadcast_in_dim3A = vector.shape_cast %rsqrt3A : vector<1000xf32> to vector<1000x1xf32>
    %mul3A = vector.broadcast %broadcast_in_dim3A : vector<1000x1xf32> to vector<1000x128xf32>
    %mul3A_23 = arith.mulf %mul3A, %add3A_22 : vector<1000x128xf32>
    %get3A_24 = arith.constant 0 : index
    %get3A_25 = arith.constant 0 : index
    %get3A_26 = vector.load %arg4[%get3A_24, %get3A_25] : memref<1x128xf32, #tpu.memory_space<vmem>>, vector<1x128xf32>
    %add3A_27 = vector.broadcast %get3A_26 : vector<1x128xf32> to vector<1000x128xf32>
    %add3A_28 = arith.addf %mul3A_23, %add3A_27 : vector<1000x128xf32>
    %get3A_29 = arith.constant 0 : index
    %get3A_30 = arith.constant 0 : index
    %get3A_31 = vector.load %arg5[%get3A_29, %get3A_30] : memref<128x128xf32, #tpu.memory_space<vmem>>, vector<128x128xf32>
    %dot_general3A = arith.constant dense<0.000000e+00> : vector<1000x128xf32>
    %dot_general3A_32 = tpu.matmul %add3A_28, %get3A_31, %dot_general3A {dimension_numbers = #tpu.dot_dimension_numbers<[1], [0], [0], [1], [0, 0, 1, 1], [], []>, transpose_lhs_hint = false} : vector<1000x128xf32>, vector<128x128xf32>, vector<1000x128xf32> -> vector<1000x128xf32>
    %get3A_33 = arith.constant 0 : index
    %get3A_34 = arith.constant 0 : index
    %get3A_35 = vector.load %arg6[%get3A_33, %get3A_34] : memref<1x128xf32, #tpu.memory_space<vmem>>, vector<1x128xf32>
    %add3A_36 = vector.broadcast %get3A_35 : vector<1x128xf32> to vector<1000x128xf32>
    %add3A_37 = arith.addf %dot_general3A_32, %add3A_36 : vector<1000x128xf32>
    %swap3A = arith.constant 0 : index
    %swap3A_38 = arith.constant 0 : index
    %swap3A_39 = vector.load %arg7[%swap3A, %swap3A_38] : memref<1000x128xf32, #tpu.memory_space<vmem>>, vector<1000x128xf32>
    tpu.vector_store %arg7[%swap3A, %swap3A_38], %add3A_37 {strides = array<i32>} : memref<1000x128xf32, #tpu.memory_space<vmem>>, vector<1000x128xf32>,
    return
  }
  func.func @transform_0(%arg0: i32) -> (i32, i32, i32) {
    %c0_i32 = arith.constant 0 : i32
    %c0_i32_0 = arith.constant 0 : i32
    %c0_i32_1 = arith.constant 0 : i32
    return %c0_i32, %arg0, %c0_i32_0 : i32, i32, i32
  }
  func.func @transform_1(%arg0: i32) -> (i32, i32) {
    %c0_i32 = arith.constant 0 : i32
    %c0_i32_0 = arith.constant 0 : i32
    return %arg0, %c0_i32 : i32, i32
  }
  func.func @transform_2(%arg0: i32) -> (i32, i32, i32) {
    %c0_i32 = arith.constant 0 : i32
    %c0_i32_0 = arith.constant 0 : i32
    %c0_i32_1 = arith.constant 0 : i32
    return %c0_i32, %arg0, %c0_i32_0 : i32, i32, i32
  }
  func.func @transform_3(%arg0: i32) -> (i32, i32) {
    %c0_i32 = arith.constant 0 : i32
    %c0_i32_0 = arith.constant 0 : i32
    %c0_i32_1 = arith.constant 0 : i32
    return %c0_i32, %c0_i32_0 : i32, i32
  }
  func.func @transform_4(%arg0: i32) -> (i32, i32) {
    %c0_i32 = arith.constant 0 : i32
    %c0_i32_0 = arith.constant 0 : i32
    %c0_i32_1 = arith.constant 0 : i32
    return %c0_i32, %c0_i32_0 : i32, i32
  }
  func.func @transform_5(%arg0: i32) -> (i32, i32) {
    %c0_i32 = arith.constant 0 : i32
    %c0_i32_0 = arith.constant 0 : i32
    %c0_i32_1 = arith.constant 0 : i32
    return %c0_i32, %c0_i32_0 : i32, i32
  }
  func.func @transform_6(%arg0: i32) -> (i32, i32) {
    %c0_i32 = arith.constant 0 : i32
    %c0_i32_0 = arith.constant 0 : i32
    return %arg0, %c0_i32 : i32, i32
  }
}

</mosaic_0001>

<sc_bundles>
// kernel: _run.11.cloned.1.call-start
scs
__scs_entry_jumppad:
0x0: {  	(pc) =	sbr.rel $0x88, $3  }
0x1: {  	(tag) =	ssettag $0x0;
	lr =	simm.s32 $0x1  }
0x2: {  	[smem:$0x3F99] =	sst lr;
	_ =	strace $0xD0000000  }
0x3: {  	_ = 	snop  }
0x4: {  	_ = 	snop  }
0x5: {  	_ = 	snop  }
0x6: {  	_ = 	snop  }
0x7: {  	_ = 	snop  }
__scs_overlays_trampoline_lowered:
0x8: {  	[smem:$0x3FA8] =	sst s0  }
0x9: {  	[smem:$0x3FA9] =	sst s1  }
0xa: {  	[smem:$0x3FAA] =	sst s2  }
0xb: {  	[smem:$0x3FAB] =	sst s3  }
0xc: {  	[smem:$0x3FAC] =	sst s4  }
0xd: {  	[smem:$0x3FAD] =	sst s5  }
0xe: {  	[smem:$0x3FAE] =	sst s6  }
0xf: {  	[smem:$0x3FAF] =	sst s7  }
0x10: {  	[smem:$0x3FB0] =	sst s8  }
0x11: {  	[smem:$0x3FB1] =	sst s9;
	s0 =	simm.s32 @!p0 $0x0  }
0x12: {  	s1 =	sld [smem:$0x3F97];
	s0 =	simm.s32 @p0 $0x1  }
0x13: {  	[smem:$0x3FB2] =	sst s0;
	s0 =	simm.s32 @!p1 $0x0  }
0x14: {  	s2 =	sld [smem:$0x3F96];
	s0 =	simm.s32 @p1 $0x1  }
0x15: {  	[smem:$0x3FB3] =	sst s0;
	s0 =	simm.s32 @!p2 $0x0  }
0x16: {  	s3 =	sld [smem:$0x3FDB];
	s0 =	simm.s32 @p2 $0x1  }
0x17: {  	s4 =	simm.s32 $0x1BF5;
	[smem:$0x3FB5] =	sst s0  }
0x18: {  	s0 =	sld [smem:$0x3F98];
	_ =	swait.ge [sflag:s4], $0x0  }
0x19: {  	s7 =	sld [smem:$0x3F99]  }
0x1a: {  	s8 =	sadd.s32 $0xFFFFE003, lr  }
0x1b: {  	s9 =	sadd.s32 $0xFFFFFEF7, lr;
	s5 =	simm.s32 $0xFFFFFFFF;
	p2 =	slt.u32 s8, $0xFFFFF086  }
0x1c: {  	p1 =	slt.u32 s9, $0xF7A;
	s5 =	simm.s32 @!p2 $0x0  }
0x1d: {  	s5 =	simm.s32 @p1 $0x1;
	p0 =	seq.s32 s7, s2  }
0x1e: {  	s7 =	smul.u32 @!p0 $0xF7A, s2;
	p2 =	seq.s32 @!p0 s5, $0x0  }
0x1f: {  	s9 =	smul.u32 $0xF7A, s1;
	s8 =	simm.s32 @!p0 $0x1BF5;
	p2 =	por !p2, p0  }
0x20: {  	[sflag:s8] =	ssyncset.s32 @!p0 $0xFFFFF086;
	s6 =	sadd.s32 @!p0 s3, s7;
	s7 =	simm.s32 @!p0 $0x108  }
0x21: {  	s3 =	sadd.s32 s3, s9;
	s6 =	sadd.s32 @!p0 $0x88, s6;
	s7 =	simm.s32 @p2 $0x1082  }
0x22: {  	[simem:s7], [sflag:s8] =	dma.local @!p0 [hbm:s6], $0xF7A  }
0x23: {  	s9 =	sor.u32 $0xD0000000, s2;
	s6 =	simm.s32 $0x108;
	_ =	swait.ge @!p0 [sflag:s8], $0x0  }
0x24: {  	s3 =	sadd.s32 $0x88, s3;
	s6 =	simm.s32 @!p1 $0x1082;
	[sflag:s4] =	ssyncset.s32 $0xFFFFF086  }
0x25: {  	[simem:s6], [sflag:s4] =	dma.local [hbm:s3], $0xF7A  }
0x26: {  	[smem:$0x3F99] =	sst s1;
	(tag) =	ssettag s2;
	_ =	strace s9  }
0x27: {  	s1 =	sld [smem:$0x3FA9]  }
0x28: {  	s2 =	sld [smem:$0x3FAA]  }
0x29: {  	s4 =	sld [smem:$0x3FAC]  }
0x2a: {  	p0 =	seq.s32 s5, $0x0;
	s5 =	sld [smem:$0x3FAD]  }
0x2b: {  	s6 =	sld [smem:$0x3FAE]  }
0x2c: {  	s7 =	sld [smem:$0x3FAF]  }
0x2d: {  	s3 =	simm.s32 $0x108;
	s8 =	sld [smem:$0x3FB0]  }
0x2e: {  	s3 =	simm.s32 @!p0 $0x1082;
	s9 =	sld [smem:$0x3FB1]  }
0x2f: {  	lr =	sadd.s32 s0, s3;
	s0 =	sld [smem:$0x3FA8]  }
0x30: {  	s3 =	sld [smem:$0x3FAB]  }
0x31: {  	[smem:$0x3FB4] =	sst s10  }
0x32: {  	s10 =	sld [smem:$0x3FB2];
	_ =	sdelay $0x3  }
0x33: {  	p0 =	seq.s32 s10, $0x1;
	s10 =	sld [smem:$0x3FB4];
	_ =	sdelay $0x3  }
0x34: {  	[smem:$0x3FB4] =	sst s10  }
0x35: {  	s10 =	sld [smem:$0x3FB3];
	_ =	sdelay $0x3  }
0x36: {  	p1 =	seq.s32 s10, $0x1;
	s10 =	sld [smem:$0x3FB4];
	_ =	sdelay $0x3  }
0x37: {  	[smem:$0x3FB4] =	sst s10  }
0x38: {  	s10 =	sld [smem:$0x3FB5]  }
0x39: {  	_ = 	snop;
	(pc) =	sbr.ind lr, $3  }
0x3a: {  	_ = 	snop  }
0x3b: {  	_ = 	snop  }
0x3c: {  	p2 =	seq.s32 s10, $0x1;
	s10 =	sld [smem:$0x3FB4]  }
0x3d: {  	_ =	shalt  }
0x3e: {  	_ =	shalt  }
0x3f: {  	_ =	shalt  }
0x40: {  	_ =	shalt  }
0x41: {  	_ =	shalt  }
0x42: {  	_ =	shalt  }
0x43: {  	_ =	shalt  }
0x44: {  	_ =	shalt  }
0x45: {  	_ =	shalt  }
0x46: {  	_ =	shalt  }
0x47: {  	_ =	shalt  }
0x48: {  	_ =	shalt  }
0x49: {  	_ =	shalt  }
0x4a: {  	_ =	shalt  }
0x4b: {  	_ =	shalt  }
0x4c: {  	_ =	shalt  }
0x4d: {  	_ =	shalt  }
0x4e: {  	_ =	shalt  }
0x4f: {  	_ =	shalt  }
0x50: {  	_ =	shalt  }
0x51: {  	_ =	shalt  }
0x52: {  	_ =	shalt  }
0x53: {  	_ =	shalt  }
0x54: {  	_ =	shalt  }
0x55: {  	_ =	shalt  }
0x56: {  	_ =	shalt  }
0x57: {  	_ =	shalt  }
0x58: {  	_ =	shalt  }
0x59: {  	_ =	shalt  }
0x5a: {  	_ =	shalt  }
0x5b: {  	_ =	shalt  }
0x5c: {  	_ =	shalt  }
0x5d: {  	_ =	shalt  }
0x5e: {  	_ =	shalt  }
0x5f: {  	_ =	shalt  }
0x60: {  	_ =	shalt  }
0x61: {  	_ =	shalt  }
0x62: {  	_ =	shalt  }
0x63: {  	_ =	shalt  }
0x64: {  	_ =	shalt  }
0x65: {  	_ =	shalt  }
0x66: {  	_ =	shalt  }
0x67: {  	_ =	shalt  }
0x68: {  	_ =	shalt  }
0x69: {  	_ =	shalt  }
0x6a: {  	_ =	shalt  }
0x6b: {  	_ =	shalt  }
0x6c: {  	_ =	shalt  }
0x6d: {  	_ =	shalt  }
0x6e: {  	_ =	shalt  }
0x6f: {  	_ =	shalt  }
0x70: {  	_ =	shalt  }
0x71: {  	_ =	shalt  }
0x72: {  	_ =	shalt  }
0x73: {  	_ =	shalt  }
0x74: {  	_ =	shalt  }
0x75: {  	_ =	shalt  }
0x76: {  	_ =	shalt  }
0x77: {  	_ =	shalt  }
0x78: {  	_ =	shalt  }
0x79: {  	_ =	shalt  }
0x7a: {  	_ =	shalt  }
0x7b: {  	_ =	shalt  }
0x7c: {  	_ =	shalt  }
0x7d: {  	_ =	shalt  }
0x7e: {  	_ =	shalt  }
0x7f: {  	_ =	shalt  }
0x80: {  	_ =	shalt  }
0x81: {  	_ =	shalt  }
0x82: {  	_ =	shalt  }
0x83: {  	_ =	shalt  }
0x84: {  	_ =	shalt  }
0x85: {  	_ =	shalt  }
0x86: {  	_ =	shalt  }
0x87: {  	_ =	shalt  }
.Lfunc_end0:
.L_simem_size_0:
called_computation.1_lowered:
.L_overlay_start_0:
0x88: {  	s2 =	sld [smem:$0x3FD9]  }
0x89: {  	s3 =	sld [smem:$0x3FFE];
	_ =	sdelay $0x1  }
0x8a: {  	s1 =	srdreg.scid  }
0x8b: {  	s0 =	sand.u32 $0x1, s1  }
0x8c: {  	s16 =	sshll.u32 s0, $0xA;
	s2 =	sadd.s32 s3, s2  }
0x8d: {  	s2 =	sadd.s32 s2, s16  }
0x8e: {  	[smem:$0x3FC0] =	sst s2  }
0x8f: {  	_ = 	snop  }
0x90: {  	(tm) =	ssettm $0x1  }
0x91: {  	s17 =	sld [smem:$0x3FFB];
	_ =	sdelay $0x3  }
0x92: {  	_ =	strace s17  }
0x93: {  	s2 =	sld [smem:$0x3FFC];
	_ =	sdelay $0x3  }
0x94: {  	_ =	strace s2  }
0x95: {  	s2 =	sld [smem:$0x3FFD];
	_ =	sdelay $0x3  }
0x96: {  	_ =	strace s2  }
0x97: {  	_ =	strace $0x8FFFFFFF  }
0x98: {  	s18 =	sld [smem:$0x3FDB];
	_ =	sdelay $0x1  }
0x99: {  	s19 =	simm.s32 $_scs_section_size  }
0x9a: {  	s4 =	simm.s32 $_size__tile_overlayer_lowered;
	s5 =	simm.s32 $_tile_overlayer_lowered  }
0x9b: {  	s22 =	simm.s32 $0x1BFF;
	s21 =	sshll.u32 s5, $0x1;
	s2 =	sadd.s32 s19, s18  }
0x9c: {  	s6 =	simm.s32 $0x0;
	s20 =	sshll.u32 s4, $0x1;
	s4 =	sadd.s32 s21, s2  }
0x9d: {  	[timem:s6], [sflag:s22] =	dma.local [hbm:s4], s20  }
0x9e: {  	_ =	swait.ge [sflag:s22], s20  }
0x9f: {  	s3 =	ssub.s32 $0x0, s20;
	[sflag:s22] =	ssyncset.done $0x0  }
0xa0: {  	[sflag:s22] =	ssyncadd.s32 s3;
	_ =	sdelay $0x1  }
0xa1: {  	s23 =	simm.s32 $0x1B8B  }
0xa2: {  	_ =	swait.ge [sflag:s23], $0x1  }
0xa3: {  	[sflag:s23] =	ssyncset.done $0x0  }
0xa4: {  	s25 =	simm.s32 $0x1B8E;
	s24 =	sld [smem:$0x3FFE];
	[sflag:s23] =	ssyncadd.s32 $0xFFFFFFFF  }
0xa5: {  	s26 =	simm.s32 $execute0_lowered;
	[smem:$0x3FD2] =	sst s25  }
0xa6: {  	s4 =	sshll.u32 s26, $0x1;
	_ =	strace $0x80000049;
	[dreg:$0x1] =	wrdreg $0xFFFFFFFF  }
0xa7: {  	s28 =	simm.s32 $_size_execute0_lowered;
	s2 =	sadd.s32 s2, s4;
	[dreg:$0x0] =	wrdreg $0x0  }
0xa8: {  	s4 =	sshll.u32 s28, $0x1;
	[dreg:$0x2] =	wrdreg s2  }
0xa9: {  	[dreg:$0x3] =	wrdreg s4  }
0xaa: {  	[dreg:$0x4] =	wrdreg $0xC0  }
0xab: {  	_ =	task [dreg:s6], $0x5FFFF  }
0xac: {  	[dreg:$0x1] =	wrdreg $0xFFFFFFFF  }
0xad: {  	[dreg:$0x0] =	wrdreg $0x60  }
0xae: {  	[dreg:$0x2] =	wrdreg s24  }
0xaf: {  	[dreg:$0x3] =	wrdreg $0x98000  }
0xb0: {  	[dreg:$0x4] =	wrdreg $0x9  }
0xb1: {  	_ =	task.clear_ibuf [dreg:s6], $0x5FFFF;
	_ =	strace $0x90000049  }
0xb2: {  	s29 =	simm.s32 $0x9;
	_ =	strace $0x8000004B  }
0xb3: {  	_ =	swait.ge [sflag:s29], $0x1  }
0xb4: {  	[sflag:s29] =	ssyncadd.s32 $0xFFFFFFFF  }
0xb5: {  	_ =	strace $0x9000004B  }
0xb6: {  	_ =	sfence  }
0xb7: {  	s30 =	sld [smem:$0x0];
	_ =	sdelay $0x2  }
0xb8: {  	s31 =	sshll.u32 s1, $0xD;
	s1 =	sshrl.u32 s1, $0x2  }
0xb9: {  	s3 =	sand.u32 $0x4000, s31;
	s1 =	sadd.s32 s1, s30  }
0xba: {  	s0 =	sor.u32 s3, s0;
	s1 =	sshll.u32 s1, $0x11  }
0xbb: {  	s0 =	sor.u32 s1, s0  }
0xbc: {  	s0 =	sadd.s32 $0x8F2B, s0  }
0xbd: {  	[sflag:s0] =	ssyncadd.remote.s32 $0x1  }
0xbe: {  	_ =	sfence.sel $0xFFFF  }
0xbf: {  	[dreg:$0x0] =	wrdreg $0xFFFFFFFF;
	(pc) =	sbr.abs _section_cstart, $3  }
0xc0: {  	[dreg:$0x1] =	wrdreg $0xFFFFFFFF  }
0xc1: {  	_ =	task.clear_ibuf [dreg:s6], $0x2FFFF;
	_ =	strace $0x9FFFFFFF  }
0xc2: {  	(tm) =	ssettm $0x7FFFFFFF  }
0xc3: {  	_ =	shalt  }
tec
execute0_lowered:
.L_overlay_start_1:
0x0: {  	(tag) =	ssettag $0x1  }
0x1: {  	s8 =	rddreg [dreg:$0x0]  }
0x2: {  	s2 =	rddreg [dreg:$0x1];
	s3 =	simm.s32 $0x0  }
0x3: {  	s0 =	stileid.u32;
	s4 =	srdreg.scid;
	s18 =	simm.s32 $0xC00  }
0x4: {  	s19 =	simm.s32 $0x400;
	s20 =	simm.s32 $0x1000;
	s21 =	simm.s32 $0x80  }
0x5: {  	s22 =	simm.s32 $0x1800;
	s23 =	simm.s32 $0x1;
	s24 =	simm.s32 $0x2  }
0x6: {  	[smem:$0x7FF] =	sst s3;
	s7 =	smul.u32 $0x13C00, s0;
	s9 =	sand.u32 $0x1, s4  }
0x7: {  	s4 =	sadd.s32 $0x64200, s8;
	s5 =	sadd.s32 $0x2000, s8;
	s6 =	sadd.s32 $0xC000, s8  }
0x8: {  	s25 =	smul.u32 $0x4F000, s0;
	s12 =	sshll.u32 s0, $0x1;
	s29 =	sshll.u32 s0, $0x6  }
0x9: {  	_ =	strace $0x8000004A;
	s11 =	smul.u32 $0x13C000, s9;
	s14 =	ssub.s32 $0x2, s9  }
0xa: {  	s26 =	sor.u32 s9, s12;
	s9 =	sor.u32 $0x1C04, s29;
	s10 =	sshrl.u32 s7, $0x3  }
0xb: {  	s28 =	sshrl.u32 s14, $0x1;
	s10 =	sadd.s32 s10, s8;
	s7 =	sadd.s32 s7, s11  }
0xc: {  	s11 =	sshrl.u32 s25, $0x2;
	s13 =	sshrl.u32 s7, $0x3;
	s7 =	smul.u32 $0x2800, s26  }
0xd: {  	s16 =	ssub.s32 s14, s28;
	s25 =	simm.s32 $0x0;
	s17 =	sadd.s32 s11, s2  }
0xe: {  	s15 =	sadd.s32 s13, s8;
	s8 =	sadd.s32 $0x8B400, s10;
	s30 =	sshrl.u32 s7, $0x3  }
0xf: {  	s14 =	sadd.s32 $0xB2C00, s15;
	s15 =	smax.u32 s16, $0x1;
	s16 =	sshrl.u32 s17, $0x3  }
0x10: {  	s17 =	simm.s32 $0x4;
	s10 =	sadd.s32 s5, s30;
	s31 =	sor.u32 $0x80, s30  }
0x11: {  	s11 =	sadd.s32 s6, s30;
	s12 =	sadd.s32 s5, s31;
	s13 =	sadd.s32 s6, s31  }
.LBB2_1:
0x12: {  	[spmem:s16], [sflag:s9] =	dma.local [hbm:s8], $0x2780  }
0x13: {  	_ =	swait.ge [sflag:s17], $0x2780  }
0x14: {  	[sflag:s17] =	ssyncset.done $0x0  }
0x15: {  	[sflag:s17] =	ssyncadd.s32 $0xFFFFD880  }
0x16: {  	[tilespmem:s3], [sflag:$0x4] =	stream.linear.gather [hbm4b:s10+s3], $0x400, $0x38;
	[tilespmem:$0x1D400] =	vst v63  }
0x17: {  	_ =	swait.ge [sflag:s17], $0x400  }
0x18: {  	[sflag:s17] =	ssyncset.done $0x0  }
0x19: {  	[sflag:s17] =	ssyncadd.s32 $0xFFFFFC00  }
0x1a: {  	[tilespmem:s18], [sflag:$0x4] =	stream.linear.gather [hbm4b:s11+s3], $0x400, $0x38;
	[tilespmem:$0x1D400] =	vst v63  }
0x1b: {  	_ =	swait.ge [sflag:s17], $0x400  }
0x1c: {  	[sflag:s17] =	ssyncset.done $0x0  }
0x1d: {  	[sflag:s17] =	ssyncadd.s32 $0xFFFFFC00  }
0x1e: {  	[tilespmem:s19], [sflag:$0x3] =	stream.linear.gather [hbm4b:s12+s3], $0x400, $0x38;
	[tilespmem:$0x1D400] =	vst v63  }
0x1f: {  	_ = 	snop  }
0x20: {  	[tilespmem:s20], [sflag:$0x3] =	stream.linear.gather [hbm4b:s13+s3], $0x400, $0x38;
	[tilespmem:$0x1D400] =	vst v63  }
0x21: {  	s26 =	simm.s32 $0x0;
	s28 =	simm.s32 $0x0;
	[bflag:$0x0] =	sbarrier.arrive $0xFFFF  }
0x22: {  	[tilespmem:s22], [sflag:$0x1] =	stream.indirect.gather [hbm4b:s4+s21], $0x80, s3, s21, $0xb8;
	[tilespmem:$0x1D400] =	vst v63  }
.LBB2_2:
0x23: {  	s29 =	sshrl.u32 s28, $0x3  }
0x24: {  	s30 =	smul.u32 $0xAB, s29;
	_ =	sdelay $0x1  }
0x25: {  	s30 =	sshrl.u32 s30, $0x9  }
0x26: {  	s30 =	sand.u32 $0x7F, s30  }
0x27: {  	s30 =	smul.u32 $0x3, s30  }
0x28: {  	_ =	swait.ge [sflag:s23], $0x4000  }
0x29: {  	s0 =	sand.u32 $0xE00, s26;
	p1 =	seq.s32 s26, $0x0;
	s30 =	ssub.s32 s29, s30  }
0x2a: {  	[sflag:s23] =	ssyncset.done $0x0;
	s0 =	sshrl.u32 s0, $0x2;
	s30 =	sand.u32 $0xFF, s30  }
0x2b: {  	s1 =	simm.s32 @!p1 $0x2;
	[sflag:s23] =	ssyncadd.s32 $0xFFFFC000;
	s30 =	sshll.u32 s30, $0xA  }
0x2c: {  	_ =	swait.ge @!p1 [sflag:s1], $0x4000;
	s0 =	sor.u32 s0, s30;
	s30 =	sand.u32 $0x47, s28  }
0x2d: {  	s31 =	sand.u32 $0x1, s28;
	[sflag:s1] =	ssyncset.done @!p1 $0x0;
	p0 =	sne.s32 s30, $0x7  }
0x2e: {  	[sflag:s1] =	ssyncadd.s32 @!p1 $0xFFFFC000;
	s30 =	sshll.u32 s31, $0xE;
	s29 =	sadd.s32 @!p0 $0x2, s29  }
0x2f: {  	s0 =	sadd.s32 $0xC00, s0;
	s30 =	sor.u32 $0x1800, s30;
	s1 =	smul.u32 @!p0 $0xAB, s29  }
0x30: {  	[spmem:s2] =	stream.indirect.scatter.add.f32 [tilespmem:s30], [sflag:$0x2], $0x80, s0, s21, $0xb8;
	[tilespmem:$0x1D400] =	vst v63  }
0x31: {  	s0 =	sshrl.u32 @!p0 s1, $0x9  }
0x32: {  	s0 =	sand.u32 @!p0 $0x7F, s0  }
0x33: {  	s0 =	smul.u32 @!p0 $0x3, s0  }
0x34: {  	s1 =	sshll.u32 @!p0 s29, $0xA  }
0x35: {  	s1 =	sadd.s32 @!p0 s7, s1;
	s0 =	ssub.s32 @!p0 s29, s0  }
0x36: {  	s1 =	sshrl.u32 @!p0 s1, $0x3;
	s0 =	sand.u32 @!p0 $0xFF, s0  }
0x37: {  	s30 =	simm.s32 @!p0 $0x0;
	s29 =	sadd.s32 @!p0 s5, s1;
	s0 =	sshll.u32 @!p0 s0, $0xA  }
0x38: {  	[tilespmem:s0], [sflag:$0x3] =	stream.linear.gather @!p0 [hbm4b:s29+s30], $0x400, $0x38;
	[tilespmem:$0x1D400] =	vst v63  }
0x39: {  	s1 =	sadd.s32 @!p0 s6, s1;
	s0 =	sadd.s32 @!p0 $0xC00, s0  }
0x3a: {  	[tilespmem:s0], [sflag:$0x3] =	stream.linear.gather @!p0 [hbm4b:s1+s30], $0x400, $0x38;
	[tilespmem:$0x1D400] =	vst v63  }
0x3b: {  	s0 =	sadd.s32 $0x1, s28;
	p0 =	seq.s32 s28, $0x4F  }
0x3c: {  	s1 =	sand.u32 @!p0 $0x7, s0  }
0x3d: {  	p1 =	sne.s32 @!p0 s1, $0x0  }
0x3e: {  	p1 =	por p1, p0  }
0x3f: {  	s30 =	simm.s32 @!p1 $0x3  }
0x40: {  	s0 =	sshrl.u32 @!p0 s0, $0x3;
	_ =	swait.ge @!p1 [sflag:s30], $0x400  }
0x41: {  	s29 =	smul.u32 @!p0 $0xAB, s0;
	[sflag:s30] =	ssyncset.done @!p1 $0x0  }
0x42: {  	[sflag:s30] =	ssyncadd.s32 @!p1 $0xFFFFFC00  }
0x43: {  	s29 =	sshrl.u32 @!p0 s29, $0x9;
	_ =	swait.ge @!p1 [sflag:s30], $0x400  }
0x44: {  	s26 =	sadd.s32 @!p0 $0x200, s26;
	s29 =	sand.u32 @!p0 $0x7F, s29;
	[sflag:s30] =	ssyncset.done @!p1 $0x0  }
0x45: {  	s29 =	smul.u32 @!p0 $0x3, s29;
	[sflag:s30] =	ssyncadd.s32 @!p1 $0xFFFFFC00;
	p1 =	sne.s32 @!p0 s26, $0xA000  }
0x46: {  	p1 =	por p0, !p1  }
.Ltmp0:
0x47: {  	s0 =	ssub.s32 @!p0 s0, s29;
	(pc) =	sbr.rel @!p1 .LBB2_2-.Ltmp0, $4  }
0x48: {  	s28 =	sadd.s32 @!p0 $0x1, s28;
	s29 =	sshll.u32 @!p0 s31, $0xE;
	s0 =	sand.u32 @!p0 $0xFF, s0  }
0x49: {  	s1 =	sshll.u32 @!p0 s1, $0x7;
	s29 =	sxor.u32 @!p0 $0x4000, s29;
	s0 =	sshll.u32 @!p0 s0, $0xA  }
0x4a: {  	s29 =	sor.u32 @!p0 $0x1800, s29;
	s0 =	sor.u32 @!p0 s1, s0;
	s1 =	simm.s32 @!p0 $0x80  }
0x4b: {  	[tilespmem:s29], [sflag:$0x1] =	stream.indirect.gather @!p0 [hbm4b:s4+s1], $0x80, s0, s1, $0xb8;
	[tilespmem:$0x1D400] =	vst v63  }
0x4c: {  	_ =	swait.ge [sflag:s24], $0x4000  }
0x4d: {  	s25 =	sadd.s32 $0x1, s25;
	[sflag:s24] =	ssyncset.done $0x0  }
0x4e: {  	p0 =	sne.s32 s25, s15;
	[sflag:s24] =	ssyncadd.s32 $0xFFFFC000  }
.Ltmp1:
0x4f: {  	[bflag:$0x0] =	sbarrier.arrive $0xFFFF;
	(pc) =	sbr.rel @p0 .LBB2_1-.Ltmp1, $4  }
0x50: {  	[hbm:s14], [sflag:s9] =	dma.local [spmem:s16], $0x2780  }
0x51: {  	_ =	swait.ge [sflag:s17], $0x2780  }
0x52: {  	[sflag:s17] =	ssyncset.done $0x0  }
0x53: {  	[sflag:s17] =	ssyncadd.s32 $0xFFFFD880  }
0x54: {  	_ =	sfence.sel $0x180000  }
0x55: {  	[bflag:$0x0] =	sbarrier.arrive $0xFFFF  }
0x56: {  	_ =	strace $0x9000004A  }
0x57: {  	s0 =	stileid.u32;
	[bflag:$0x2] =	sbarrier.arrive $0xFFFF  }
0x58: {  	p0 =	sne.s32 s0, $0x0;
	s0 =	rddreg [dreg:$0x2]  }
0x59: {  	s0 =	sadd.s32 @!p0 $0x100000, s0  }
0x5a: {  	[sflag:s0] =	ssyncadd.tile.s32 @!p0 $0x1;
	_ =	shalt  }
.Lfunc_end2:
_tile_overlayer_lowered:
.L_overlay_start_2:
0x5b: {  	(tag) =	ssettag $0x2  }
0x5c: {  	s0 =	rddreg [dreg:$0x0];
	s2 =	stileid.u32  }
0x5d: {  	s1 =	rddreg [dreg:$0x1];
	p0 =	sne.s32 s2, $0x0  }
0x5e: {  	s3 =	rddreg [dreg:$0x2];
	[bflag:$0x3] =	sbarrier.arrive $0xFFFF;
	s2 =	simm.s32 @!p0 $0x1C04  }
0x5f: {  	[timem:s3], [sflag:s2] =	dma.local @!p0 [hbm:s0], s1  }
0x60: {  	s0 =	simm.s32 @!p0 $0x4  }
0x61: {  	_ =	swait.ge @!p0 [sflag:s0], s1  }
0x62: {  	s1 =	ssub.s32 @!p0 $0x0, s1;
	[sflag:s0] =	ssyncset.done @!p0 $0x0  }
0x63: {  	[sflag:s0] =	ssyncadd.s32 @!p0 s1  }
0x64: {  	[bflag:$0x3] =	sbarrier.arrive $0xFFFF  }
0x65: {  	_ =	shalt  }

// kernel: _run.14.cloned.1.call-start
scs
__scs_entry_jumppad:
0x0: {  	(pc) =	sbr.rel $0x88, $3  }
0x1: {  	(tag) =	ssettag $0x0;
	lr =	simm.s32 $0x1  }
0x2: {  	[smem:$0x3F99] =	sst lr;
	_ =	strace $0xD0000000  }
0x3: {  	_ = 	snop  }
0x4: {  	_ = 	snop  }
0x5: {  	_ = 	snop  }
0x6: {  	_ = 	snop  }
0x7: {  	_ = 	snop  }
__scs_overlays_trampoline_lowered:
0x8: {  	[smem:$0x3FA8] =	sst s0  }
0x9: {  	[smem:$0x3FA9] =	sst s1  }
0xa: {  	[smem:$0x3FAA] =	sst s2  }
0xb: {  	[smem:$0x3FAB] =	sst s3  }
0xc: {  	[smem:$0x3FAC] =	sst s4  }
0xd: {  	[smem:$0x3FAD] =	sst s5  }
0xe: {  	[smem:$0x3FAE] =	sst s6  }
0xf: {  	[smem:$0x3FAF] =	sst s7  }
0x10: {  	[smem:$0x3FB0] =	sst s8  }
0x11: {  	[smem:$0x3FB1] =	sst s9;
	s0 =	simm.s32 @!p0 $0x0  }
0x12: {  	s1 =	sld [smem:$0x3F97];
	s0 =	simm.s32 @p0 $0x1  }
0x13: {  	[smem:$0x3FB2] =	sst s0;
	s0 =	simm.s32 @!p1 $0x0  }
0x14: {  	s2 =	sld [smem:$0x3F96];
	s0 =	simm.s32 @p1 $0x1  }
0x15: {  	[smem:$0x3FB3] =	sst s0;
	s0 =	simm.s32 @!p2 $0x0  }
0x16: {  	s3 =	sld [smem:$0x3FDB];
	s0 =	simm.s32 @p2 $0x1  }
0x17: {  	s4 =	simm.s32 $0x1BF5;
	[smem:$0x3FB5] =	sst s0  }
0x18: {  	s0 =	sld [smem:$0x3F98];
	_ =	swait.ge [sflag:s4], $0x0  }
0x19: {  	s7 =	sld [smem:$0x3F99]  }
0x1a: {  	s8 =	sadd.s32 $0xFFFFE003, lr  }
0x1b: {  	s9 =	sadd.s32 $0xFFFFFEF7, lr;
	s5 =	simm.s32 $0xFFFFFFFF;
	p2 =	slt.u32 s8, $0xFFFFF086  }
0x1c: {  	p1 =	slt.u32 s9, $0xF7A;
	s5 =	simm.s32 @!p2 $0x0  }
0x1d: {  	s5 =	simm.s32 @p1 $0x1;
	p0 =	seq.s32 s7, s2  }
0x1e: {  	s7 =	smul.u32 @!p0 $0xF7A, s2;
	p2 =	seq.s32 @!p0 s5, $0x0  }
0x1f: {  	s9 =	smul.u32 $0xF7A, s1;
	s8 =	simm.s32 @!p0 $0x1BF5;
	p2 =	por !p2, p0  }
0x20: {  	[sflag:s8] =	ssyncset.s32 @!p0 $0xFFFFF086;
	s6 =	sadd.s32 @!p0 s3, s7;
	s7 =	simm.s32 @!p0 $0x108  }
0x21: {  	s3 =	sadd.s32 s3, s9;
	s6 =	sadd.s32 @!p0 $0x88, s6;
	s7 =	simm.s32 @p2 $0x1082  }
0x22: {  	[simem:s7], [sflag:s8] =	dma.local @!p0 [hbm:s6], $0xF7A  }
0x23: {  	s9 =	sor.u32 $0xD0000000, s2;
	s6 =	simm.s32 $0x108;
	_ =	swait.ge @!p0 [sflag:s8], $0x0  }
0x24: {  	s3 =	sadd.s32 $0x88, s3;
	s6 =	simm.s32 @!p1 $0x1082;
	[sflag:s4] =	ssyncset.s32 $0xFFFFF086  }
0x25: {  	[simem:s6], [sflag:s4] =	dma.local [hbm:s3], $0xF7A  }
0x26: {  	[smem:$0x3F99] =	sst s1;
	(tag) =	ssettag s2;
	_ =	strace s9  }
0x27: {  	s1 =	sld [smem:$0x3FA9]  }
0x28: {  	s2 =	sld [smem:$0x3FAA]  }
0x29: {  	s4 =	sld [smem:$0x3FAC]  }
0x2a: {  	p0 =	seq.s32 s5, $0x0;
	s5 =	sld [smem:$0x3FAD]  }
0x2b: {  	s6 =	sld [smem:$0x3FAE]  }
0x2c: {  	s7 =	sld [smem:$0x3FAF]  }
0x2d: {  	s3 =	simm.s32 $0x108;
	s8 =	sld [smem:$0x3FB0]  }
0x2e: {  	s3 =	simm.s32 @!p0 $0x1082;
	s9 =	sld [smem:$0x3FB1]  }
0x2f: {  	lr =	sadd.s32 s0, s3;
	s0 =	sld [smem:$0x3FA8]  }
0x30: {  	s3 =	sld [smem:$0x3FAB]  }
0x31: {  	[smem:$0x3FB4] =	sst s10  }
0x32: {  	s10 =	sld [smem:$0x3FB2];
	_ =	sdelay $0x3  }
0x33: {  	p0 =	seq.s32 s10, $0x1;
	s10 =	sld [smem:$0x3FB4];
	_ =	sdelay $0x3  }
0x34: {  	[smem:$0x3FB4] =	sst s10  }
0x35: {  	s10 =	sld [smem:$0x3FB3];
	_ =	sdelay $0x3  }
0x36: {  	p1 =	seq.s32 s10, $0x1;
	s10 =	sld [smem:$0x3FB4];
	_ =	sdelay $0x3  }
0x37: {  	[smem:$0x3FB4] =	sst s10  }
0x38: {  	s10 =	sld [smem:$0x3FB5]  }
0x39: {  	_ = 	snop;
	(pc) =	sbr.ind lr, $3  }
0x3a: {  	_ = 	snop  }
0x3b: {  	_ = 	snop  }
0x3c: {  	p2 =	seq.s32 s10, $0x1;
	s10 =	sld [smem:$0x3FB4]  }
0x3d: {  	_ =	shalt  }
0x3e: {  	_ =	shalt  }
0x3f: {  	_ =	shalt  }
0x40: {  	_ =	shalt  }
0x41: {  	_ =	shalt  }
0x42: {  	_ =	shalt  }
0x43: {  	_ =	shalt  }
0x44: {  	_ =	shalt  }
0x45: {  	_ =	shalt  }
0x46: {  	_ =	shalt  }
0x47: {  	_ =	shalt  }
0x48: {  	_ =	shalt  }
0x49: {  	_ =	shalt  }
0x4a: {  	_ =	shalt  }
0x4b: {  	_ =	shalt  }
0x4c: {  	_ =	shalt  }
0x4d: {  	_ =	shalt  }
0x4e: {  	_ =	shalt  }
0x4f: {  	_ =	shalt  }
0x50: {  	_ =	shalt  }
0x51: {  	_ =	shalt  }
0x52: {  	_ =	shalt  }
0x53: {  	_ =	shalt  }
0x54: {  	_ =	shalt  }
0x55: {  	_ =	shalt  }
0x56: {  	_ =	shalt  }
0x57: {  	_ =	shalt  }
0x58: {  	_ =	shalt  }
0x59: {  	_ =	shalt  }
0x5a: {  	_ =	shalt  }
0x5b: {  	_ =	shalt  }
0x5c: {  	_ =	shalt  }
0x5d: {  	_ =	shalt  }
0x5e: {  	_ =	shalt  }
0x5f: {  	_ =	shalt  }
0x60: {  	_ =	shalt  }
0x61: {  	_ =	shalt  }
0x62: {  	_ =	shalt  }
0x63: {  	_ =	shalt  }
0x64: {  	_ =	shalt  }
0x65: {  	_ =	shalt  }
0x66: {  	_ =	shalt  }
0x67: {  	_ =	shalt  }
0x68: {  	_ =	shalt  }
0x69: {  	_ =	shalt  }
0x6a: {  	_ =	shalt  }
0x6b: {  	_ =	shalt  }
0x6c: {  	_ =	shalt  }
0x6d: {  	_ =	shalt  }
0x6e: {  	_ =	shalt  }
0x6f: {  	_ =	shalt  }
0x70: {  	_ =	shalt  }
0x71: {  	_ =	shalt  }
0x72: {  	_ =	shalt  }
0x73: {  	_ =	shalt  }
0x74: {  	_ =	shalt  }
0x75: {  	_ =	shalt  }
0x76: {  	_ =	shalt  }
0x77: {  	_ =	shalt  }
0x78: {  	_ =	shalt  }
0x79: {  	_ =	shalt  }
0x7a: {  	_ =	shalt  }
0x7b: {  	_ =	shalt  }
0x7c: {  	_ =	shalt  }
0x7d: {  	_ =	shalt  }
0x7e: {  	_ =	shalt  }
0x7f: {  	_ =	shalt  }
0x80: {  	_ =	shalt  }
0x81: {  	_ =	shalt  }
0x82: {  	_ =	shalt  }
0x83: {  	_ =	shalt  }
0x84: {  	_ =	shalt  }
0x85: {  	_ =	shalt  }
0x86: {  	_ =	shalt  }
0x87: {  	_ =	shalt  }
.Lfunc_end0:
.L_simem_size_0:
called_computation.2_lowered:
.L_overlay_start_0:
0x88: {  	s2 =	sld [smem:$0x3FD9]  }
0x89: {  	s3 =	sld [smem:$0x3FFE];
	_ =	sdelay $0x1  }
0x8a: {  	s1 =	srdreg.scid  }
0x8b: {  	s0 =	sand.u32 $0x1, s1  }
0x8c: {  	s16 =	sshll.u32 s0, $0xA;
	s2 =	sadd.s32 s3, s2  }
0x8d: {  	s2 =	sadd.s32 s2, s16  }
0x8e: {  	[smem:$0x3FC0] =	sst s2  }
0x8f: {  	_ = 	snop  }
0x90: {  	(tm) =	ssettm $0x1  }
0x91: {  	s17 =	sld [smem:$0x3FFB];
	_ =	sdelay $0x3  }
0x92: {  	_ =	strace s17  }
0x93: {  	s2 =	sld [smem:$0x3FFC];
	_ =	sdelay $0x3  }
0x94: {  	_ =	strace s2  }
0x95: {  	s2 =	sld [smem:$0x3FFD];
	_ =	sdelay $0x3  }
0x96: {  	_ =	strace s2  }
0x97: {  	_ =	strace $0x8FFFFFFF  }
0x98: {  	s18 =	sld [smem:$0x3FDB];
	_ =	sdelay $0x1  }
0x99: {  	s19 =	simm.s32 $_scs_section_size  }
0x9a: {  	s4 =	simm.s32 $_size__tile_overlayer_lowered;
	s5 =	simm.s32 $_tile_overlayer_lowered  }
0x9b: {  	s22 =	simm.s32 $0x1BFF;
	s21 =	sshll.u32 s5, $0x1;
	s2 =	sadd.s32 s19, s18  }
0x9c: {  	s6 =	simm.s32 $0x0;
	s20 =	sshll.u32 s4, $0x1;
	s4 =	sadd.s32 s21, s2  }
0x9d: {  	[timem:s6], [sflag:s22] =	dma.local [hbm:s4], s20  }
0x9e: {  	_ =	swait.ge [sflag:s22], s20  }
0x9f: {  	s3 =	ssub.s32 $0x0, s20;
	[sflag:s22] =	ssyncset.done $0x0  }
0xa0: {  	[sflag:s22] =	ssyncadd.s32 s3;
	_ =	sdelay $0x1  }
0xa1: {  	s23 =	simm.s32 $0x1B8B  }
0xa2: {  	_ =	swait.ge [sflag:s23], $0x1  }
0xa3: {  	[sflag:s23] =	ssyncset.done $0x0  }
0xa4: {  	s25 =	simm.s32 $0x1B8E;
	s24 =	sld [smem:$0x3FFE];
	[sflag:s23] =	ssyncadd.s32 $0xFFFFFFFF  }
0xa5: {  	s26 =	simm.s32 $execute0_lowered;
	[smem:$0x3FD2] =	sst s25  }
0xa6: {  	s4 =	sshll.u32 s26, $0x1;
	_ =	strace $0x8000004C;
	[dreg:$0x1] =	wrdreg $0xFFFFFFFF  }
0xa7: {  	s28 =	simm.s32 $_size_execute0_lowered;
	s2 =	sadd.s32 s2, s4;
	[dreg:$0x0] =	wrdreg $0x0  }
0xa8: {  	s4 =	sshll.u32 s28, $0x1;
	[dreg:$0x2] =	wrdreg s2  }
0xa9: {  	[dreg:$0x3] =	wrdreg s4  }
0xaa: {  	[dreg:$0x4] =	wrdreg $0xC0  }
0xab: {  	_ =	task [dreg:s6], $0x5FFFF  }
0xac: {  	[dreg:$0x1] =	wrdreg $0xFFFFFFFF  }
0xad: {  	[dreg:$0x0] =	wrdreg $0x60  }
0xae: {  	[dreg:$0x2] =	wrdreg s24  }
0xaf: {  	[dreg:$0x3] =	wrdreg $0x98000  }
0xb0: {  	[dreg:$0x4] =	wrdreg $0x9  }
0xb1: {  	_ =	task.clear_ibuf [dreg:s6], $0x5FFFF;
	_ =	strace $0x9000004C  }
0xb2: {  	s29 =	simm.s32 $0x9;
	_ =	strace $0x8000004E  }
0xb3: {  	_ =	swait.ge [sflag:s29], $0x1  }
0xb4: {  	[sflag:s29] =	ssyncadd.s32 $0xFFFFFFFF  }
0xb5: {  	_ =	strace $0x9000004E  }
0xb6: {  	_ =	sfence  }
0xb7: {  	s30 =	sld [smem:$0x0];
	_ =	sdelay $0x2  }
0xb8: {  	s31 =	sshll.u32 s1, $0xD;
	s1 =	sshrl.u32 s1, $0x2  }
0xb9: {  	s3 =	sand.u32 $0x4000, s31;
	s1 =	sadd.s32 s1, s30  }
0xba: {  	s0 =	sor.u32 s3, s0;
	s1 =	sshll.u32 s1, $0x11  }
0xbb: {  	s0 =	sor.u32 s1, s0  }
0xbc: {  	s0 =	sadd.s32 $0x8F2B, s0  }
0xbd: {  	[sflag:s0] =	ssyncadd.remote.s32 $0x1  }
0xbe: {  	_ =	sfence.sel $0xFFFF  }
0xbf: {  	[dreg:$0x0] =	wrdreg $0xFFFFFFFF;
	(pc) =	sbr.abs _section_cstart, $3  }
0xc0: {  	[dreg:$0x1] =	wrdreg $0xFFFFFFFF  }
0xc1: {  	_ =	task.clear_ibuf [dreg:s6], $0x2FFFF;
	_ =	strace $0x9FFFFFFF  }
0xc2: {  	(tm) =	ssettm $0x7FFFFFFF  }
0xc3: {  	_ =	shalt  }
tec
execute0_lowered:
.L_overlay_start_1:
0x0: {  	(tag) =	ssettag $0x1  }
0x1: {  	s8 =	rddreg [dreg:$0x0]  }
0x2: {  	s2 =	rddreg [dreg:$0x1];
	s3 =	simm.s32 $0x0  }
0x3: {  	s0 =	stileid.u32;
	s4 =	srdreg.scid;
	s18 =	simm.s32 $0xC00  }
0x4: {  	s19 =	simm.s32 $0x400;
	s20 =	simm.s32 $0x1000;
	s21 =	simm.s32 $0x80  }
0x5: {  	s22 =	simm.s32 $0x1800;
	s23 =	simm.s32 $0x1;
	s24 =	simm.s32 $0x2  }
0x6: {  	[smem:$0x7FF] =	sst s3;
	s7 =	smul.u32 $0x13C00, s0;
	s9 =	sand.u32 $0x1, s4  }
0x7: {  	s4 =	sadd.s32 $0x64200, s8;
	s5 =	sadd.s32 $0x2000, s8;
	s6 =	sadd.s32 $0xC000, s8  }
0x8: {  	s25 =	smul.u32 $0x4F000, s0;
	s12 =	sshll.u32 s0, $0x1;
	s29 =	sshll.u32 s0, $0x6  }
0x9: {  	_ =	strace $0x8000004D;
	s11 =	smul.u32 $0x13C000, s9;
	s14 =	ssub.s32 $0x2, s9  }
0xa: {  	s26 =	sor.u32 s9, s12;
	s9 =	sor.u32 $0x1C04, s29;
	s10 =	sshrl.u32 s7, $0x3  }
0xb: {  	s28 =	sshrl.u32 s14, $0x1;
	s10 =	sadd.s32 s10, s8;
	s7 =	sadd.s32 s7, s11  }
0xc: {  	s11 =	sshrl.u32 s25, $0x2;
	s13 =	sshrl.u32 s7, $0x3;
	s7 =	smul.u32 $0x2800, s26  }
0xd: {  	s16 =	ssub.s32 s14, s28;
	s25 =	simm.s32 $0x0;
	s17 =	sadd.s32 s11, s2  }
0xe: {  	s15 =	sadd.s32 s13, s8;
	s8 =	sadd.s32 $0x8B400, s10;
	s30 =	sshrl.u32 s7, $0x3  }
0xf: {  	s14 =	sadd.s32 $0xB2C00, s15;
	s15 =	smax.u32 s16, $0x1;
	s16 =	sshrl.u32 s17, $0x3  }
0x10: {  	s17 =	simm.s32 $0x4;
	s10 =	sadd.s32 s5, s30;
	s31 =	sor.u32 $0x80, s30  }
0x11: {  	s11 =	sadd.s32 s6, s30;
	s12 =	sadd.s32 s5, s31;
	s13 =	sadd.s32 s6, s31  }
.LBB2_1:
0x12: {  	[spmem:s16], [sflag:s9] =	dma.local [hbm:s8], $0x2780  }
0x13: {  	_ =	swait.ge [sflag:s17], $0x2780  }
0x14: {  	[sflag:s17] =	ssyncset.done $0x0  }
0x15: {  	[sflag:s17] =	ssyncadd.s32 $0xFFFFD880  }
0x16: {  	[tilespmem:s3], [sflag:$0x4] =	stream.linear.gather [hbm4b:s10+s3], $0x400, $0x38;
	[tilespmem:$0x1D400] =	vst v63  }
0x17: {  	_ =	swait.ge [sflag:s17], $0x400  }
0x18: {  	[sflag:s17] =	ssyncset.done $0x0  }
0x19: {  	[sflag:s17] =	ssyncadd.s32 $0xFFFFFC00  }
0x1a: {  	[tilespmem:s18], [sflag:$0x4] =	stream.linear.gather [hbm4b:s11+s3], $0x400, $0x38;
	[tilespmem:$0x1D400] =	vst v63  }
0x1b: {  	_ =	swait.ge [sflag:s17], $0x400  }
0x1c: {  	[sflag:s17] =	ssyncset.done $0x0  }
0x1d: {  	[sflag:s17] =	ssyncadd.s32 $0xFFFFFC00  }
0x1e: {  	[tilespmem:s19], [sflag:$0x3] =	stream.linear.gather [hbm4b:s12+s3], $0x400, $0x38;
	[tilespmem:$0x1D400] =	vst v63  }
0x1f: {  	_ = 	snop  }
0x20: {  	[tilespmem:s20], [sflag:$0x3] =	stream.linear.gather [hbm4b:s13+s3], $0x400, $0x38;
	[tilespmem:$0x1D400] =	vst v63  }
0x21: {  	s26 =	simm.s32 $0x0;
	s28 =	simm.s32 $0x0;
	[bflag:$0x0] =	sbarrier.arrive $0xFFFF  }
0x22: {  	[tilespmem:s22], [sflag:$0x1] =	stream.indirect.gather [hbm4b:s4+s21], $0x80, s3, s21, $0xb8;
	[tilespmem:$0x1D400] =	vst v63  }
.LBB2_2:
0x23: {  	s29 =	sshrl.u32 s28, $0x3  }
0x24: {  	s30 =	smul.u32 $0xAB, s29;
	_ =	sdelay $0x1  }
0x25: {  	s30 =	sshrl.u32 s30, $0x9  }
0x26: {  	s30 =	sand.u32 $0x7F, s30  }
0x27: {  	s30 =	smul.u32 $0x3, s30  }
0x28: {  	_ =	swait.ge [sflag:s23], $0x4000  }
0x29: {  	s0 =	sand.u32 $0xE00, s26;
	p1 =	seq.s32 s26, $0x0;
	s30 =	ssub.s32 s29, s30  }
0x2a: {  	[sflag:s23] =	ssyncset.done $0x0;
	s0 =	sshrl.u32 s0, $0x2;
	s30 =	sand.u32 $0xFF, s30  }
0x2b: {  	s1 =	simm.s32 @!p1 $0x2;
	[sflag:s23] =	ssyncadd.s32 $0xFFFFC000;
	s30 =	sshll.u32 s30, $0xA  }
0x2c: {  	_ =	swait.ge @!p1 [sflag:s1], $0x4000;
	s0 =	sor.u32 s0, s30;
	s30 =	sand.u32 $0x47, s28  }
0x2d: {  	s31 =	sand.u32 $0x1, s28;
	[sflag:s1] =	ssyncset.done @!p1 $0x0;
	p0 =	sne.s32 s30, $0x7  }
0x2e: {  	[sflag:s1] =	ssyncadd.s32 @!p1 $0xFFFFC000;
	s30 =	sshll.u32 s31, $0xE;
	s29 =	sadd.s32 @!p0 $0x2, s29  }
0x2f: {  	s0 =	sadd.s32 $0xC00, s0;
	s30 =	sor.u32 $0x1800, s30;
	s1 =	smul.u32 @!p0 $0xAB, s29  }
0x30: {  	[spmem:s2] =	stream.indirect.scatter.add.f32 [tilespmem:s30], [sflag:$0x2], $0x80, s0, s21, $0xb8;
	[tilespmem:$0x1D400] =	vst v63  }
0x31: {  	s0 =	sshrl.u32 @!p0 s1, $0x9  }
0x32: {  	s0 =	sand.u32 @!p0 $0x7F, s0  }
0x33: {  	s0 =	smul.u32 @!p0 $0x3, s0  }
0x34: {  	s1 =	sshll.u32 @!p0 s29, $0xA  }
0x35: {  	s1 =	sadd.s32 @!p0 s7, s1;
	s0 =	ssub.s32 @!p0 s29, s0  }
0x36: {  	s1 =	sshrl.u32 @!p0 s1, $0x3;
	s0 =	sand.u32 @!p0 $0xFF, s0  }
0x37: {  	s30 =	simm.s32 @!p0 $0x0;
	s29 =	sadd.s32 @!p0 s5, s1;
	s0 =	sshll.u32 @!p0 s0, $0xA  }
0x38: {  	[tilespmem:s0], [sflag:$0x3] =	stream.linear.gather @!p0 [hbm4b:s29+s30], $0x400, $0x38;
	[tilespmem:$0x1D400] =	vst v63  }
0x39: {  	s1 =	sadd.s32 @!p0 s6, s1;
	s0 =	sadd.s32 @!p0 $0xC00, s0  }
0x3a: {  	[tilespmem:s0], [sflag:$0x3] =	stream.linear.gather @!p0 [hbm4b:s1+s30], $0x400, $0x38;
	[tilespmem:$0x1D400] =	vst v63  }
0x3b: {  	s0 =	sadd.s32 $0x1, s28;
	p0 =	seq.s32 s28, $0x4F  }
0x3c: {  	s1 =	sand.u32 @!p0 $0x7, s0  }
0x3d: {  	p1 =	sne.s32 @!p0 s1, $0x0  }
0x3e: {  	p1 =	por p1, p0  }
0x3f: {  	s30 =	simm.s32 @!p1 $0x3  }
0x40: {  	s0 =	sshrl.u32 @!p0 s0, $0x3;
	_ =	swait.ge @!p1 [sflag:s30], $0x400  }
0x41: {  	s29 =	smul.u32 @!p0 $0xAB, s0;
	[sflag:s30] =	ssyncset.done @!p1 $0x0  }
0x42: {  	[sflag:s30] =	ssyncadd.s32 @!p1 $0xFFFFFC00  }
0x43: {  	s29 =	sshrl.u32 @!p0 s29, $0x9;
	_ =	swait.ge @!p1 [sflag:s30], $0x400  }
0x44: {  	s26 =	sadd.s32 @!p0 $0x200, s26;
	s29 =	sand.u32 @!p0 $0x7F, s29;
	[sflag:s30] =	ssyncset.done @!p1 $0x0  }
0x45: {  	s29 =	smul.u32 @!p0 $0x3, s29;
	[sflag:s30] =	ssyncadd.s32 @!p1 $0xFFFFFC00;
	p1 =	sne.s32 @!p0 s26, $0xA000  }
0x46: {  	p1 =	por p0, !p1  }
.Ltmp0:
0x47: {  	s0 =	ssub.s32 @!p0 s0, s29;
	(pc) =	sbr.rel @!p1 .LBB2_2-.Ltmp0, $4  }
0x48: {  	s28 =	sadd.s32 @!p0 $0x1, s28;
	s29 =	sshll.u32 @!p0 s31, $0xE;
	s0 =	sand.u32 @!p0 $0xFF, s0  }
0x49: {  	s1 =	sshll.u32 @!p0 s1, $0x7;
	s29 =	sxor.u32 @!p0 $0x4000, s29;
	s0 =	sshll.u32 @!p0 s0, $0xA  }
0x4a: {  	s29 =	sor.u32 @!p0 $0x1800, s29;
	s0 =	sor.u32 @!p0 s1, s0;
	s1 =	simm.s32 @!p0 $0x80  }
0x4b: {  	[tilespmem:s29], [sflag:$0x1] =	stream.indirect.gather @!p0 [hbm4b:s4+s1], $0x80, s0, s1, $0xb8;
	[tilespmem:$0x1D400] =	vst v63  }
0x4c: {  	_ =	swait.ge [sflag:s24], $0x4000  }
0x4d: {  	s25 =	sadd.s32 $0x1, s25;
	[sflag:s24] =	ssyncset.done $0x0  }
0x4e: {  	p0 =	sne.s32 s25, s15;
	[sflag:s24] =	ssyncadd.s32 $0xFFFFC000  }
.Ltmp1:
0x4f: {  	[bflag:$0x0] =	sbarrier.arrive $0xFFFF;
	(pc) =	sbr.rel @p0 .LBB2_1-.Ltmp1, $4  }
0x50: {  	[hbm:s14], [sflag:s9] =	dma.local [spmem:s16], $0x2780  }
0x51: {  	_ =	swait.ge [sflag:s17], $0x2780  }
0x52: {  	[sflag:s17] =	ssyncset.done $0x0  }
0x53: {  	[sflag:s17] =	ssyncadd.s32 $0xFFFFD880  }
0x54: {  	_ =	sfence.sel $0x180000  }
0x55: {  	[bflag:$0x0] =	sbarrier.arrive $0xFFFF  }
0x56: {  	_ =	strace $0x9000004D  }
0x57: {  	s0 =	stileid.u32;
	[bflag:$0x2] =	sbarrier.arrive $0xFFFF  }
0x58: {  	p0 =	sne.s32 s0, $0x0;
	s0 =	rddreg [dreg:$0x2]  }
0x59: {  	s0 =	sadd.s32 @!p0 $0x100000, s0  }
0x5a: {  	[sflag:s0] =	ssyncadd.tile.s32 @!p0 $0x1;
	_ =	shalt  }
.Lfunc_end2:
_tile_overlayer_lowered:
.L_overlay_start_2:
0x5b: {  	(tag) =	ssettag $0x2  }
0x5c: {  	s0 =	rddreg [dreg:$0x0];
	s2 =	stileid.u32  }
0x5d: {  	s1 =	rddreg [dreg:$0x1];
	p0 =	sne.s32 s2, $0x0  }
0x5e: {  	s3 =	rddreg [dreg:$0x2];
	[bflag:$0x3] =	sbarrier.arrive $0xFFFF;
	s2 =	simm.s32 @!p0 $0x1C04  }
0x5f: {  	[timem:s3], [sflag:s2] =	dma.local @!p0 [hbm:s0], s1  }
0x60: {  	s0 =	simm.s32 @!p0 $0x4  }
0x61: {  	_ =	swait.ge @!p0 [sflag:s0], s1  }
0x62: {  	s1 =	ssub.s32 @!p0 $0x0, s1;
	[sflag:s0] =	ssyncset.done @!p0 $0x0  }
0x63: {  	[sflag:s0] =	ssyncadd.s32 @!p0 s1  }
0x64: {  	[bflag:$0x3] =	sbarrier.arrive $0xFFFF  }
0x65: {  	_ =	shalt  }

// kernel: _run.8.cloned.1.call-start
scs
__scs_entry_jumppad:
0x0: {  	(pc) =	sbr.rel $0x88, $3  }
0x1: {  	(tag) =	ssettag $0x0;
	lr =	simm.s32 $0x1  }
0x2: {  	[smem:$0x3F99] =	sst lr;
	_ =	strace $0xD0000000  }
0x3: {  	_ = 	snop  }
0x4: {  	_ = 	snop  }
0x5: {  	_ = 	snop  }
0x6: {  	_ = 	snop  }
0x7: {  	_ = 	snop  }
__scs_overlays_trampoline_lowered:
0x8: {  	[smem:$0x3FA8] =	sst s0  }
0x9: {  	[smem:$0x3FA9] =	sst s1  }
0xa: {  	[smem:$0x3FAA] =	sst s2  }
0xb: {  	[smem:$0x3FAB] =	sst s3  }
0xc: {  	[smem:$0x3FAC] =	sst s4  }
0xd: {  	[smem:$0x3FAD] =	sst s5  }
0xe: {  	[smem:$0x3FAE] =	sst s6  }
0xf: {  	[smem:$0x3FAF] =	sst s7  }
0x10: {  	[smem:$0x3FB0] =	sst s8  }
0x11: {  	[smem:$0x3FB1] =	sst s9;
	s0 =	simm.s32 @!p0 $0x0  }
0x12: {  	s1 =	sld [smem:$0x3F97];
	s0 =	simm.s32 @p0 $0x1  }
0x13: {  	[smem:$0x3FB2] =	sst s0;
	s0 =	simm.s32 @!p1 $0x0  }
0x14: {  	s2 =	sld [smem:$0x3F96];
	s0 =	simm.s32 @p1 $0x1  }
0x15: {  	[smem:$0x3FB3] =	sst s0;
	s0 =	simm.s32 @!p2 $0x0  }
0x16: {  	s3 =	sld [smem:$0x3FDB];
	s0 =	simm.s32 @p2 $0x1  }
0x17: {  	s4 =	simm.s32 $0x1BF5;
	[smem:$0x3FB5] =	sst s0  }
0x18: {  	s0 =	sld [smem:$0x3F98];
	_ =	swait.ge [sflag:s4], $0x0  }
0x19: {  	s7 =	sld [smem:$0x3F99]  }
0x1a: {  	s8 =	sadd.s32 $0xFFFFE003, lr  }
0x1b: {  	s9 =	sadd.s32 $0xFFFFFEF7, lr;
	s5 =	simm.s32 $0xFFFFFFFF;
	p2 =	slt.u32 s8, $0xFFFFF086  }
0x1c: {  	p1 =	slt.u32 s9, $0xF7A;
	s5 =	simm.s32 @!p2 $0x0  }
0x1d: {  	s5 =	simm.s32 @p1 $0x1;
	p0 =	seq.s32 s7, s2  }
0x1e: {  	s7 =	smul.u32 @!p0 $0xF7A, s2;
	p2 =	seq.s32 @!p0 s5, $0x0  }
0x1f: {  	s9 =	smul.u32 $0xF7A, s1;
	s8 =	simm.s32 @!p0 $0x1BF5;
	p2 =	por !p2, p0  }
0x20: {  	[sflag:s8] =	ssyncset.s32 @!p0 $0xFFFFF086;
	s6 =	sadd.s32 @!p0 s3, s7;
	s7 =	simm.s32 @!p0 $0x108  }
0x21: {  	s3 =	sadd.s32 s3, s9;
	s6 =	sadd.s32 @!p0 $0x88, s6;
	s7 =	simm.s32 @p2 $0x1082  }
0x22: {  	[simem:s7], [sflag:s8] =	dma.local @!p0 [hbm:s6], $0xF7A  }
0x23: {  	s9 =	sor.u32 $0xD0000000, s2;
	s6 =	simm.s32 $0x108;
	_ =	swait.ge @!p0 [sflag:s8], $0x0  }
0x24: {  	s3 =	sadd.s32 $0x88, s3;
	s6 =	simm.s32 @!p1 $0x1082;
	[sflag:s4] =	ssyncset.s32 $0xFFFFF086  }
0x25: {  	[simem:s6], [sflag:s4] =	dma.local [hbm:s3], $0xF7A  }
0x26: {  	[smem:$0x3F99] =	sst s1;
	(tag) =	ssettag s2;
	_ =	strace s9  }
0x27: {  	s1 =	sld [smem:$0x3FA9]  }
0x28: {  	s2 =	sld [smem:$0x3FAA]  }
0x29: {  	s4 =	sld [smem:$0x3FAC]  }
0x2a: {  	p0 =	seq.s32 s5, $0x0;
	s5 =	sld [smem:$0x3FAD]  }
0x2b: {  	s6 =	sld [smem:$0x3FAE]  }
0x2c: {  	s7 =	sld [smem:$0x3FAF]  }
0x2d: {  	s3 =	simm.s32 $0x108;
	s8 =	sld [smem:$0x3FB0]  }
0x2e: {  	s3 =	simm.s32 @!p0 $0x1082;
	s9 =	sld [smem:$0x3FB1]  }
0x2f: {  	lr =	sadd.s32 s0, s3;
	s0 =	sld [smem:$0x3FA8]  }
0x30: {  	s3 =	sld [smem:$0x3FAB]  }
0x31: {  	[smem:$0x3FB4] =	sst s10  }
0x32: {  	s10 =	sld [smem:$0x3FB2];
	_ =	sdelay $0x3  }
0x33: {  	p0 =	seq.s32 s10, $0x1;
	s10 =	sld [smem:$0x3FB4];
	_ =	sdelay $0x3  }
0x34: {  	[smem:$0x3FB4] =	sst s10  }
0x35: {  	s10 =	sld [smem:$0x3FB3];
	_ =	sdelay $0x3  }
0x36: {  	p1 =	seq.s32 s10, $0x1;
	s10 =	sld [smem:$0x3FB4];
	_ =	sdelay $0x3  }
0x37: {  	[smem:$0x3FB4] =	sst s10  }
0x38: {  	s10 =	sld [smem:$0x3FB5]  }
0x39: {  	_ = 	snop;
	(pc) =	sbr.ind lr, $3  }
0x3a: {  	_ = 	snop  }
0x3b: {  	_ = 	snop  }
0x3c: {  	p2 =	seq.s32 s10, $0x1;
	s10 =	sld [smem:$0x3FB4]  }
0x3d: {  	_ =	shalt  }
0x3e: {  	_ =	shalt  }
0x3f: {  	_ =	shalt  }
0x40: {  	_ =	shalt  }
0x41: {  	_ =	shalt  }
0x42: {  	_ =	shalt  }
0x43: {  	_ =	shalt  }
0x44: {  	_ =	shalt  }
0x45: {  	_ =	shalt  }
0x46: {  	_ =	shalt  }
0x47: {  	_ =	shalt  }
0x48: {  	_ =	shalt  }
0x49: {  	_ =	shalt  }
0x4a: {  	_ =	shalt  }
0x4b: {  	_ =	shalt  }
0x4c: {  	_ =	shalt  }
0x4d: {  	_ =	shalt  }
0x4e: {  	_ =	shalt  }
0x4f: {  	_ =	shalt  }
0x50: {  	_ =	shalt  }
0x51: {  	_ =	shalt  }
0x52: {  	_ =	shalt  }
0x53: {  	_ =	shalt  }
0x54: {  	_ =	shalt  }
0x55: {  	_ =	shalt  }
0x56: {  	_ =	shalt  }
0x57: {  	_ =	shalt  }
0x58: {  	_ =	shalt  }
0x59: {  	_ =	shalt  }
0x5a: {  	_ =	shalt  }
0x5b: {  	_ =	shalt  }
0x5c: {  	_ =	shalt  }
0x5d: {  	_ =	shalt  }
0x5e: {  	_ =	shalt  }
0x5f: {  	_ =	shalt  }
0x60: {  	_ =	shalt  }
0x61: {  	_ =	shalt  }
0x62: {  	_ =	shalt  }
0x63: {  	_ =	shalt  }
0x64: {  	_ =	shalt  }
0x65: {  	_ =	shalt  }
0x66: {  	_ =	shalt  }
0x67: {  	_ =	shalt  }
0x68: {  	_ =	shalt  }
0x69: {  	_ =	shalt  }
0x6a: {  	_ =	shalt  }
0x6b: {  	_ =	shalt  }
0x6c: {  	_ =	shalt  }
0x6d: {  	_ =	shalt  }
0x6e: {  	_ =	shalt  }
0x6f: {  	_ =	shalt  }
0x70: {  	_ =	shalt  }
0x71: {  	_ =	shalt  }
0x72: {  	_ =	shalt  }
0x73: {  	_ =	shalt  }
0x74: {  	_ =	shalt  }
0x75: {  	_ =	shalt  }
0x76: {  	_ =	shalt  }
0x77: {  	_ =	shalt  }
0x78: {  	_ =	shalt  }
0x79: {  	_ =	shalt  }
0x7a: {  	_ =	shalt  }
0x7b: {  	_ =	shalt  }
0x7c: {  	_ =	shalt  }
0x7d: {  	_ =	shalt  }
0x7e: {  	_ =	shalt  }
0x7f: {  	_ =	shalt  }
0x80: {  	_ =	shalt  }
0x81: {  	_ =	shalt  }
0x82: {  	_ =	shalt  }
0x83: {  	_ =	shalt  }
0x84: {  	_ =	shalt  }
0x85: {  	_ =	shalt  }
0x86: {  	_ =	shalt  }
0x87: {  	_ =	shalt  }
.Lfunc_end0:
.L_simem_size_0:
called_computation_lowered:
.L_overlay_start_0:
0x88: {  	s2 =	sld [smem:$0x3FD9]  }
0x89: {  	s3 =	sld [smem:$0x3FFE];
	_ =	sdelay $0x1  }
0x8a: {  	s1 =	srdreg.scid  }
0x8b: {  	s0 =	sand.u32 $0x1, s1  }
0x8c: {  	s17 =	sshll.u32 s0, $0xA;
	s2 =	sadd.s32 s3, s2  }
0x8d: {  	s2 =	sadd.s32 s2, s17  }
0x8e: {  	[smem:$0x3FC0] =	sst s2  }
0x8f: {  	_ = 	snop  }
0x90: {  	s2 =	sld [smem:$0x3FD0];
	(tm) =	ssettm $0x1  }
0x91: {  	s18 =	sld [smem:$0x3FFB];
	_ =	sdelay $0x3  }
0x92: {  	_ =	strace s18  }
0x93: {  	s3 =	sld [smem:$0x3FFC];
	_ =	sdelay $0x3  }
0x94: {  	_ =	strace s3  }
0x95: {  	s3 =	sld [smem:$0x3FFD];
	_ =	sdelay $0x3  }
0x96: {  	_ =	strace s3  }
0x97: {  	_ =	strace $0x8FFFFFFF  }
0x98: {  	s19 =	sld [smem:$0x3FDB];
	_ =	sdelay $0x1  }
0x99: {  	s4 =	simm.s32 $_scs_section_size  }
0x9a: {  	s5 =	simm.s32 $_size__tile_overlayer_lowered;
	s6 =	simm.s32 $_tile_overlayer_lowered  }
0x9b: {  	s22 =	simm.s32 $0x1BFF;
	s21 =	sshll.u32 s6, $0x1;
	s3 =	sadd.s32 s4, s19  }
0x9c: {  	s7 =	simm.s32 $0x0;
	s20 =	sshll.u32 s5, $0x1;
	s5 =	sadd.s32 s21, s3  }
0x9d: {  	[timem:s7], [sflag:s22] =	dma.local [hbm:s5], s20  }
0x9e: {  	_ =	swait.ge [sflag:s22], s20  }
0x9f: {  	s4 =	ssub.s32 $0x0, s20;
	[sflag:s22] =	ssyncset.done $0x0  }
0xa0: {  	[sflag:s22] =	ssyncadd.s32 s4;
	_ =	sdelay $0x1  }
0xa1: {  	s23 =	simm.s32 $0x1B8B  }
0xa2: {  	_ =	swait.ge [sflag:s23], $0x1  }
0xa3: {  	[sflag:s23] =	ssyncset.done $0x0  }
0xa4: {  	s25 =	simm.s32 $0x1B8E;
	s24 =	sld [smem:$0x3FFE];
	[sflag:s23] =	ssyncadd.s32 $0xFFFFFFFF  }
0xa5: {  	s26 =	simm.s32 $execute0_lowered;
	[smem:$0x3FD2] =	sst s25  }
0xa6: {  	s5 =	sshll.u32 s26, $0x1;
	_ =	strace $0x80000046;
	[dreg:$0x1] =	wrdreg $0xFFFFFFFF  }
0xa7: {  	s28 =	simm.s32 $_size_execute0_lowered;
	s3 =	sadd.s32 s3, s5;
	[dreg:$0x0] =	wrdreg $0x0  }
0xa8: {  	s5 =	sshll.u32 s28, $0x1;
	[dreg:$0x2] =	wrdreg s3  }
0xa9: {  	[dreg:$0x3] =	wrdreg s5  }
0xaa: {  	[dreg:$0x4] =	wrdreg $0xC0  }
0xab: {  	_ =	task [dreg:s7], $0x5FFFF  }
0xac: {  	[dreg:$0x1] =	wrdreg $0xFFFFFFFF  }
0xad: {  	[dreg:$0x0] =	wrdreg $0x60  }
0xae: {  	[dreg:$0x2] =	wrdreg s24  }
0xaf: {  	[dreg:$0x3] =	wrdreg s2  }
0xb0: {  	[dreg:$0x4] =	wrdreg $0x16C800  }
0xb1: {  	[dreg:$0x5] =	wrdreg $0x9  }
0xb2: {  	_ =	task.clear_ibuf [dreg:s7], $0x6FFFF;
	_ =	strace $0x90000046  }
0xb3: {  	s29 =	simm.s32 $0x9;
	_ =	strace $0x80000048  }
0xb4: {  	_ =	swait.ge [sflag:s29], $0x1  }
0xb5: {  	[sflag:s29] =	ssyncadd.s32 $0xFFFFFFFF  }
0xb6: {  	_ =	strace $0x90000048  }
0xb7: {  	_ =	sfence  }
0xb8: {  	s30 =	sld [smem:$0x0];
	_ =	sdelay $0x2  }
0xb9: {  	s31 =	sshll.u32 s1, $0xD;
	s1 =	sshrl.u32 s1, $0x2  }
0xba: {  	s3 =	sand.u32 $0x4000, s31;
	s1 =	sadd.s32 s1, s30  }
0xbb: {  	s0 =	sor.u32 s3, s0;
	s1 =	sshll.u32 s1, $0x11  }
0xbc: {  	s0 =	sor.u32 s1, s0  }
0xbd: {  	s0 =	sadd.s32 $0x8F2B, s0  }
0xbe: {  	[sflag:s0] =	ssyncadd.remote.s32 $0x1  }
0xbf: {  	_ =	sfence.sel $0xFFFF  }
0xc0: {  	[dreg:$0x0] =	wrdreg $0xFFFFFFFF;
	(pc) =	sbr.abs _section_cstart, $3  }
0xc1: {  	[dreg:$0x1] =	wrdreg $0xFFFFFFFF  }
0xc2: {  	_ =	task.clear_ibuf [dreg:s7], $0x2FFFF;
	_ =	strace $0x9FFFFFFF  }
0xc3: {  	(tm) =	ssettm $0x7FFFFFFF  }
tec
execute0_lowered:
.L_overlay_start_1:
0x0: {  	(tag) =	ssettag $0x1  }
0x1: {  	s5 =	rddreg [dreg:$0x0]  }
0x2: {  	s1 =	rddreg [dreg:$0x1]  }
0x3: {  	s2 =	rddreg [dreg:$0x2]  }
0x4: {  	s3 =	srdreg.scid;
	s0 =	stileid.u32;
	v0 =	vlaneseq.u32;
	v9 =	vimm.f32 $1.000000000e+00;
	s12 =	simm.s32 $0x400  }
0x5: {  	s13 =	simm.s32 $0x1;
	s14 =	simm.s32 $0x2800;
	s17 =	simm.s32 $0x6800;
	v1 =	vor.u32 $0x10, v0;
	v2 =	vor.u32 $0x20, v0;
	v4 =	vmul.u32 $0x80, v0  }
0x6: {  	s18 =	simm.s32 $0x6880;
	s19 =	simm.s32 $0x6C80;
	s20 =	simm.s32 $0x0;
	v3 =	vor.u32 $0x30, v0;
	v5 =	vor.u32 $0x40, v0;
	v6 =	vor.u32 $0x50, v0  }
0x7: {  	s6 =	sand.u32 $0x1, s3;
	s25 =	sshrl.u32 s0, $0x2;
	s4 =	sshll.u32 s0, $0x8;
	v7 =	vor.u32 $0x60, v0;
	v8 =	vor.u32 $0x70, v0;
	v10 =	vor.u32 $0x800, v4  }
0x8: {  	s3 =	rddreg [dreg:$0x3];
	s28 =	sshll.u32 s0, $0xE;
	s30 =	sshll.u32 s0, $0xA;
	v11 =	vor.u32 $0x1000, v4;
	v12 =	vor.u32 $0x1800, v4;
	v13 =	vor.u32 $0x2000, v4  }
0x9: {  	s31 =	sshll.u32 s0, $0x7;
	s15 =	sshll.u32 s0, $0x6;
	s7 =	smul.u32 $0x14000, s25;
	v14 =	vor.u32 $0x2800, v4;
	v15 =	vor.u32 $0x3000, v4;
	v16 =	vor.u32 $0x3800, v4  }
0xa: {  	s8 =	sshll.u32 s6, $0x7;
	s9 =	sand.u32 $0x300, s4;
	s4 =	simm.s32 $0x0;
	v17 =	vor.u32 $0x4000, v4;
	v18 =	vor.u32 $0x4800, v4;
	v19 =	vor.u32 $0x5000, v4  }
0xb: {  	s26 =	sshll.u32 s6, $0x12;
	s6 =	ssub.s32 $0x2, s6;
	s15 =	sor.u32 $0x1C01, s15;
	v20 =	vor.u32 $0x5800, v4;
	v21 =	vor.u32 $0x6000, v4;
	v22 =	vor.u32 $0x6800, v4  }
0xc: {  	s8 =	sor.u32 s8, s9;
	[smem:$0x7FF] =	sst s4;
	s29 =	sshrl.u32 s6, $0x1;
	v23 =	vor.u32 $0x7000, v4;
	v24 =	vor.u32 $0x7800, v4;
	v25 =	vor.u32 $0x8000, v4  }
0xd: {  	v26 =	vor.u32 $0x8800, v4;
	v27 =	vor.u32 $0x9000, v4;
	v28 =	vor.u32 $0x9800, v4;
	s7 =	sor.u32 s7, s8;
	_ =	strace $0x80000047;
	s8 =	sor.u32 s28, s26  }
0xe: {  	v29 =	vor.u32 $0xA000, v4;
	v30 =	vor.u32 $0xA800, v4;
	v31 =	vor.u32 $0xB000, v4;
	s11 =	ssub.s32 s6, s29;
	s6 =	sadd.s32 s30, s2;
	s7 =	sshrl.u32 s7, $0x3  }
0xf: {  	v32 =	vor.u32 $0xB800, v4;
	v33 =	vor.u32 $0xC000, v4;
	v34 =	vor.u32 $0xC800, v4;
	s10 =	sadd.s32 s8, s5;
	s16 =	sshrl.u32 s6, $0x3;
	s7 =	sadd.s32 s7, s5  }
0x10: {  	v35 =	vor.u32 $0xD000, v4;
	v36 =	vor.u32 $0xD800, v4;
	v37 =	vor.u32 $0xE000, v4;
	s8 =	sadd.s32 $0x20000, s10;
	s9 =	sadd.s32 $0x22000, s10;
	s10 =	smax.u32 s11, $0x1  }
0x11: {  	v38 =	vor.u32 $0xE800, v4;
	v39 =	vor.u32 $0xF000, v4;
	v40 =	vor.u32 $0xF800, v4;
	s11 =	simm.s32 $0x80;
	s5 =	sadd.s32 $0x16000, s7;
	s7 =	sadd.s32 s1, s31  }
.LBB2_1:
0x12: {  	[tilespmem:s4], [sflag:$0x1] =	stream.strided.gather [hbm4b:s5+s11], $0x2800, s12, s11, $0x38;
	[tilespmem:$0x17080] =	vst v63  }
0x13: {  	_ =	swait.ge [sflag:s13], $0x2800  }
0x14: {  	[sflag:s13] =	ssyncset.done $0x0  }
0x15: {  	[sflag:s13] =	ssyncadd.s32 $0xFFFFD800  }
0x16: {  	[tilespmem:s14], [sflag:$0x1] =	stream.linear.gather [hbm4b:s1+s4], $0x4000, $0x38;
	[tilespmem:$0x17080] =	vst v63  }
0x17: {  	_ =	swait.ge [sflag:s13], $0x4000  }
0x18: {  	[sflag:s13] =	ssyncset.done $0x0  }
0x19: {  	[sflag:s13] =	ssyncadd.s32 $0xFFFFC000  }
0x1a: {  	[spmem:s16], [sflag:s15] =	dma.local [hbm:s7], $0x80  }
0x1b: {  	_ =	swait.ge [sflag:s13], $0x80  }
0x1c: {  	[sflag:s13] =	ssyncset.done $0x0  }
0x1d: {  	[sflag:s13] =	ssyncadd.s32 $0xFFFFFF80  }
0x1e: {  	[tilespmem:$0x6800] =	vst v0  }
0x1f: {  	[tilespmem:$0x6810] =	vst v1  }
0x20: {  	[tilespmem:$0x6820] =	vst v2  }
0x21: {  	[tilespmem:$0x6830] =	vst v3  }
0x22: {  	[tilespmem:$0x6840] =	vst v5  }
0x23: {  	[tilespmem:$0x6850] =	vst v6  }
0x24: {  	[tilespmem:$0x6860] =	vst v7  }
0x25: {  	s21 =	simm.s32 $0x0;
	[tilespmem:$0x6870] =	vst v8  }
.LBB2_2:
0x26: {  	s22 =	sshra.s32 s21, $0x2  }
0x27: {  	v41 =	vld [tilespmem:s22+$0x0];
	_ =	sdelay $0x7  }
0x28: {  	[tilespmem:v41+s14+$0x0] =	vst.idx.add.f32.msk $0xffff, v9  }
0x29: {  	v41 =	vld [tilespmem:s22+$0x10];
	_ =	sdelay $0x7  }
0x2a: {  	[tilespmem:v41+s14+$0x0] =	vst.idx.add.f32.msk $0xffff, v9  }
0x2b: {  	v41 =	vld [tilespmem:s22+$0x20];
	_ =	sdelay $0x7  }
0x2c: {  	[tilespmem:v41+s14+$0x0] =	vst.idx.add.f32.msk $0xffff, v9  }
0x2d: {  	v41 =	vld [tilespmem:s22+$0x30];
	_ =	sdelay $0x7  }
0x2e: {  	[tilespmem:v41+s14+$0x0] =	vst.idx.add.f32.msk $0xffff, v9  }
0x2f: {  	v41 =	vld [tilespmem:s22+$0x40];
	_ =	sdelay $0x7  }
0x30: {  	[tilespmem:v41+s14+$0x0] =	vst.idx.add.f32.msk $0xffff, v9  }
0x31: {  	v41 =	vld [tilespmem:s22+$0x50];
	_ =	sdelay $0x7  }
0x32: {  	[tilespmem:v41+s14+$0x0] =	vst.idx.add.f32.msk $0xffff, v9  }
0x33: {  	v41 =	vld [tilespmem:s22+$0x60];
	_ =	sdelay $0x7  }
0x34: {  	[tilespmem:v41+s14+$0x0] =	vst.idx.add.f32.msk $0xffff, v9  }
0x35: {  	v41 =	vld [tilespmem:s22+$0x70];
	_ =	sdelay $0x2  }
0x36: {  	p0 =	sne.s32 s21, $0x9E00  }
.Ltmp0:
0x37: {  	_ = 	snop;
	(pc) =	sbr.rel @p0 .LBB2_2-.Ltmp0, $2  }
0x38: {  	_ =	sdelay $0x2  }
0x39: {  	s21 =	sadd.s32 $0x200, s21;
	[tilespmem:v41+s14+$0x0] =	vst.idx.add.f32.msk $0xffff, v9  }
0x3a: {  	[bflag:$0x0] =	sbarrier.arrive $0xFFFF  }
0x3b: {  	[spmem:s2] =	stream.indirect.scatter.add.f32 [tilespmem:s14], [sflag:$0x1], $0x80, s17, s11, $0xb8;
	[tilespmem:$0x17080] =	vst v63  }
0x3c: {  	_ =	swait.ge [sflag:s13], $0x4000  }
0x3d: {  	[sflag:s13] =	ssyncset.done $0x0  }
0x3e: {  	[sflag:s13] =	ssyncadd.s32 $0xFFFFC000  }
0x3f: {  	[bflag:$0x0] =	sbarrier.arrive $0xFFFF  }
0x40: {  	[tilespmem:s18], [sflag:$0x1] =	stream.linear.gather [spmem:s6], $0x400, $0x38;
	[tilespmem:$0x17080] =	vst v63  }
0x41: {  	_ =	swait.ge [sflag:s13], $0x400  }
0x42: {  	[sflag:s13] =	ssyncset.done $0x0  }
0x43: {  	[sflag:s13] =	ssyncadd.s32 $0xFFFFFC00  }
0x44: {  	v41 =	vld [tilespmem:$0x6880];
	_ =	sdelay $0x4  }
0x45: {  	[tilespmem:v4+s19+$0x0] =	vst.idx.msk $0xffff, v41  }
0x46: {  	v41 =	vld [tilespmem:$0x6890];
	_ =	sdelay $0x4  }
0x47: {  	[tilespmem:v10+s19+$0x0] =	vst.idx.msk $0xffff, v41  }
0x48: {  	v41 =	vld [tilespmem:$0x68A0];
	_ =	sdelay $0x4  }
0x49: {  	[tilespmem:v11+s19+$0x0] =	vst.idx.msk $0xffff, v41  }
0x4a: {  	v41 =	vld [tilespmem:$0x68B0];
	_ =	sdelay $0x4  }
0x4b: {  	[tilespmem:v12+s19+$0x0] =	vst.idx.msk $0xffff, v41  }
0x4c: {  	v41 =	vld [tilespmem:$0x68C0];
	_ =	sdelay $0x4  }
0x4d: {  	[tilespmem:v13+s19+$0x0] =	vst.idx.msk $0xffff, v41  }
0x4e: {  	v41 =	vld [tilespmem:$0x68D0];
	_ =	sdelay $0x4  }
0x4f: {  	[tilespmem:v14+s19+$0x0] =	vst.idx.msk $0xffff, v41  }
0x50: {  	v41 =	vld [tilespmem:$0x68E0];
	_ =	sdelay $0x4  }
0x51: {  	[tilespmem:v15+s19+$0x0] =	vst.idx.msk $0xffff, v41  }
0x52: {  	v41 =	vld [tilespmem:$0x68F0];
	_ =	sdelay $0x4  }
0x53: {  	[tilespmem:v16+s19+$0x0] =	vst.idx.msk $0xffff, v41  }
0x54: {  	v41 =	vld [tilespmem:$0x6900];
	_ =	sdelay $0x4  }
0x55: {  	[tilespmem:v17+s19+$0x0] =	vst.idx.msk $0xffff, v41  }
0x56: {  	v41 =	vld [tilespmem:$0x6910];
	_ =	sdelay $0x4  }
0x57: {  	[tilespmem:v18+s19+$0x0] =	vst.idx.msk $0xffff, v41  }
0x58: {  	v41 =	vld [tilespmem:$0x6920];
	_ =	sdelay $0x4  }
0x59: {  	[tilespmem:v19+s19+$0x0] =	vst.idx.msk $0xffff, v41  }
0x5a: {  	v41 =	vld [tilespmem:$0x6930];
	_ =	sdelay $0x4  }
0x5b: {  	[tilespmem:v20+s19+$0x0] =	vst.idx.msk $0xffff, v41  }
0x5c: {  	v41 =	vld [tilespmem:$0x6940];
	_ =	sdelay $0x4  }
0x5d: {  	[tilespmem:v21+s19+$0x0] =	vst.idx.msk $0xffff, v41  }
0x5e: {  	v41 =	vld [tilespmem:$0x6950];
	_ =	sdelay $0x4  }
0x5f: {  	[tilespmem:v22+s19+$0x0] =	vst.idx.msk $0xffff, v41  }
0x60: {  	v41 =	vld [tilespmem:$0x6960];
	_ =	sdelay $0x4  }
0x61: {  	[tilespmem:v23+s19+$0x0] =	vst.idx.msk $0xffff, v41  }
0x62: {  	v41 =	vld [tilespmem:$0x6970];
	_ =	sdelay $0x4  }
0x63: {  	[tilespmem:v24+s19+$0x0] =	vst.idx.msk $0xffff, v41  }
0x64: {  	v41 =	vld [tilespmem:$0x6980];
	_ =	sdelay $0x4  }
0x65: {  	[tilespmem:v25+s19+$0x0] =	vst.idx.msk $0xffff, v41  }
0x66: {  	v41 =	vld [tilespmem:$0x6990];
	_ =	sdelay $0x4  }
0x67: {  	[tilespmem:v26+s19+$0x0] =	vst.idx.msk $0xffff, v41  }
0x68: {  	v41 =	vld [tilespmem:$0x69A0];
	_ =	sdelay $0x4  }
0x69: {  	[tilespmem:v27+s19+$0x0] =	vst.idx.msk $0xffff, v41  }
0x6a: {  	v41 =	vld [tilespmem:$0x69B0];
	_ =	sdelay $0x4  }
0x6b: {  	[tilespmem:v28+s19+$0x0] =	vst.idx.msk $0xffff, v41  }
0x6c: {  	v41 =	vld [tilespmem:$0x69C0];
	_ =	sdelay $0x4  }
0x6d: {  	[tilespmem:v29+s19+$0x0] =	vst.idx.msk $0xffff, v41  }
0x6e: {  	v41 =	vld [tilespmem:$0x69D0];
	_ =	sdelay $0x4  }
0x6f: {  	[tilespmem:v30+s19+$0x0] =	vst.idx.msk $0xffff, v41  }
0x70: {  	v41 =	vld [tilespmem:$0x69E0];
	_ =	sdelay $0x4  }
0x71: {  	[tilespmem:v31+s19+$0x0] =	vst.idx.msk $0xffff, v41  }
0x72: {  	v41 =	vld [tilespmem:$0x69F0];
	_ =	sdelay $0x4  }
0x73: {  	[tilespmem:v32+s19+$0x0] =	vst.idx.msk $0xffff, v41  }
0x74: {  	v41 =	vld [tilespmem:$0x6A00];
	_ =	sdelay $0x4  }
0x75: {  	[tilespmem:v33+s19+$0x0] =	vst.idx.msk $0xffff, v41  }
0x76: {  	v41 =	vld [tilespmem:$0x6A10];
	_ =	sdelay $0x4  }
0x77: {  	[tilespmem:v34+s19+$0x0] =	vst.idx.msk $0xffff, v41  }
0x78: {  	v41 =	vld [tilespmem:$0x6A20];
	_ =	sdelay $0x4  }
0x79: {  	[tilespmem:v35+s19+$0x0] =	vst.idx.msk $0xffff, v41  }
0x7a: {  	v41 =	vld [tilespmem:$0x6A30];
	_ =	sdelay $0x4  }
0x7b: {  	[tilespmem:v36+s19+$0x0] =	vst.idx.msk $0xffff, v41  }
0x7c: {  	v41 =	vld [tilespmem:$0x6A40];
	_ =	sdelay $0x4  }
0x7d: {  	[tilespmem:v37+s19+$0x0] =	vst.idx.msk $0xffff, v41  }
0x7e: {  	v41 =	vld [tilespmem:$0x6A50];
	_ =	sdelay $0x4  }
0x7f: {  	[tilespmem:v38+s19+$0x0] =	vst.idx.msk $0xffff, v41  }
0x80: {  	v41 =	vld [tilespmem:$0x6A60];
	_ =	sdelay $0x4  }
0x81: {  	[tilespmem:v39+s19+$0x0] =	vst.idx.msk $0xffff, v41  }
0x82: {  	v41 =	vld [tilespmem:$0x6A70];
	_ =	sdelay $0x4  }
0x83: {  	[tilespmem:v40+s19+$0x0] =	vst.idx.msk $0xffff, v41  }
0x84: {  	[hbm4b:s8+s4] =	stream.linear.scatter [tilespmem:s19], [sflag:$0x1], $0x10000, $0x38;
	[tilespmem:$0x17080] =	vst v63  }
0x85: {  	_ =	swait.ge [sflag:s13], $0x10000  }
0x86: {  	[sflag:s13] =	ssyncset.done $0x0  }
0x87: {  	[sflag:s13] =	ssyncadd.s32 $0xFFFF0000  }
0x88: {  	v63 =	vld [tilespmem:$0x6A80];
	_ =	sdelay $0x4  }
0x89: {  	[tilespmem:v4+s19+$0x0] =	vst.idx.msk $0xffff, v63  }
0x8a: {  	v41 =	vld [tilespmem:$0x6A90];
	_ =	sdelay $0x4  }
0x8b: {  	[tilespmem:v10+s19+$0x0] =	vst.idx.msk $0xffff, v41  }
0x8c: {  	v41 =	vld [tilespmem:$0x6AA0];
	_ =	sdelay $0x4  }
0x8d: {  	[tilespmem:v11+s19+$0x0] =	vst.idx.msk $0xffff, v41  }
0x8e: {  	v41 =	vld [tilespmem:$0x6AB0];
	_ =	sdelay $0x4  }
0x8f: {  	[tilespmem:v12+s19+$0x0] =	vst.idx.msk $0xffff, v41  }
0x90: {  	v41 =	vld [tilespmem:$0x6AC0];
	_ =	sdelay $0x4  }
0x91: {  	[tilespmem:v13+s19+$0x0] =	vst.idx.msk $0xffff, v41  }
0x92: {  	v41 =	vld [tilespmem:$0x6AD0];
	_ =	sdelay $0x4  }
0x93: {  	[tilespmem:v14+s19+$0x0] =	vst.idx.msk $0xffff, v41  }
0x94: {  	v41 =	vld [tilespmem:$0x6AE0];
	_ =	sdelay $0x4  }
0x95: {  	[tilespmem:v15+s19+$0x0] =	vst.idx.msk $0xffff, v41  }
0x96: {  	v41 =	vld [tilespmem:$0x6AF0];
	_ =	sdelay $0x4  }
0x97: {  	[tilespmem:v16+s19+$0x0] =	vst.idx.msk $0xffff, v41  }
0x98: {  	v41 =	vld [tilespmem:$0x6B00];
	_ =	sdelay $0x4  }
0x99: {  	[tilespmem:v17+s19+$0x0] =	vst.idx.msk $0xffff, v41  }
0x9a: {  	v41 =	vld [tilespmem:$0x6B10];
	_ =	sdelay $0x4  }
0x9b: {  	[tilespmem:v18+s19+$0x0] =	vst.idx.msk $0xffff, v41  }
0x9c: {  	v41 =	vld [tilespmem:$0x6B20];
	_ =	sdelay $0x4  }
0x9d: {  	[tilespmem:v19+s19+$0x0] =	vst.idx.msk $0xffff, v41  }
0x9e: {  	v41 =	vld [tilespmem:$0x6B30];
	_ =	sdelay $0x4  }
0x9f: {  	[tilespmem:v20+s19+$0x0] =	vst.idx.msk $0xffff, v41  }
0xa0: {  	v41 =	vld [tilespmem:$0x6B40];
	_ =	sdelay $0x4  }
0xa1: {  	[tilespmem:v21+s19+$0x0] =	vst.idx.msk $0xffff, v41  }
0xa2: {  	v41 =	vld [tilespmem:$0x6B50];
	_ =	sdelay $0x4  }
0xa3: {  	[tilespmem:v22+s19+$0x0] =	vst.idx.msk $0xffff, v41  }
0xa4: {  	v41 =	vld [tilespmem:$0x6B60];
	_ =	sdelay $0x4  }
0xa5: {  	[tilespmem:v23+s19+$0x0] =	vst.idx.msk $0xffff, v41  }
0xa6: {  	v41 =	vld [tilespmem:$0x6B70];
	_ =	sdelay $0x4  }
0xa7: {  	[tilespmem:v24+s19+$0x0] =	vst.idx.msk $0xffff, v41  }
0xa8: {  	v41 =	vld [tilespmem:$0x6B80];
	_ =	sdelay $0x4  }
0xa9: {  	[tilespmem:v25+s19+$0x0] =	vst.idx.msk $0xffff, v41  }
0xaa: {  	v41 =	vld [tilespmem:$0x6B90];
	_ =	sdelay $0x4  }
0xab: {  	[tilespmem:v26+s19+$0x0] =	vst.idx.msk $0xffff, v41  }
0xac: {  	v41 =	vld [tilespmem:$0x6BA0];
	_ =	sdelay $0x4  }
0xad: {  	[tilespmem:v27+s19+$0x0] =	vst.idx.msk $0xffff, v41  }
0xae: {  	v41 =	vld [tilespmem:$0x6BB0];
	_ =	sdelay $0x4  }
0xaf: {  	[tilespmem:v28+s19+$0x0] =	vst.idx.msk $0xffff, v41  }
0xb0: {  	v41 =	vld [tilespmem:$0x6BC0];
	_ =	sdelay $0x4  }
0xb1: {  	[tilespmem:v29+s19+$0x0] =	vst.idx.msk $0xffff, v41  }
0xb2: {  	v41 =	vld [tilespmem:$0x6BD0];
	_ =	sdelay $0x4  }
0xb3: {  	[tilespmem:v30+s19+$0x0] =	vst.idx.msk $0xffff, v41  }
0xb4: {  	v41 =	vld [tilespmem:$0x6BE0];
	_ =	sdelay $0x4  }
0xb5: {  	[tilespmem:v31+s19+$0x0] =	vst.idx.msk $0xffff, v41  }
0xb6: {  	v41 =	vld [tilespmem:$0x6BF0];
	_ =	sdelay $0x4  }
0xb7: {  	[tilespmem:v32+s19+$0x0] =	vst.idx.msk $0xffff, v41  }
0xb8: {  	v41 =	vld [tilespmem:$0x6C00];
	_ =	sdelay $0x4  }
0xb9: {  	[tilespmem:v33+s19+$0x0] =	vst.idx.msk $0xffff, v41  }
0xba: {  	v41 =	vld [tilespmem:$0x6C10];
	_ =	sdelay $0x4  }
0xbb: {  	[tilespmem:v34+s19+$0x0] =	vst.idx.msk $0xffff, v41  }
0xbc: {  	v41 =	vld [tilespmem:$0x6C20];
	_ =	sdelay $0x4  }
0xbd: {  	[tilespmem:v35+s19+$0x0] =	vst.idx.msk $0xffff, v41  }
0xbe: {  	v41 =	vld [tilespmem:$0x6C30];
	_ =	sdelay $0x4  }
0xbf: {  	[tilespmem:v36+s19+$0x0] =	vst.idx.msk $0xffff, v41  }
0xc0: {  	v41 =	vld [tilespmem:$0x6C40];
	_ =	sdelay $0x4  }
0xc1: {  	[tilespmem:v37+s19+$0x0] =	vst.idx.msk $0xffff, v41  }
0xc2: {  	v41 =	vld [tilespmem:$0x6C50];
	_ =	sdelay $0x4  }
0xc3: {  	[tilespmem:v38+s19+$0x0] =	vst.idx.msk $0xffff, v41  }
0xc4: {  	v41 =	vld [tilespmem:$0x6C60];
	_ =	sdelay $0x4  }
0xc5: {  	[tilespmem:v39+s19+$0x0] =	vst.idx.msk $0xffff, v41  }
0xc6: {  	v41 =	vld [tilespmem:$0x6C70];
	_ =	sdelay $0x2  }
0xc7: {  	s20 =	sadd.s32 $0x1, s20  }
0xc8: {  	p0 =	sne.s32 s20, s10  }
.Ltmp1:
0xc9: {  	[tilespmem:v40+s19+$0x0] =	vst.idx.msk $0xffff, v41;
	(pc) =	sbr.rel @p0 .LBB2_1-.Ltmp1, $4  }
0xca: {  	[hbm4b:s9+s4] =	stream.linear.scatter [tilespmem:s19], [sflag:$0x1], $0x10000, $0x38;
	[tilespmem:$0x17080] =	vst v63  }
0xcb: {  	_ =	swait.ge [sflag:s13], $0x10000  }
0xcc: {  	[sflag:s13] =	ssyncset.done $0x0  }
0xcd: {  	[sflag:s13] =	ssyncadd.s32 $0xFFFF0000  }
0xce: {  	_ =	sfence.sel $0x180000  }
0xcf: {  	[bflag:$0x0] =	sbarrier.arrive $0xFFFF  }
0xd0: {  	p0 =	sne.s32 s0, $0x0;
	_ =	strace $0x90000047  }
0xd1: {  	s0 =	sadd.s32 @!p0 $0x100000, s3;
	[bflag:$0x2] =	sbarrier.arrive $0xFFFF  }
0xd2: {  	[sflag:s0] =	ssyncadd.tile.s32 @!p0 $0x1;
	_ =	shalt  }
.Lfunc_end2:
_tile_overlayer_lowered:
.L_overlay_start_2:
0xd3: {  	(tag) =	ssettag $0x2  }
0xd4: {  	s0 =	rddreg [dreg:$0x0];
	s2 =	stileid.u32  }
0xd5: {  	s1 =	rddreg [dreg:$0x1];
	p0 =	sne.s32 s2, $0x0  }
0xd6: {  	s3 =	rddreg [dreg:$0x2];
	[bflag:$0x3] =	sbarrier.arrive $0xFFFF;
	s2 =	simm.s32 @!p0 $0x1C01  }
0xd7: {  	[timem:s3], [sflag:s2] =	dma.local @!p0 [hbm:s0], s1  }
0xd8: {  	s0 =	simm.s32 @!p0 $0x1  }
0xd9: {  	_ =	swait.ge @!p0 [sflag:s0], s1  }
0xda: {  	s1 =	ssub.s32 @!p0 $0x0, s1;
	[sflag:s0] =	ssyncset.done @!p0 $0x0  }
0xdb: {  	[sflag:s0] =	ssyncadd.s32 @!p0 s1  }
0xdc: {  	[bflag:$0x3] =	sbarrier.arrive $0xFFFF  }
0xdd: {  	_ =	shalt  }

</sc_bundles>
